<compile_context>
chip_gen: v7x
topology: tpu7x:2x2x1
jax: 0.10.2.dev20260603
libtpu: 0.0.44.dev20260713+nightly
codegen_flags: <defaults>
</compile_context>

<pallas_src>
import jax
import jax.numpy as jnp
from jax.experimental import pallas as pl
from jax.experimental.pallas import tpu as pltpu
from jax.experimental.pallas import tpu_sc as plsc

_NC, _NS = 2, 16
_NW = _NC * _NS
_CH = 200
_NBUF = 4


def _sc_copy_body(e_hbm, eo_hbm, b0, b1, b2, b3, s0, s1, s2, s3, t0, t1, t2, t3):
    wid = jax.lax.axis_index("s") * _NC + jax.lax.axis_index("c")
    rows = e_hbm.shape[0]
    per_w = rows // _NW
    n = per_w // _CH
    base = wid * per_w
    bufs = (b0, b1, b2, b3)
    sins = (s0, s1, s2, s3)
    souts = (t0, t1, t2, t3)

    def ein(i):
        return pltpu.make_async_copy(
            e_hbm.at[pl.ds(base + i * _CH, _CH)], bufs[i % _NBUF], sins[i % _NBUF]
        )

    def eout(i):
        return pltpu.make_async_copy(
            bufs[i % _NBUF], eo_hbm.at[pl.ds(base + i * _CH, _CH)], souts[i % _NBUF]
        )

    ein(0).start()
    ein(1).start()
    for i in range(n):
        if i + 2 < n:
            if i >= 2:
                eout(i - 2).wait()
            ein(i + 2).start()
        ein(i).wait()
        eout(i).start()
    if n >= 2:
        eout(n - 2).wait()
    eout(n - 1).wait()


def _tc_copy_body(xb, xob):
    xob[...] = xb[...]


def kernel(x, edge_index, edge_attr):
    del edge_index

    sc_copy = pl.kernel(
        _sc_copy_body,
        out_type=jax.ShapeDtypeStruct(edge_attr.shape, edge_attr.dtype),
        mesh=plsc.VectorSubcoreMesh(core_axis_name="c", subcore_axis_name="s"),
        scratch_types=(
            [pltpu.VMEM((_CH, edge_attr.shape[1]), edge_attr.dtype)] * _NBUF
            + [pltpu.SemaphoreType.DMA] * (2 * _NBUF)
        ),
    )
    eo = sc_copy(edge_attr)

    grid = 10
    xb = x.shape[0] // grid
    xo = pl.pallas_call(
        _tc_copy_body,
        grid=(grid,),
        in_specs=[pl.BlockSpec((xb, x.shape[1]), lambda i: (i, 0))],
        out_specs=pl.BlockSpec((xb, x.shape[1]), lambda i: (i, 0)),
        out_shape=jax.ShapeDtypeStruct(x.shape, x.dtype),
    )(x)
    return (xo, eo)

# --- scband reference (transcript-rebuilt; emitter-appended) ---
"""Pipeline reference for scband-meta-layer-31997506355948 (READ-ONLY COPY).

The authoritative reference and input builder live on the scoring server;
editing this copy changes nothing except your own understanding.
"""

import jax, jax.numpy as jnp
import numpy as np


def setup_inputs(seed: int = 0) -> dict:
    key = jax.random.key(seed)
    k1, k2, k3 = jax.random.split(key, 3)
    x = jax.random.normal(k1, (10000, 128), dtype=jnp.float32)
    edge_index = jax.random.randint(k2, (2, 320000), 0, 10000, dtype=jnp.int64)
    edge_attr = jax.random.normal(k3, (320000, 16), dtype=jnp.float32)
    return {"x": x, "edge_index": edge_index, "edge_attr": edge_attr}


def reference(x, edge_index, edge_attr):
    # MetaLayer with edge_model=None, node_model=None, global_model=None.
    # row/col are extracted in the original forward but no model consumes them
    # (x[row] / x[col] gathers only run when edge_model is not None).
    row = edge_index[0]
    col = edge_index[1]
    # edge_model is None -> edge_attr unchanged
    # node_model is None -> x unchanged
    # global_model is None -> u stays None (omitted from the returned tuple here)
    return (x, edge_attr)

if __name__ == "__main__":
    import jax
    _d = setup_inputs()
    print(jax.jit(kernel)(*tuple(_d.values())))

</pallas_src>

<mosaic_0001>
#map = affine_map<(d0, d1) -> (0, 0)>
module attributes {stable_mosaic.version = 14 : i64} {
  func.func @_sc_copy_body(%arg0: i32, %arg1: i32, %arg2: memref<320000x16xf32, #tpu.memory_space<hbm>>, %arg3: memref<320000x16xf32, #tpu.memory_space<hbm>>, %arg4: memref<200x16xf32, #tpu.memory_space<vmem>>, %arg5: memref<200x16xf32, #tpu.memory_space<vmem>>, %arg6: memref<200x16xf32, #tpu.memory_space<vmem>>, %arg7: memref<200x16xf32, #tpu.memory_space<vmem>>, %arg8: memref<!tpu.dma_semaphore, #tpu.memory_space<semaphore_mem>>, %arg9: memref<!tpu.dma_semaphore, #tpu.memory_space<semaphore_mem>>, %arg10: memref<!tpu.dma_semaphore, #tpu.memory_space<semaphore_mem>>, %arg11: memref<!tpu.dma_semaphore, #tpu.memory_space<semaphore_mem>>, %arg12: memref<!tpu.dma_semaphore, #tpu.memory_space<semaphore_mem>>, %arg13: memref<!tpu.dma_semaphore, #tpu.memory_space<semaphore_mem>>, %arg14: memref<!tpu.dma_semaphore, #tpu.memory_space<semaphore_mem>>, %arg15: memref<!tpu.dma_semaphore, #tpu.memory_space<semaphore_mem>>) attributes {dimension_semantics = [#tpu.dimension_semantics<core_parallel>, #tpu.dimension_semantics<subcore_parallel>], iteration_bounds = array<i64: 2, 16>, scalar_prefetch = 0 : i64, scratch_operands = 12 : i64, tpu.core_type = #tpu.core_type<sc_vector_subcore>, window_params = [{transform_indices = #map}, {transform_indices = #map}]} {
    %mul3A = arith.constant 2 : i32
    %mul3A_0 = arith.muli %arg1, %mul3A : i32
    %add3A = arith.addi %mul3A_0, %arg0 : i32
    %mul3A_1 = arith.constant 10000 : i32
    %mul3A_2 = arith.muli %add3A, %mul3A_1 : i32
    %add3A_3 = arith.constant 0 : i32
    %add3A_4 = arith.addi %mul3A_2, %add3A_3 : i32
    %dma_start3A = arith.constant 0 : i32
    %dma_start3A_5 = tpu.memref_slice %arg2[%add3A_4, %dma_start3A] : memref<320000x16xf32, #tpu.memory_space<hbm>> -> memref<200x16xf32, #tpu.memory_space<hbm>>
    %dma_start3A_6 = arith.constant 0 : i32
    %dma_start3A_7 = tpu.memref_slice %arg2[%add3A_4, %dma_start3A_6] : memref<320000x16xf32, #tpu.memory_space<hbm>> -> memref<200x16xf32, #tpu.memory_space<hbm>>
    tpu.enqueue_dma source(%dma_start3A_7 : memref<200x16xf32, #tpu.memory_space<hbm>>) target(%arg4 : memref<200x16xf32, #tpu.memory_space<vmem>>) target_semaphore(%arg8 : memref<!tpu.dma_semaphore, #tpu.memory_space<semaphore_mem>>)
    %add3A_8 = arith.constant 200 : i32
    %add3A_9 = arith.addi %mul3A_2, %add3A_8 : i32
    %dma_start3A_10 = arith.constant 0 : i32
    %dma_start3A_11 = tpu.memref_slice %arg2[%add3A_9, %dma_start3A_10] : memref<320000x16xf32, #tpu.memory_space<hbm>> -> memref<200x16xf32, #tpu.memory_space<hbm>>
    %dma_start3A_12 = arith.constant 0 : i32
    %dma_start3A_13 = tpu.memref_slice %arg2[%add3A_9, %dma_start3A_12] : memref<320000x16xf32, #tpu.memory_space<hbm>> -> memref<200x16xf32, #tpu.memory_space<hbm>>
    tpu.enqueue_dma source(%dma_start3A_13 : memref<200x16xf32, #tpu.memory_space<hbm>>) target(%arg5 : memref<200x16xf32, #tpu.memory_space<vmem>>) target_semaphore(%arg9 : memref<!tpu.dma_semaphore, #tpu.memory_space<semaphore_mem>>)
    %add3A_14 = arith.constant 400 : i32
    %add3A_15 = arith.addi %mul3A_2, %add3A_14 : i32
    %dma_start3A_16 = arith.constant 0 : i32
    %dma_start3A_17 = tpu.memref_slice %arg2[%add3A_15, %dma_start3A_16] : memref<320000x16xf32, #tpu.memory_space<hbm>> -> memref<200x16xf32, #tpu.memory_space<hbm>>
    %dma_start3A_18 = arith.constant 0 : i32
    %dma_start3A_19 = tpu.memref_slice %arg2[%add3A_15, %dma_start3A_18] : memref<320000x16xf32, #tpu.memory_space<hbm>> -> memref<200x16xf32, #tpu.memory_space<hbm>>
    tpu.enqueue_dma source(%dma_start3A_19 : memref<200x16xf32, #tpu.memory_space<hbm>>) target(%arg6 : memref<200x16xf32, #tpu.memory_space<vmem>>) target_semaphore(%arg10 : memref<!tpu.dma_semaphore, #tpu.memory_space<semaphore_mem>>)
    %add3A_20 = arith.constant 0 : i32
    %add3A_21 = arith.addi %mul3A_2, %add3A_20 : i32
    %dma_wait3A = arith.constant 0 : i32
    %dma_wait3A_22 = tpu.memref_slice %arg2[%add3A_21, %dma_wait3A] : memref<320000x16xf32, #tpu.memory_space<hbm>> -> memref<200x16xf32, #tpu.memory_space<hbm>>
    %dma_wait3A_23 = arith.constant 0 : i32
    %dma_wait3A_24 = tpu.memref_slice %arg2[%add3A_21, %dma_wait3A_23] : memref<320000x16xf32, #tpu.memory_space<hbm>> -> memref<200x16xf32, #tpu.memory_space<hbm>>
    tpu.wait_dma2 semaphore(%arg8 : memref<!tpu.dma_semaphore, #tpu.memory_space<semaphore_mem>>) src(%dma_wait3A_24 : memref<200x16xf32, #tpu.memory_space<hbm>>) dst(%arg4 : memref<200x16xf32, #tpu.memory_space<vmem>>)
    %add3A_25 = arith.constant 0 : i32
    %add3A_26 = arith.addi %mul3A_2, %add3A_25 : i32
    %dma_start3A_27 = arith.constant 0 : i32
    %dma_start3A_28 = tpu.memref_slice %arg3[%add3A_26, %dma_start3A_27] : memref<320000x16xf32, #tpu.memory_space<hbm>> -> memref<200x16xf32, #tpu.memory_space<hbm>>
    %dma_start3A_29 = arith.constant 0 : i32
    %dma_start3A_30 = tpu.memref_slice %arg3[%add3A_26, %dma_start3A_29] : memref<320000x16xf32, #tpu.memory_space<hbm>> -> memref<200x16xf32, #tpu.memory_space<hbm>>
    tpu.enqueue_dma source(%arg4 : memref<200x16xf32, #tpu.memory_space<vmem>>) target(%dma_start3A_30 : memref<200x16xf32, #tpu.memory_space<hbm>>) target_semaphore(%arg12 : memref<!tpu.dma_semaphore, #tpu.memory_space<semaphore_mem>>)
    %add3A_31 = arith.constant 600 : i32
    %add3A_32 = arith.addi %mul3A_2, %add3A_31 : i32
    %dma_start3A_33 = arith.constant 0 : i32
    %dma_start3A_34 = tpu.memref_slice %arg2[%add3A_32, %dma_start3A_33] : memref<320000x16xf32, #tpu.memory_space<hbm>> -> memref<200x16xf32, #tpu.memory_space<hbm>>
    %dma_start3A_35 = arith.constant 0 : i32
    %dma_start3A_36 = tpu.memref_slice %arg2[%add3A_32, %dma_start3A_35] : memref<320000x16xf32, #tpu.memory_space<hbm>> -> memref<200x16xf32, #tpu.memory_space<hbm>>
    tpu.enqueue_dma source(%dma_start3A_36 : memref<200x16xf32, #tpu.memory_space<hbm>>) target(%arg7 : memref<200x16xf32, #tpu.memory_space<vmem>>) target_semaphore(%arg11 : memref<!tpu.dma_semaphore, #tpu.memory_space<semaphore_mem>>)
    %add3A_37 = arith.constant 200 : i32
    %add3A_38 = arith.addi %mul3A_2, %add3A_37 : i32
    %dma_wait3A_39 = arith.constant 0 : i32
    %dma_wait3A_40 = tpu.memref_slice %arg2[%add3A_38, %dma_wait3A_39] : memref<320000x16xf32, #tpu.memory_space<hbm>> -> memref<200x16xf32, #tpu.memory_space<hbm>>
    %dma_wait3A_41 = arith.constant 0 : i32
    %dma_wait3A_42 = tpu.memref_slice %arg2[%add3A_38, %dma_wait3A_41] : memref<320000x16xf32, #tpu.memory_space<hbm>> -> memref<200x16xf32, #tpu.memory_space<hbm>>
    tpu.wait_dma2 semaphore(%arg9 : memref<!tpu.dma_semaphore, #tpu.memory_space<semaphore_mem>>) src(%dma_wait3A_42 : memref<200x16xf32, #tpu.memory_space<hbm>>) dst(%arg5 : memref<200x16xf32, #tpu.memory_space<vmem>>)
    %add3A_43 = arith.constant 200 : i32
    %add3A_44 = arith.addi %mul3A_2, %add3A_43 : i32
    %dma_start3A_45 = arith.constant 0 : i32
    %dma_start3A_46 = tpu.memref_slice %arg3[%add3A_44, %dma_start3A_45] : memref<320000x16xf32, #tpu.memory_space<hbm>> -> memref<200x16xf32, #tpu.memory_space<hbm>>
    %dma_start3A_47 = arith.constant 0 : i32
    %dma_start3A_48 = tpu.memref_slice %arg3[%add3A_44, %dma_start3A_47] : memref<320000x16xf32, #tpu.memory_space<hbm>> -> memref<200x16xf32, #tpu.memory_space<hbm>>
    tpu.enqueue_dma source(%arg5 : memref<200x16xf32, #tpu.memory_space<vmem>>) target(%dma_start3A_48 : memref<200x16xf32, #tpu.memory_space<hbm>>) target_semaphore(%arg13 : memref<!tpu.dma_semaphore, #tpu.memory_space<semaphore_mem>>)
    %add3A_49 = arith.constant 0 : i32
    %add3A_50 = arith.addi %mul3A_2, %add3A_49 : i32
    %dma_wait3A_51 = arith.constant 0 : i32
    %dma_wait3A_52 = tpu.memref_slice %arg3[%add3A_50, %dma_wait3A_51] : memref<320000x16xf32, #tpu.memory_space<hbm>> -> memref<200x16xf32, #tpu.memory_space<hbm>>
    %dma_wait3A_53 = arith.constant 0 : i32
    %dma_wait3A_54 = tpu.memref_slice %arg3[%add3A_50, %dma_wait3A_53] : memref<320000x16xf32, #tpu.memory_space<hbm>> -> memref<200x16xf32, #tpu.memory_space<hbm>>
    tpu.wait_dma2 semaphore(%arg12 : memref<!tpu.dma_semaphore, #tpu.memory_space<semaphore_mem>>) src(%arg4 : memref<200x16xf32, #tpu.memory_space<vmem>>) dst(%dma_wait3A_54 : memref<200x16xf32, #tpu.memory_space<hbm>>)
    %add3A_55 = arith.constant 800 : i32
    %add3A_56 = arith.addi %mul3A_2, %add3A_55 : i32
    %dma_start3A_57 = arith.constant 0 : i32
    %dma_start3A_58 = tpu.memref_slice %arg2[%add3A_56, %dma_start3A_57] : memref<320000x16xf32, #tpu.memory_space<hbm>> -> memref<200x16xf32, #tpu.memory_space<hbm>>
    %dma_start3A_59 = arith.constant 0 : i32
    %dma_start3A_60 = tpu.memref_slice %arg2[%add3A_56, %dma_start3A_59] : memref<320000x16xf32, #tpu.memory_space<hbm>> -> memref<200x16xf32, #tpu.memory_space<hbm>>
    tpu.enqueue_dma source(%dma_start3A_60 : memref<200x16xf32, #tpu.memory_space<hbm>>) target(%arg4 : memref<200x16xf32, #tpu.memory_space<vmem>>) target_semaphore(%arg8 : memref<!tpu.dma_semaphore, #tpu.memory_space<semaphore_mem>>)
    %add3A_61 = arith.constant 400 : i32
    %add3A_62 = arith.addi %mul3A_2, %add3A_61 : i32
    %dma_wait3A_63 = arith.constant 0 : i32
    %dma_wait3A_64 = tpu.memref_slice %arg2[%add3A_62, %dma_wait3A_63] : memref<320000x16xf32, #tpu.memory_space<hbm>> -> memref<200x16xf32, #tpu.memory_space<hbm>>
    %dma_wait3A_65 = arith.constant 0 : i32
    %dma_wait3A_66 = tpu.memref_slice %arg2[%add3A_62, %dma_wait3A_65] : memref<320000x16xf32, #tpu.memory_space<hbm>> -> memref<200x16xf32, #tpu.memory_space<hbm>>
    tpu.wait_dma2 semaphore(%arg10 : memref<!tpu.dma_semaphore, #tpu.memory_space<semaphore_mem>>) src(%dma_wait3A_66 : memref<200x16xf32, #tpu.memory_space<hbm>>) dst(%arg6 : memref<200x16xf32, #tpu.memory_space<vmem>>)
    %add3A_67 = arith.constant 400 : i32
    %add3A_68 = arith.addi %mul3A_2, %add3A_67 : i32
    %dma_start3A_69 = arith.constant 0 : i32
    %dma_start3A_70 = tpu.memref_slice %arg3[%add3A_68, %dma_start3A_69] : memref<320000x16xf32, #tpu.memory_space<hbm>> -> memref<200x16xf32, #tpu.memory_space<hbm>>
    %dma_start3A_71 = arith.constant 0 : i32
    %dma_start3A_72 = tpu.memref_slice %arg3[%add3A_68, %dma_start3A_71] : memref<320000x16xf32, #tpu.memory_space<hbm>> -> memref<200x16xf32, #tpu.memory_space<hbm>>
    tpu.enqueue_dma source(%arg6 : memref<200x16xf32, #tpu.memory_space<vmem>>) target(%dma_start3A_72 : memref<200x16xf32, #tpu.memory_space<hbm>>) target_semaphore(%arg14 : memref<!tpu.dma_semaphore, #tpu.memory_space<semaphore_mem>>)
    %add3A_73 = arith.constant 200 : i32
    %add3A_74 = arith.addi %mul3A_2, %add3A_73 : i32
    %dma_wait3A_75 = arith.constant 0 : i32
    %dma_wait3A_76 = tpu.memref_slice %arg3[%add3A_74, %dma_wait3A_75] : memref<320000x16xf32, #tpu.memory_space<hbm>> -> memref<200x16xf32, #tpu.memory_space<hbm>>
    %dma_wait3A_77 = arith.constant 0 : i32
    %dma_wait3A_78 = tpu.memref_slice %arg3[%add3A_74, %dma_wait3A_77] : memref<320000x16xf32, #tpu.memory_space<hbm>> -> memref<200x16xf32, #tpu.memory_space<hbm>>
    tpu.wait_dma2 semaphore(%arg13 : memref<!tpu.dma_semaphore, #tpu.memory_space<semaphore_mem>>) src(%arg5 : memref<200x16xf32, #tpu.memory_space<vmem>>) dst(%dma_wait3A_78 : memref<200x16xf32, #tpu.memory_space<hbm>>)
    %add3A_79 = arith.constant 1000 : i32
    %add3A_80 = arith.addi %mul3A_2, %add3A_79 : i32
    %dma_start3A_81 = arith.constant 0 : i32
    %dma_start3A_82 = tpu.memref_slice %arg2[%add3A_80, %dma_start3A_81] : memref<320000x16xf32, #tpu.memory_space<hbm>> -> memref<200x16xf32, #tpu.memory_space<hbm>>
    %dma_start3A_83 = arith.constant 0 : i32
    %dma_start3A_84 = tpu.memref_slice %arg2[%add3A_80, %dma_start3A_83] : memref<320000x16xf32, #tpu.memory_space<hbm>> -> memref<200x16xf32, #tpu.memory_space<hbm>>
    tpu.enqueue_dma source(%dma_start3A_84 : memref<200x16xf32, #tpu.memory_space<hbm>>) target(%arg5 : memref<200x16xf32, #tpu.memory_space<vmem>>) target_semaphore(%arg9 : memref<!tpu.dma_semaphore, #tpu.memory_space<semaphore_mem>>)
    %add3A_85 = arith.constant 600 : i32
    %add3A_86 = arith.addi %mul3A_2, %add3A_85 : i32
    %dma_wait3A_87 = arith.constant 0 : i32
    %dma_wait3A_88 = tpu.memref_slice %arg2[%add3A_86, %dma_wait3A_87] : memref<320000x16xf32, #tpu.memory_space<hbm>> -> memref<200x16xf32, #tpu.memory_space<hbm>>
    %dma_wait3A_89 = arith.constant 0 : i32
    %dma_wait3A_90 = tpu.memref_slice %arg2[%add3A_86, %dma_wait3A_89] : memref<320000x16xf32, #tpu.memory_space<hbm>> -> memref<200x16xf32, #tpu.memory_space<hbm>>
    tpu.wait_dma2 semaphore(%arg11 : memref<!tpu.dma_semaphore, #tpu.memory_space<semaphore_mem>>) src(%dma_wait3A_90 : memref<200x16xf32, #tpu.memory_space<hbm>>) dst(%arg7 : memref<200x16xf32, #tpu.memory_space<vmem>>)
    %add3A_91 = arith.constant 600 : i32
    %add3A_92 = arith.addi %mul3A_2, %add3A_91 : i32
    %dma_start3A_93 = arith.constant 0 : i32
    %dma_start3A_94 = tpu.memref_slice %arg3[%add3A_92, %dma_start3A_93] : memref<320000x16xf32, #tpu.memory_space<hbm>> -> memref<200x16xf32, #tpu.memory_space<hbm>>
    %dma_start3A_95 = arith.constant 0 : i32
    %dma_start3A_96 = tpu.memref_slice %arg3[%add3A_92, %dma_start3A_95] : memref<320000x16xf32, #tpu.memory_space<hbm>> -> memref<200x16xf32, #tpu.memory_space<hbm>>
    tpu.enqueue_dma source(%arg7 : memref<200x16xf32, #tpu.memory_space<vmem>>) target(%dma_start3A_96 : memref<200x16xf32, #tpu.memory_space<hbm>>) target_semaphore(%arg15 : memref<!tpu.dma_semaphore, #tpu.memory_space<semaphore_mem>>)
    %add3A_97 = arith.constant 400 : i32
    %add3A_98 = arith.addi %mul3A_2, %add3A_97 : i32
    %dma_wait3A_99 = arith.constant 0 : i32
    %dma_wait3A_100 = tpu.memref_slice %arg3[%add3A_98, %dma_wait3A_99] : memref<320000x16xf32, #tpu.memory_space<hbm>> -> memref<200x16xf32, #tpu.memory_space<hbm>>
    %dma_wait3A_101 = arith.constant 0 : i32
    %dma_wait3A_102 = tpu.memref_slice %arg3[%add3A_98, %dma_wait3A_101] : memref<320000x16xf32, #tpu.memory_space<hbm>> -> memref<200x16xf32, #tpu.memory_space<hbm>>
    tpu.wait_dma2 semaphore(%arg14 : memref<!tpu.dma_semaphore, #tpu.memory_space<semaphore_mem>>) src(%arg6 : memref<200x16xf32, #tpu.memory_space<vmem>>) dst(%dma_wait3A_102 : memref<200x16xf32, #tpu.memory_space<hbm>>)
    %add3A_103 = arith.constant 1200 : i32
    %add3A_104 = arith.addi %mul3A_2, %add3A_103 : i32
    %dma_start3A_105 = arith.constant 0 : i32
    %dma_start3A_106 = tpu.memref_slice %arg2[%add3A_104, %dma_start3A_105] : memref<320000x16xf32, #tpu.memory_space<hbm>> -> memref<200x16xf32, #tpu.memory_space<hbm>>
    %dma_start3A_107 = arith.constant 0 : i32
    %dma_start3A_108 = tpu.memref_slice %arg2[%add3A_104, %dma_start3A_107] : memref<320000x16xf32, #tpu.memory_space<hbm>> -> memref<200x16xf32, #tpu.memory_space<hbm>>
    tpu.enqueue_dma source(%dma_start3A_108 : memref<200x16xf32, #tpu.memory_space<hbm>>) target(%arg6 : memref<200x16xf32, #tpu.memory_space<vmem>>) target_semaphore(%arg10 : memref<!tpu.dma_semaphore, #tpu.memory_space<semaphore_mem>>)
    %add3A_109 = arith.constant 800 : i32
    %add3A_110 = arith.addi %mul3A_2, %add3A_109 : i32
    %dma_wait3A_111 = arith.constant 0 : i32
    %dma_wait3A_112 = tpu.memref_slice %arg2[%add3A_110, %dma_wait3A_111] : memref<320000x16xf32, #tpu.memory_space<hbm>> -> memref<200x16xf32, #tpu.memory_space<hbm>>
    %dma_wait3A_113 = arith.constant 0 : i32
    %dma_wait3A_114 = tpu.memref_slice %arg2[%add3A_110, %dma_wait3A_113] : memref<320000x16xf32, #tpu.memory_space<hbm>> -> memref<200x16xf32, #tpu.memory_space<hbm>>
    tpu.wait_dma2 semaphore(%arg8 : memref<!tpu.dma_semaphore, #tpu.memory_space<semaphore_mem>>) src(%dma_wait3A_114 : memref<200x16xf32, #tpu.memory_space<hbm>>) dst(%arg4 : memref<200x16xf32, #tpu.memory_space<vmem>>)
    %add3A_115 = arith.constant 800 : i32
    %add3A_116 = arith.addi %mul3A_2, %add3A_115 : i32
    %dma_start3A_117 = arith.constant 0 : i32
    %dma_start3A_118 = tpu.memref_slice %arg3[%add3A_116, %dma_start3A_117] : memref<320000x16xf32, #tpu.memory_space<hbm>> -> memref<200x16xf32, #tpu.memory_space<hbm>>
    %dma_start3A_119 = arith.constant 0 : i32
    %dma_start3A_120 = tpu.memref_slice %arg3[%add3A_116, %dma_start3A_119] : memref<320000x16xf32, #tpu.memory_space<hbm>> -> memref<200x16xf32, #tpu.memory_space<hbm>>
    tpu.enqueue_dma source(%arg4 : memref<200x16xf32, #tpu.memory_space<vmem>>) target(%dma_start3A_120 : memref<200x16xf32, #tpu.memory_space<hbm>>) target_semaphore(%arg12 : memref<!tpu.dma_semaphore, #tpu.memory_space<semaphore_mem>>)
    %add3A_121 = arith.constant 600 : i32
    %add3A_122 = arith.addi %mul3A_2, %add3A_121 : i32
    %dma_wait3A_123 = arith.constant 0 : i32
    %dma_wait3A_124 = tpu.memref_slice %arg3[%add3A_122, %dma_wait3A_123] : memref<320000x16xf32, #tpu.memory_space<hbm>> -> memref<200x16xf32, #tpu.memory_space<hbm>>
    %dma_wait3A_125 = arith.constant 0 : i32
    %dma_wait3A_126 = tpu.memref_slice %arg3[%add3A_122, %dma_wait3A_125] : memref<320000x16xf32, #tpu.memory_space<hbm>> -> memref<200x16xf32, #tpu.memory_space<hbm>>
    tpu.wait_dma2 semaphore(%arg15 : memref<!tpu.dma_semaphore, #tpu.memory_space<semaphore_mem>>) src(%arg7 : memref<200x16xf32, #tpu.memory_space<vmem>>) dst(%dma_wait3A_126 : memref<200x16xf32, #tpu.memory_space<hbm>>)
    %add3A_127 = arith.constant 1400 : i32
    %add3A_128 = arith.addi %mul3A_2, %add3A_127 : i32
    %dma_start3A_129 = arith.constant 0 : i32
    %dma_start3A_130 = tpu.memref_slice %arg2[%add3A_128, %dma_start3A_129] : memref<320000x16xf32, #tpu.memory_space<hbm>> -> memref<200x16xf32, #tpu.memory_space<hbm>>
    %dma_start3A_131 = arith.constant 0 : i32
    %dma_start3A_132 = tpu.memref_slice %arg2[%add3A_128, %dma_start3A_131] : memref<320000x16xf32, #tpu.memory_space<hbm>> -> memref<200x16xf32, #tpu.memory_space<hbm>>
    tpu.enqueue_dma source(%dma_start3A_132 : memref<200x16xf32, #tpu.memory_space<hbm>>) target(%arg7 : memref<200x16xf32, #tpu.memory_space<vmem>>) target_semaphore(%arg11 : memref<!tpu.dma_semaphore, #tpu.memory_space<semaphore_mem>>)
    %add3A_133 = arith.constant 1000 : i32
    %add3A_134 = arith.addi %mul3A_2, %add3A_133 : i32
    %dma_wait3A_135 = arith.constant 0 : i32
    %dma_wait3A_136 = tpu.memref_slice %arg2[%add3A_134, %dma_wait3A_135] : memref<320000x16xf32, #tpu.memory_space<hbm>> -> memref<200x16xf32, #tpu.memory_space<hbm>>
    %dma_wait3A_137 = arith.constant 0 : i32
    %dma_wait3A_138 = tpu.memref_slice %arg2[%add3A_134, %dma_wait3A_137] : memref<320000x16xf32, #tpu.memory_space<hbm>> -> memref<200x16xf32, #tpu.memory_space<hbm>>
    tpu.wait_dma2 semaphore(%arg9 : memref<!tpu.dma_semaphore, #tpu.memory_space<semaphore_mem>>) src(%dma_wait3A_138 : memref<200x16xf32, #tpu.memory_space<hbm>>) dst(%arg5 : memref<200x16xf32, #tpu.memory_space<vmem>>)
    %add3A_139 = arith.constant 1000 : i32
    %add3A_140 = arith.addi %mul3A_2, %add3A_139 : i32
    %dma_start3A_141 = arith.constant 0 : i32
    %dma_start3A_142 = tpu.memref_slice %arg3[%add3A_140, %dma_start3A_141] : memref<320000x16xf32, #tpu.memory_space<hbm>> -> memref<200x16xf32, #tpu.memory_space<hbm>>
    %dma_start3A_143 = arith.constant 0 : i32
    %dma_start3A_144 = tpu.memref_slice %arg3[%add3A_140, %dma_start3A_143] : memref<320000x16xf32, #tpu.memory_space<hbm>> -> memref<200x16xf32, #tpu.memory_space<hbm>>
    tpu.enqueue_dma source(%arg5 : memref<200x16xf32, #tpu.memory_space<vmem>>) target(%dma_start3A_144 : memref<200x16xf32, #tpu.memory_space<hbm>>) target_semaphore(%arg13 : memref<!tpu.dma_semaphore, #tpu.memory_space<semaphore_mem>>)
    %add3A_145 = arith.constant 800 : i32
    %add3A_146 = arith.addi %mul3A_2, %add3A_145 : i32
    %dma_wait3A_147 = arith.constant 0 : i32
    %dma_wait3A_148 = tpu.memref_slice %arg3[%add3A_146, %dma_wait3A_147] : memref<320000x16xf32, #tpu.memory_space<hbm>> -> memref<200x16xf32, #tpu.memory_space<hbm>>
    %dma_wait3A_149 = arith.constant 0 : i32
    %dma_wait3A_150 = tpu.memref_slice %arg3[%add3A_146, %dma_wait3A_149] : memref<320000x16xf32, #tpu.memory_space<hbm>> -> memref<200x16xf32, #tpu.memory_space<hbm>>
    tpu.wait_dma2 semaphore(%arg12 : memref<!tpu.dma_semaphore, #tpu.memory_space<semaphore_mem>>) src(%arg4 : memref<200x16xf32, #tpu.memory_space<vmem>>) dst(%dma_wait3A_150 : memref<200x16xf32, #tpu.memory_space<hbm>>)
    %add3A_151 = arith.constant 1600 : i32
    %add3A_152 = arith.addi %mul3A_2, %add3A_151 : i32
    %dma_start3A_153 = arith.constant 0 : i32
    %dma_start3A_154 = tpu.memref_slice %arg2[%add3A_152, %dma_start3A_153] : memref<320000x16xf32, #tpu.memory_space<hbm>> -> memref<200x16xf32, #tpu.memory_space<hbm>>
    %dma_start3A_155 = arith.constant 0 : i32
    %dma_start3A_156 = tpu.memref_slice %arg2[%add3A_152, %dma_start3A_155] : memref<320000x16xf32, #tpu.memory_space<hbm>> -> memref<200x16xf32, #tpu.memory_space<hbm>>
    tpu.enqueue_dma source(%dma_start3A_156 : memref<200x16xf32, #tpu.memory_space<hbm>>) target(%arg4 : memref<200x16xf32, #tpu.memory_space<vmem>>) target_semaphore(%arg8 : memref<!tpu.dma_semaphore, #tpu.memory_space<semaphore_mem>>)
    %add3A_157 = arith.constant 1200 : i32
    %add3A_158 = arith.addi %mul3A_2, %add3A_157 : i32
    %dma_wait3A_159 = arith.constant 0 : i32
    %dma_wait3A_160 = tpu.memref_slice %arg2[%add3A_158, %dma_wait3A_159] : memref<320000x16xf32, #tpu.memory_space<hbm>> -> memref<200x16xf32, #tpu.memory_space<hbm>>
    %dma_wait3A_161 = arith.constant 0 : i32
    %dma_wait3A_162 = tpu.memref_slice %arg2[%add3A_158, %dma_wait3A_161] : memref<320000x16xf32, #tpu.memory_space<hbm>> -> memref<200x16xf32, #tpu.memory_space<hbm>>
    tpu.wait_dma2 semaphore(%arg10 : memref<!tpu.dma_semaphore, #tpu.memory_space<semaphore_mem>>) src(%dma_wait3A_162 : memref<200x16xf32, #tpu.memory_space<hbm>>) dst(%arg6 : memref<200x16xf32, #tpu.memory_space<vmem>>)
    %add3A_163 = arith.constant 1200 : i32
    %add3A_164 = arith.addi %mul3A_2, %add3A_163 : i32
    %dma_start3A_165 = arith.constant 0 : i32
    %dma_start3A_166 = tpu.memref_slice %arg3[%add3A_164, %dma_start3A_165] : memref<320000x16xf32, #tpu.memory_space<hbm>> -> memref<200x16xf32, #tpu.memory_space<hbm>>
    %dma_start3A_167 = arith.constant 0 : i32
    %dma_start3A_168 = tpu.memref_slice %arg3[%add3A_164, %dma_start3A_167] : memref<320000x16xf32, #tpu.memory_space<hbm>> -> memref<200x16xf32, #tpu.memory_space<hbm>>
    tpu.enqueue_dma source(%arg6 : memref<200x16xf32, #tpu.memory_space<vmem>>) target(%dma_start3A_168 : memref<200x16xf32, #tpu.memory_space<hbm>>) target_semaphore(%arg14 : memref<!tpu.dma_semaphore, #tpu.memory_space<semaphore_mem>>)
    %add3A_169 = arith.constant 1000 : i32
    %add3A_170 = arith.addi %mul3A_2, %add3A_169 : i32
    %dma_wait3A_171 = arith.constant 0 : i32
    %dma_wait3A_172 = tpu.memref_slice %arg3[%add3A_170, %dma_wait3A_171] : memref<320000x16xf32, #tpu.memory_space<hbm>> -> memref<200x16xf32, #tpu.memory_space<hbm>>
    %dma_wait3A_173 = arith.constant 0 : i32
    %dma_wait3A_174 = tpu.memref_slice %arg3[%add3A_170, %dma_wait3A_173] : memref<320000x16xf32, #tpu.memory_space<hbm>> -> memref<200x16xf32, #tpu.memory_space<hbm>>
    tpu.wait_dma2 semaphore(%arg13 : memref<!tpu.dma_semaphore, #tpu.memory_space<semaphore_mem>>) src(%arg5 : memref<200x16xf32, #tpu.memory_space<vmem>>) dst(%dma_wait3A_174 : memref<200x16xf32, #tpu.memory_space<hbm>>)
    %add3A_175 = arith.constant 1800 : i32
    %add3A_176 = arith.addi %mul3A_2, %add3A_175 : i32
    %dma_start3A_177 = arith.constant 0 : i32
    %dma_start3A_178 = tpu.memref_slice %arg2[%add3A_176, %dma_start3A_177] : memref<320000x16xf32, #tpu.memory_space<hbm>> -> memref<200x16xf32, #tpu.memory_space<hbm>>
    %dma_start3A_179 = arith.constant 0 : i32
    %dma_start3A_180 = tpu.memref_slice %arg2[%add3A_176, %dma_start3A_179] : memref<320000x16xf32, #tpu.memory_space<hbm>> -> memref<200x16xf32, #tpu.memory_space<hbm>>
    tpu.enqueue_dma source(%dma_start3A_180 : memref<200x16xf32, #tpu.memory_space<hbm>>) target(%arg5 : memref<200x16xf32, #tpu.memory_space<vmem>>) target_semaphore(%arg9 : memref<!tpu.dma_semaphore, #tpu.memory_space<semaphore_mem>>)
    %add3A_181 = arith.constant 1400 : i32
    %add3A_182 = arith.addi %mul3A_2, %add3A_181 : i32
    %dma_wait3A_183 = arith.constant 0 : i32
    %dma_wait3A_184 = tpu.memref_slice %arg2[%add3A_182, %dma_wait3A_183] : memref<320000x16xf32, #tpu.memory_space<hbm>> -> memref<200x16xf32, #tpu.memory_space<hbm>>
    %dma_wait3A_185 = arith.constant 0 : i32
    %dma_wait3A_186 = tpu.memref_slice %arg2[%add3A_182, %dma_wait3A_185] : memref<320000x16xf32, #tpu.memory_space<hbm>> -> memref<200x16xf32, #tpu.memory_space<hbm>>
    tpu.wait_dma2 semaphore(%arg11 : memref<!tpu.dma_semaphore, #tpu.memory_space<semaphore_mem>>) src(%dma_wait3A_186 : memref<200x16xf32, #tpu.memory_space<hbm>>) dst(%arg7 : memref<200x16xf32, #tpu.memory_space<vmem>>)
    %add3A_187 = arith.constant 1400 : i32
    %add3A_188 = arith.addi %mul3A_2, %add3A_187 : i32
    %dma_start3A_189 = arith.constant 0 : i32
    %dma_start3A_190 = tpu.memref_slice %arg3[%add3A_188, %dma_start3A_189] : memref<320000x16xf32, #tpu.memory_space<hbm>> -> memref<200x16xf32, #tpu.memory_space<hbm>>
    %dma_start3A_191 = arith.constant 0 : i32
    %dma_start3A_192 = tpu.memref_slice %arg3[%add3A_188, %dma_start3A_191] : memref<320000x16xf32, #tpu.memory_space<hbm>> -> memref<200x16xf32, #tpu.memory_space<hbm>>
    tpu.enqueue_dma source(%arg7 : memref<200x16xf32, #tpu.memory_space<vmem>>) target(%dma_start3A_192 : memref<200x16xf32, #tpu.memory_space<hbm>>) target_semaphore(%arg15 : memref<!tpu.dma_semaphore, #tpu.memory_space<semaphore_mem>>)
    %add3A_193 = arith.constant 1200 : i32
    %add3A_194 = arith.addi %mul3A_2, %add3A_193 : i32
    %dma_wait3A_195 = arith.constant 0 : i32
    %dma_wait3A_196 = tpu.memref_slice %arg3[%add3A_194, %dma_wait3A_195] : memref<320000x16xf32, #tpu.memory_space<hbm>> -> memref<200x16xf32, #tpu.memory_space<hbm>>
    %dma_wait3A_197 = arith.constant 0 : i32
    %dma_wait3A_198 = tpu.memref_slice %arg3[%add3A_194, %dma_wait3A_197] : memref<320000x16xf32, #tpu.memory_space<hbm>> -> memref<200x16xf32, #tpu.memory_space<hbm>>
    tpu.wait_dma2 semaphore(%arg14 : memref<!tpu.dma_semaphore, #tpu.memory_space<semaphore_mem>>) src(%arg6 : memref<200x16xf32, #tpu.memory_space<vmem>>) dst(%dma_wait3A_198 : memref<200x16xf32, #tpu.memory_space<hbm>>)
    %add3A_199 = arith.constant 2000 : i32
    %add3A_200 = arith.addi %mul3A_2, %add3A_199 : i32
    %dma_start3A_201 = arith.constant 0 : i32
    %dma_start3A_202 = tpu.memref_slice %arg2[%add3A_200, %dma_start3A_201] : memref<320000x16xf32, #tpu.memory_space<hbm>> -> memref<200x16xf32, #tpu.memory_space<hbm>>
    %dma_start3A_203 = arith.constant 0 : i32
    %dma_start3A_204 = tpu.memref_slice %arg2[%add3A_200, %dma_start3A_203] : memref<320000x16xf32, #tpu.memory_space<hbm>> -> memref<200x16xf32, #tpu.memory_space<hbm>>
    tpu.enqueue_dma source(%dma_start3A_204 : memref<200x16xf32, #tpu.memory_space<hbm>>) target(%arg6 : memref<200x16xf32, #tpu.memory_space<vmem>>) target_semaphore(%arg10 : memref<!tpu.dma_semaphore, #tpu.memory_space<semaphore_mem>>)
    %add3A_205 = arith.constant 1600 : i32
    %add3A_206 = arith.addi %mul3A_2, %add3A_205 : i32
    %dma_wait3A_207 = arith.constant 0 : i32
    %dma_wait3A_208 = tpu.memref_slice %arg2[%add3A_206, %dma_wait3A_207] : memref<320000x16xf32, #tpu.memory_space<hbm>> -> memref<200x16xf32, #tpu.memory_space<hbm>>
    %dma_wait3A_209 = arith.constant 0 : i32
    %dma_wait3A_210 = tpu.memref_slice %arg2[%add3A_206, %dma_wait3A_209] : memref<320000x16xf32, #tpu.memory_space<hbm>> -> memref<200x16xf32, #tpu.memory_space<hbm>>
    tpu.wait_dma2 semaphore(%arg8 : memref<!tpu.dma_semaphore, #tpu.memory_space<semaphore_mem>>) src(%dma_wait3A_210 : memref<200x16xf32, #tpu.memory_space<hbm>>) dst(%arg4 : memref<200x16xf32, #tpu.memory_space<vmem>>)
    %add3A_211 = arith.constant 1600 : i32
    %add3A_212 = arith.addi %mul3A_2, %add3A_211 : i32
    %dma_start3A_213 = arith.constant 0 : i32
    %dma_start3A_214 = tpu.memref_slice %arg3[%add3A_212, %dma_start3A_213] : memref<320000x16xf32, #tpu.memory_space<hbm>> -> memref<200x16xf32, #tpu.memory_space<hbm>>
    %dma_start3A_215 = arith.constant 0 : i32
    %dma_start3A_216 = tpu.memref_slice %arg3[%add3A_212, %dma_start3A_215] : memref<320000x16xf32, #tpu.memory_space<hbm>> -> memref<200x16xf32, #tpu.memory_space<hbm>>
    tpu.enqueue_dma source(%arg4 : memref<200x16xf32, #tpu.memory_space<vmem>>) target(%dma_start3A_216 : memref<200x16xf32, #tpu.memory_space<hbm>>) target_semaphore(%arg12 : memref<!tpu.dma_semaphore, #tpu.memory_space<semaphore_mem>>)
    %add3A_217 = arith.constant 1400 : i32
    %add3A_218 = arith.addi %mul3A_2, %add3A_217 : i32
    %dma_wait3A_219 = arith.constant 0 : i32
    %dma_wait3A_220 = tpu.memref_slice %arg3[%add3A_218, %dma_wait3A_219] : memref<320000x16xf32, #tpu.memory_space<hbm>> -> memref<200x16xf32, #tpu.memory_space<hbm>>
    %dma_wait3A_221 = arith.constant 0 : i32
    %dma_wait3A_222 = tpu.memref_slice %arg3[%add3A_218, %dma_wait3A_221] : memref<320000x16xf32, #tpu.memory_space<hbm>> -> memref<200x16xf32, #tpu.memory_space<hbm>>
    tpu.wait_dma2 semaphore(%arg15 : memref<!tpu.dma_semaphore, #tpu.memory_space<semaphore_mem>>) src(%arg7 : memref<200x16xf32, #tpu.memory_space<vmem>>) dst(%dma_wait3A_222 : memref<200x16xf32, #tpu.memory_space<hbm>>)
    %add3A_223 = arith.constant 2200 : i32
    %add3A_224 = arith.addi %mul3A_2, %add3A_223 : i32
    %dma_start3A_225 = arith.constant 0 : i32
    %dma_start3A_226 = tpu.memref_slice %arg2[%add3A_224, %dma_start3A_225] : memref<320000x16xf32, #tpu.memory_space<hbm>> -> memref<200x16xf32, #tpu.memory_space<hbm>>
    %dma_start3A_227 = arith.constant 0 : i32
    %dma_start3A_228 = tpu.memref_slice %arg2[%add3A_224, %dma_start3A_227] : memref<320000x16xf32, #tpu.memory_space<hbm>> -> memref<200x16xf32, #tpu.memory_space<hbm>>
    tpu.enqueue_dma source(%dma_start3A_228 : memref<200x16xf32, #tpu.memory_space<hbm>>) target(%arg7 : memref<200x16xf32, #tpu.memory_space<vmem>>) target_semaphore(%arg11 : memref<!tpu.dma_semaphore, #tpu.memory_space<semaphore_mem>>)
    %add3A_229 = arith.constant 1800 : i32
    %add3A_230 = arith.addi %mul3A_2, %add3A_229 : i32
    %dma_wait3A_231 = arith.constant 0 : i32
    %dma_wait3A_232 = tpu.memref_slice %arg2[%add3A_230, %dma_wait3A_231] : memref<320000x16xf32, #tpu.memory_space<hbm>> -> memref<200x16xf32, #tpu.memory_space<hbm>>
    %dma_wait3A_233 = arith.constant 0 : i32
    %dma_wait3A_234 = tpu.memref_slice %arg2[%add3A_230, %dma_wait3A_233] : memref<320000x16xf32, #tpu.memory_space<hbm>> -> memref<200x16xf32, #tpu.memory_space<hbm>>
    tpu.wait_dma2 semaphore(%arg9 : memref<!tpu.dma_semaphore, #tpu.memory_space<semaphore_mem>>) src(%dma_wait3A_234 : memref<200x16xf32, #tpu.memory_space<hbm>>) dst(%arg5 : memref<200x16xf32, #tpu.memory_space<vmem>>)
    %add3A_235 = arith.constant 1800 : i32
    %add3A_236 = arith.addi %mul3A_2, %add3A_235 : i32
    %dma_start3A_237 = arith.constant 0 : i32
    %dma_start3A_238 = tpu.memref_slice %arg3[%add3A_236, %dma_start3A_237] : memref<320000x16xf32, #tpu.memory_space<hbm>> -> memref<200x16xf32, #tpu.memory_space<hbm>>
    %dma_start3A_239 = arith.constant 0 : i32
    %dma_start3A_240 = tpu.memref_slice %arg3[%add3A_236, %dma_start3A_239] : memref<320000x16xf32, #tpu.memory_space<hbm>> -> memref<200x16xf32, #tpu.memory_space<hbm>>
    tpu.enqueue_dma source(%arg5 : memref<200x16xf32, #tpu.memory_space<vmem>>) target(%dma_start3A_240 : memref<200x16xf32, #tpu.memory_space<hbm>>) target_semaphore(%arg13 : memref<!tpu.dma_semaphore, #tpu.memory_space<semaphore_mem>>)
    %add3A_241 = arith.constant 1600 : i32
    %add3A_242 = arith.addi %mul3A_2, %add3A_241 : i32
    %dma_wait3A_243 = arith.constant 0 : i32
    %dma_wait3A_244 = tpu.memref_slice %arg3[%add3A_242, %dma_wait3A_243] : memref<320000x16xf32, #tpu.memory_space<hbm>> -> memref<200x16xf32, #tpu.memory_space<hbm>>
    %dma_wait3A_245 = arith.constant 0 : i32
    %dma_wait3A_246 = tpu.memref_slice %arg3[%add3A_242, %dma_wait3A_245] : memref<320000x16xf32, #tpu.memory_space<hbm>> -> memref<200x16xf32, #tpu.memory_space<hbm>>
    tpu.wait_dma2 semaphore(%arg12 : memref<!tpu.dma_semaphore, #tpu.memory_space<semaphore_mem>>) src(%arg4 : memref<200x16xf32, #tpu.memory_space<vmem>>) dst(%dma_wait3A_246 : memref<200x16xf32, #tpu.memory_space<hbm>>)
    %add3A_247 = arith.constant 2400 : i32
    %add3A_248 = arith.addi %mul3A_2, %add3A_247 : i32
    %dma_start3A_249 = arith.constant 0 : i32
    %dma_start3A_250 = tpu.memref_slice %arg2[%add3A_248, %dma_start3A_249] : memref<320000x16xf32, #tpu.memory_space<hbm>> -> memref<200x16xf32, #tpu.memory_space<hbm>>
    %dma_start3A_251 = arith.constant 0 : i32
    %dma_start3A_252 = tpu.memref_slice %arg2[%add3A_248, %dma_start3A_251] : memref<320000x16xf32, #tpu.memory_space<hbm>> -> memref<200x16xf32, #tpu.memory_space<hbm>>
    tpu.enqueue_dma source(%dma_start3A_252 : memref<200x16xf32, #tpu.memory_space<hbm>>) target(%arg4 : memref<200x16xf32, #tpu.memory_space<vmem>>) target_semaphore(%arg8 : memref<!tpu.dma_semaphore, #tpu.memory_space<semaphore_mem>>)
    %add3A_253 = arith.constant 2000 : i32
    %add3A_254 = arith.addi %mul3A_2, %add3A_253 : i32
    %dma_wait3A_255 = arith.constant 0 : i32
    %dma_wait3A_256 = tpu.memref_slice %arg2[%add3A_254, %dma_wait3A_255] : memref<320000x16xf32, #tpu.memory_space<hbm>> -> memref<200x16xf32, #tpu.memory_space<hbm>>
    %dma_wait3A_257 = arith.constant 0 : i32
    %dma_wait3A_258 = tpu.memref_slice %arg2[%add3A_254, %dma_wait3A_257] : memref<320000x16xf32, #tpu.memory_space<hbm>> -> memref<200x16xf32, #tpu.memory_space<hbm>>
    tpu.wait_dma2 semaphore(%arg10 : memref<!tpu.dma_semaphore, #tpu.memory_space<semaphore_mem>>) src(%dma_wait3A_258 : memref<200x16xf32, #tpu.memory_space<hbm>>) dst(%arg6 : memref<200x16xf32, #tpu.memory_space<vmem>>)
    %add3A_259 = arith.constant 2000 : i32
    %add3A_260 = arith.addi %mul3A_2, %add3A_259 : i32
    %dma_start3A_261 = arith.constant 0 : i32
    %dma_start3A_262 = tpu.memref_slice %arg3[%add3A_260, %dma_start3A_261] : memref<320000x16xf32, #tpu.memory_space<hbm>> -> memref<200x16xf32, #tpu.memory_space<hbm>>
    %dma_start3A_263 = arith.constant 0 : i32
    %dma_start3A_264 = tpu.memref_slice %arg3[%add3A_260, %dma_start3A_263] : memref<320000x16xf32, #tpu.memory_space<hbm>> -> memref<200x16xf32, #tpu.memory_space<hbm>>
    tpu.enqueue_dma source(%arg6 : memref<200x16xf32, #tpu.memory_space<vmem>>) target(%dma_start3A_264 : memref<200x16xf32, #tpu.memory_space<hbm>>) target_semaphore(%arg14 : memref<!tpu.dma_semaphore, #tpu.memory_space<semaphore_mem>>)
    %add3A_265 = arith.constant 1800 : i32
    %add3A_266 = arith.addi %mul3A_2, %add3A_265 : i32
    %dma_wait3A_267 = arith.constant 0 : i32
    %dma_wait3A_268 = tpu.memref_slice %arg3[%add3A_266, %dma_wait3A_267] : memref<320000x16xf32, #tpu.memory_space<hbm>> -> memref<200x16xf32, #tpu.memory_space<hbm>>
    %dma_wait3A_269 = arith.constant 0 : i32
    %dma_wait3A_270 = tpu.memref_slice %arg3[%add3A_266, %dma_wait3A_269] : memref<320000x16xf32, #tpu.memory_space<hbm>> -> memref<200x16xf32, #tpu.memory_space<hbm>>
    tpu.wait_dma2 semaphore(%arg13 : memref<!tpu.dma_semaphore, #tpu.memory_space<semaphore_mem>>) src(%arg5 : memref<200x16xf32, #tpu.memory_space<vmem>>) dst(%dma_wait3A_270 : memref<200x16xf32, #tpu.memory_space<hbm>>)
    %add3A_271 = arith.constant 2600 : i32
    %add3A_272 = arith.addi %mul3A_2, %add3A_271 : i32
    %dma_start3A_273 = arith.constant 0 : i32
    %dma_start3A_274 = tpu.memref_slice %arg2[%add3A_272, %dma_start3A_273] : memref<320000x16xf32, #tpu.memory_space<hbm>> -> memref<200x16xf32, #tpu.memory_space<hbm>>
    %dma_start3A_275 = arith.constant 0 : i32
    %dma_start3A_276 = tpu.memref_slice %arg2[%add3A_272, %dma_start3A_275] : memref<320000x16xf32, #tpu.memory_space<hbm>> -> memref<200x16xf32, #tpu.memory_space<hbm>>
    tpu.enqueue_dma source(%dma_start3A_276 : memref<200x16xf32, #tpu.memory_space<hbm>>) target(%arg5 : memref<200x16xf32, #tpu.memory_space<vmem>>) target_semaphore(%arg9 : memref<!tpu.dma_semaphore, #tpu.memory_space<semaphore_mem>>)
    %add3A_277 = arith.constant 2200 : i32
    %add3A_278 = arith.addi %mul3A_2, %add3A_277 : i32
    %dma_wait3A_279 = arith.constant 0 : i32
    %dma_wait3A_280 = tpu.memref_slice %arg2[%add3A_278, %dma_wait3A_279] : memref<320000x16xf32, #tpu.memory_space<hbm>> -> memref<200x16xf32, #tpu.memory_space<hbm>>
    %dma_wait3A_281 = arith.constant 0 : i32
    %dma_wait3A_282 = tpu.memref_slice %arg2[%add3A_278, %dma_wait3A_281] : memref<320000x16xf32, #tpu.memory_space<hbm>> -> memref<200x16xf32, #tpu.memory_space<hbm>>
    tpu.wait_dma2 semaphore(%arg11 : memref<!tpu.dma_semaphore, #tpu.memory_space<semaphore_mem>>) src(%dma_wait3A_282 : memref<200x16xf32, #tpu.memory_space<hbm>>) dst(%arg7 : memref<200x16xf32, #tpu.memory_space<vmem>>)
    %add3A_283 = arith.constant 2200 : i32
    %add3A_284 = arith.addi %mul3A_2, %add3A_283 : i32
    %dma_start3A_285 = arith.constant 0 : i32
    %dma_start3A_286 = tpu.memref_slice %arg3[%add3A_284, %dma_start3A_285] : memref<320000x16xf32, #tpu.memory_space<hbm>> -> memref<200x16xf32, #tpu.memory_space<hbm>>
    %dma_start3A_287 = arith.constant 0 : i32
    %dma_start3A_288 = tpu.memref_slice %arg3[%add3A_284, %dma_start3A_287] : memref<320000x16xf32, #tpu.memory_space<hbm>> -> memref<200x16xf32, #tpu.memory_space<hbm>>
    tpu.enqueue_dma source(%arg7 : memref<200x16xf32, #tpu.memory_space<vmem>>) target(%dma_start3A_288 : memref<200x16xf32, #tpu.memory_space<hbm>>) target_semaphore(%arg15 : memref<!tpu.dma_semaphore, #tpu.memory_space<semaphore_mem>>)
    %add3A_289 = arith.constant 2000 : i32
    %add3A_290 = arith.addi %mul3A_2, %add3A_289 : i32
    %dma_wait3A_291 = arith.constant 0 : i32
    %dma_wait3A_292 = tpu.memref_slice %arg3[%add3A_290, %dma_wait3A_291] : memref<320000x16xf32, #tpu.memory_space<hbm>> -> memref<200x16xf32, #tpu.memory_space<hbm>>
    %dma_wait3A_293 = arith.constant 0 : i32
    %dma_wait3A_294 = tpu.memref_slice %arg3[%add3A_290, %dma_wait3A_293] : memref<320000x16xf32, #tpu.memory_space<hbm>> -> memref<200x16xf32, #tpu.memory_space<hbm>>
    tpu.wait_dma2 semaphore(%arg14 : memref<!tpu.dma_semaphore, #tpu.memory_space<semaphore_mem>>) src(%arg6 : memref<200x16xf32, #tpu.memory_space<vmem>>) dst(%dma_wait3A_294 : memref<200x16xf32, #tpu.memory_space<hbm>>)
    %add3A_295 = arith.constant 2800 : i32
    %add3A_296 = arith.addi %mul3A_2, %add3A_295 : i32
    %dma_start3A_297 = arith.constant 0 : i32
    %dma_start3A_298 = tpu.memref_slice %arg2[%add3A_296, %dma_start3A_297] : memref<320000x16xf32, #tpu.memory_space<hbm>> -> memref<200x16xf32, #tpu.memory_space<hbm>>
    %dma_start3A_299 = arith.constant 0 : i32
    %dma_start3A_300 = tpu.memref_slice %arg2[%add3A_296, %dma_start3A_299] : memref<320000x16xf32, #tpu.memory_space<hbm>> -> memref<200x16xf32, #tpu.memory_space<hbm>>
    tpu.enqueue_dma source(%dma_start3A_300 : memref<200x16xf32, #tpu.memory_space<hbm>>) target(%arg6 : memref<200x16xf32, #tpu.memory_space<vmem>>) target_semaphore(%arg10 : memref<!tpu.dma_semaphore, #tpu.memory_space<semaphore_mem>>)
    %add3A_301 = arith.constant 2400 : i32
    %add3A_302 = arith.addi %mul3A_2, %add3A_301 : i32
    %dma_wait3A_303 = arith.constant 0 : i32
    %dma_wait3A_304 = tpu.memref_slice %arg2[%add3A_302, %dma_wait3A_303] : memref<320000x16xf32, #tpu.memory_space<hbm>> -> memref<200x16xf32, #tpu.memory_space<hbm>>
    %dma_wait3A_305 = arith.constant 0 : i32
    %dma_wait3A_306 = tpu.memref_slice %arg2[%add3A_302, %dma_wait3A_305] : memref<320000x16xf32, #tpu.memory_space<hbm>> -> memref<200x16xf32, #tpu.memory_space<hbm>>
    tpu.wait_dma2 semaphore(%arg8 : memref<!tpu.dma_semaphore, #tpu.memory_space<semaphore_mem>>) src(%dma_wait3A_306 : memref<200x16xf32, #tpu.memory_space<hbm>>) dst(%arg4 : memref<200x16xf32, #tpu.memory_space<vmem>>)
    %add3A_307 = arith.constant 2400 : i32
    %add3A_308 = arith.addi %mul3A_2, %add3A_307 : i32
    %dma_start3A_309 = arith.constant 0 : i32
    %dma_start3A_310 = tpu.memref_slice %arg3[%add3A_308, %dma_start3A_309] : memref<320000x16xf32, #tpu.memory_space<hbm>> -> memref<200x16xf32, #tpu.memory_space<hbm>>
    %dma_start3A_311 = arith.constant 0 : i32
    %dma_start3A_312 = tpu.memref_slice %arg3[%add3A_308, %dma_start3A_311] : memref<320000x16xf32, #tpu.memory_space<hbm>> -> memref<200x16xf32, #tpu.memory_space<hbm>>
    tpu.enqueue_dma source(%arg4 : memref<200x16xf32, #tpu.memory_space<vmem>>) target(%dma_start3A_312 : memref<200x16xf32, #tpu.memory_space<hbm>>) target_semaphore(%arg12 : memref<!tpu.dma_semaphore, #tpu.memory_space<semaphore_mem>>)
    %add3A_313 = arith.constant 2200 : i32
    %add3A_314 = arith.addi %mul3A_2, %add3A_313 : i32
    %dma_wait3A_315 = arith.constant 0 : i32
    %dma_wait3A_316 = tpu.memref_slice %arg3[%add3A_314, %dma_wait3A_315] : memref<320000x16xf32, #tpu.memory_space<hbm>> -> memref<200x16xf32, #tpu.memory_space<hbm>>
    %dma_wait3A_317 = arith.constant 0 : i32
    %dma_wait3A_318 = tpu.memref_slice %arg3[%add3A_314, %dma_wait3A_317] : memref<320000x16xf32, #tpu.memory_space<hbm>> -> memref<200x16xf32, #tpu.memory_space<hbm>>
    tpu.wait_dma2 semaphore(%arg15 : memref<!tpu.dma_semaphore, #tpu.memory_space<semaphore_mem>>) src(%arg7 : memref<200x16xf32, #tpu.memory_space<vmem>>) dst(%dma_wait3A_318 : memref<200x16xf32, #tpu.memory_space<hbm>>)
    %add3A_319 = arith.constant 3000 : i32
    %add3A_320 = arith.addi %mul3A_2, %add3A_319 : i32
    %dma_start3A_321 = arith.constant 0 : i32
    %dma_start3A_322 = tpu.memref_slice %arg2[%add3A_320, %dma_start3A_321] : memref<320000x16xf32, #tpu.memory_space<hbm>> -> memref<200x16xf32, #tpu.memory_space<hbm>>
    %dma_start3A_323 = arith.constant 0 : i32
    %dma_start3A_324 = tpu.memref_slice %arg2[%add3A_320, %dma_start3A_323] : memref<320000x16xf32, #tpu.memory_space<hbm>> -> memref<200x16xf32, #tpu.memory_space<hbm>>
    tpu.enqueue_dma source(%dma_start3A_324 : memref<200x16xf32, #tpu.memory_space<hbm>>) target(%arg7 : memref<200x16xf32, #tpu.memory_space<vmem>>) target_semaphore(%arg11 : memref<!tpu.dma_semaphore, #tpu.memory_space<semaphore_mem>>)
    %add3A_325 = arith.constant 2600 : i32
    %add3A_326 = arith.addi %mul3A_2, %add3A_325 : i32
    %dma_wait3A_327 = arith.constant 0 : i32
    %dma_wait3A_328 = tpu.memref_slice %arg2[%add3A_326, %dma_wait3A_327] : memref<320000x16xf32, #tpu.memory_space<hbm>> -> memref<200x16xf32, #tpu.memory_space<hbm>>
    %dma_wait3A_329 = arith.constant 0 : i32
    %dma_wait3A_330 = tpu.memref_slice %arg2[%add3A_326, %dma_wait3A_329] : memref<320000x16xf32, #tpu.memory_space<hbm>> -> memref<200x16xf32, #tpu.memory_space<hbm>>
    tpu.wait_dma2 semaphore(%arg9 : memref<!tpu.dma_semaphore, #tpu.memory_space<semaphore_mem>>) src(%dma_wait3A_330 : memref<200x16xf32, #tpu.memory_space<hbm>>) dst(%arg5 : memref<200x16xf32, #tpu.memory_space<vmem>>)
    %add3A_331 = arith.constant 2600 : i32
    %add3A_332 = arith.addi %mul3A_2, %add3A_331 : i32
    %dma_start3A_333 = arith.constant 0 : i32
    %dma_start3A_334 = tpu.memref_slice %arg3[%add3A_332, %dma_start3A_333] : memref<320000x16xf32, #tpu.memory_space<hbm>> -> memref<200x16xf32, #tpu.memory_space<hbm>>
    %dma_start3A_335 = arith.constant 0 : i32
    %dma_start3A_336 = tpu.memref_slice %arg3[%add3A_332, %dma_start3A_335] : memref<320000x16xf32, #tpu.memory_space<hbm>> -> memref<200x16xf32, #tpu.memory_space<hbm>>
    tpu.enqueue_dma source(%arg5 : memref<200x16xf32, #tpu.memory_space<vmem>>) target(%dma_start3A_336 : memref<200x16xf32, #tpu.memory_space<hbm>>) target_semaphore(%arg13 : memref<!tpu.dma_semaphore, #tpu.memory_space<semaphore_mem>>)
    %add3A_337 = arith.constant 2400 : i32
    %add3A_338 = arith.addi %mul3A_2, %add3A_337 : i32
    %dma_wait3A_339 = arith.constant 0 : i32
    %dma_wait3A_340 = tpu.memref_slice %arg3[%add3A_338, %dma_wait3A_339] : memref<320000x16xf32, #tpu.memory_space<hbm>> -> memref<200x16xf32, #tpu.memory_space<hbm>>
    %dma_wait3A_341 = arith.constant 0 : i32
    %dma_wait3A_342 = tpu.memref_slice %arg3[%add3A_338, %dma_wait3A_341] : memref<320000x16xf32, #tpu.memory_space<hbm>> -> memref<200x16xf32, #tpu.memory_space<hbm>>
    tpu.wait_dma2 semaphore(%arg12 : memref<!tpu.dma_semaphore, #tpu.memory_space<semaphore_mem>>) src(%arg4 : memref<200x16xf32, #tpu.memory_space<vmem>>) dst(%dma_wait3A_342 : memref<200x16xf32, #tpu.memory_space<hbm>>)
    %add3A_343 = arith.constant 3200 : i32
    %add3A_344 = arith.addi %mul3A_2, %add3A_343 : i32
    %dma_start3A_345 = arith.constant 0 : i32
    %dma_start3A_346 = tpu.memref_slice %arg2[%add3A_344, %dma_start3A_345] : memref<320000x16xf32, #tpu.memory_space<hbm>> -> memref<200x16xf32, #tpu.memory_space<hbm>>
    %dma_start3A_347 = arith.constant 0 : i32
    %dma_start3A_348 = tpu.memref_slice %arg2[%add3A_344, %dma_start3A_347] : memref<320000x16xf32, #tpu.memory_space<hbm>> -> memref<200x16xf32, #tpu.memory_space<hbm>>
    tpu.enqueue_dma source(%dma_start3A_348 : memref<200x16xf32, #tpu.memory_space<hbm>>) target(%arg4 : memref<200x16xf32, #tpu.memory_space<vmem>>) target_semaphore(%arg8 : memref<!tpu.dma_semaphore, #tpu.memory_space<semaphore_mem>>)
    %add3A_349 = arith.constant 2800 : i32
    %add3A_350 = arith.addi %mul3A_2, %add3A_349 : i32
    %dma_wait3A_351 = arith.constant 0 : i32
    %dma_wait3A_352 = tpu.memref_slice %arg2[%add3A_350, %dma_wait3A_351] : memref<320000x16xf32, #tpu.memory_space<hbm>> -> memref<200x16xf32, #tpu.memory_space<hbm>>
    %dma_wait3A_353 = arith.constant 0 : i32
    %dma_wait3A_354 = tpu.memref_slice %arg2[%add3A_350, %dma_wait3A_353] : memref<320000x16xf32, #tpu.memory_space<hbm>> -> memref<200x16xf32, #tpu.memory_space<hbm>>
    tpu.wait_dma2 semaphore(%arg10 : memref<!tpu.dma_semaphore, #tpu.memory_space<semaphore_mem>>) src(%dma_wait3A_354 : memref<200x16xf32, #tpu.memory_space<hbm>>) dst(%arg6 : memref<200x16xf32, #tpu.memory_space<vmem>>)
    %add3A_355 = arith.constant 2800 : i32
    %add3A_356 = arith.addi %mul3A_2, %add3A_355 : i32
    %dma_start3A_357 = arith.constant 0 : i32
    %dma_start3A_358 = tpu.memref_slice %arg3[%add3A_356, %dma_start3A_357] : memref<320000x16xf32, #tpu.memory_space<hbm>> -> memref<200x16xf32, #tpu.memory_space<hbm>>
    %dma_start3A_359 = arith.constant 0 : i32
    %dma_start3A_360 = tpu.memref_slice %arg3[%add3A_356, %dma_start3A_359] : memref<320000x16xf32, #tpu.memory_space<hbm>> -> memref<200x16xf32, #tpu.memory_space<hbm>>
    tpu.enqueue_dma source(%arg6 : memref<200x16xf32, #tpu.memory_space<vmem>>) target(%dma_start3A_360 : memref<200x16xf32, #tpu.memory_space<hbm>>) target_semaphore(%arg14 : memref<!tpu.dma_semaphore, #tpu.memory_space<semaphore_mem>>)
    %add3A_361 = arith.constant 2600 : i32
    %add3A_362 = arith.addi %mul3A_2, %add3A_361 : i32
    %dma_wait3A_363 = arith.constant 0 : i32
    %dma_wait3A_364 = tpu.memref_slice %arg3[%add3A_362, %dma_wait3A_363] : memref<320000x16xf32, #tpu.memory_space<hbm>> -> memref<200x16xf32, #tpu.memory_space<hbm>>
    %dma_wait3A_365 = arith.constant 0 : i32
    %dma_wait3A_366 = tpu.memref_slice %arg3[%add3A_362, %dma_wait3A_365] : memref<320000x16xf32, #tpu.memory_space<hbm>> -> memref<200x16xf32, #tpu.memory_space<hbm>>
    tpu.wait_dma2 semaphore(%arg13 : memref<!tpu.dma_semaphore, #tpu.memory_space<semaphore_mem>>) src(%arg5 : memref<200x16xf32, #tpu.memory_space<vmem>>) dst(%dma_wait3A_366 : memref<200x16xf32, #tpu.memory_space<hbm>>)
    %add3A_367 = arith.constant 3400 : i32
    %add3A_368 = arith.addi %mul3A_2, %add3A_367 : i32
    %dma_start3A_369 = arith.constant 0 : i32
    %dma_start3A_370 = tpu.memref_slice %arg2[%add3A_368, %dma_start3A_369] : memref<320000x16xf32, #tpu.memory_space<hbm>> -> memref<200x16xf32, #tpu.memory_space<hbm>>
    %dma_start3A_371 = arith.constant 0 : i32
    %dma_start3A_372 = tpu.memref_slice %arg2[%add3A_368, %dma_start3A_371] : memref<320000x16xf32, #tpu.memory_space<hbm>> -> memref<200x16xf32, #tpu.memory_space<hbm>>
    tpu.enqueue_dma source(%dma_start3A_372 : memref<200x16xf32, #tpu.memory_space<hbm>>) target(%arg5 : memref<200x16xf32, #tpu.memory_space<vmem>>) target_semaphore(%arg9 : memref<!tpu.dma_semaphore, #tpu.memory_space<semaphore_mem>>)
    %add3A_373 = arith.constant 3000 : i32
    %add3A_374 = arith.addi %mul3A_2, %add3A_373 : i32
    %dma_wait3A_375 = arith.constant 0 : i32
    %dma_wait3A_376 = tpu.memref_slice %arg2[%add3A_374, %dma_wait3A_375] : memref<320000x16xf32, #tpu.memory_space<hbm>> -> memref<200x16xf32, #tpu.memory_space<hbm>>
    %dma_wait3A_377 = arith.constant 0 : i32
    %dma_wait3A_378 = tpu.memref_slice %arg2[%add3A_374, %dma_wait3A_377] : memref<320000x16xf32, #tpu.memory_space<hbm>> -> memref<200x16xf32, #tpu.memory_space<hbm>>
    tpu.wait_dma2 semaphore(%arg11 : memref<!tpu.dma_semaphore, #tpu.memory_space<semaphore_mem>>) src(%dma_wait3A_378 : memref<200x16xf32, #tpu.memory_space<hbm>>) dst(%arg7 : memref<200x16xf32, #tpu.memory_space<vmem>>)
    %add3A_379 = arith.constant 3000 : i32
    %add3A_380 = arith.addi %mul3A_2, %add3A_379 : i32
    %dma_start3A_381 = arith.constant 0 : i32
    %dma_start3A_382 = tpu.memref_slice %arg3[%add3A_380, %dma_start3A_381] : memref<320000x16xf32, #tpu.memory_space<hbm>> -> memref<200x16xf32, #tpu.memory_space<hbm>>
    %dma_start3A_383 = arith.constant 0 : i32
    %dma_start3A_384 = tpu.memref_slice %arg3[%add3A_380, %dma_start3A_383] : memref<320000x16xf32, #tpu.memory_space<hbm>> -> memref<200x16xf32, #tpu.memory_space<hbm>>
    tpu.enqueue_dma source(%arg7 : memref<200x16xf32, #tpu.memory_space<vmem>>) target(%dma_start3A_384 : memref<200x16xf32, #tpu.memory_space<hbm>>) target_semaphore(%arg15 : memref<!tpu.dma_semaphore, #tpu.memory_space<semaphore_mem>>)
    %add3A_385 = arith.constant 2800 : i32
    %add3A_386 = arith.addi %mul3A_2, %add3A_385 : i32
    %dma_wait3A_387 = arith.constant 0 : i32
    %dma_wait3A_388 = tpu.memref_slice %arg3[%add3A_386, %dma_wait3A_387] : memref<320000x16xf32, #tpu.memory_space<hbm>> -> memref<200x16xf32, #tpu.memory_space<hbm>>
    %dma_wait3A_389 = arith.constant 0 : i32
    %dma_wait3A_390 = tpu.memref_slice %arg3[%add3A_386, %dma_wait3A_389] : memref<320000x16xf32, #tpu.memory_space<hbm>> -> memref<200x16xf32, #tpu.memory_space<hbm>>
    tpu.wait_dma2 semaphore(%arg14 : memref<!tpu.dma_semaphore, #tpu.memory_space<semaphore_mem>>) src(%arg6 : memref<200x16xf32, #tpu.memory_space<vmem>>) dst(%dma_wait3A_390 : memref<200x16xf32, #tpu.memory_space<hbm>>)
    %add3A_391 = arith.constant 3600 : i32
    %add3A_392 = arith.addi %mul3A_2, %add3A_391 : i32
    %dma_start3A_393 = arith.constant 0 : i32
    %dma_start3A_394 = tpu.memref_slice %arg2[%add3A_392, %dma_start3A_393] : memref<320000x16xf32, #tpu.memory_space<hbm>> -> memref<200x16xf32, #tpu.memory_space<hbm>>
    %dma_start3A_395 = arith.constant 0 : i32
    %dma_start3A_396 = tpu.memref_slice %arg2[%add3A_392, %dma_start3A_395] : memref<320000x16xf32, #tpu.memory_space<hbm>> -> memref<200x16xf32, #tpu.memory_space<hbm>>
    tpu.enqueue_dma source(%dma_start3A_396 : memref<200x16xf32, #tpu.memory_space<hbm>>) target(%arg6 : memref<200x16xf32, #tpu.memory_space<vmem>>) target_semaphore(%arg10 : memref<!tpu.dma_semaphore, #tpu.memory_space<semaphore_mem>>)
    %add3A_397 = arith.constant 3200 : i32
    %add3A_398 = arith.addi %mul3A_2, %add3A_397 : i32
    %dma_wait3A_399 = arith.constant 0 : i32
    %dma_wait3A_400 = tpu.memref_slice %arg2[%add3A_398, %dma_wait3A_399] : memref<320000x16xf32, #tpu.memory_space<hbm>> -> memref<200x16xf32, #tpu.memory_space<hbm>>
    %dma_wait3A_401 = arith.constant 0 : i32
    %dma_wait3A_402 = tpu.memref_slice %arg2[%add3A_398, %dma_wait3A_401] : memref<320000x16xf32, #tpu.memory_space<hbm>> -> memref<200x16xf32, #tpu.memory_space<hbm>>
    tpu.wait_dma2 semaphore(%arg8 : memref<!tpu.dma_semaphore, #tpu.memory_space<semaphore_mem>>) src(%dma_wait3A_402 : memref<200x16xf32, #tpu.memory_space<hbm>>) dst(%arg4 : memref<200x16xf32, #tpu.memory_space<vmem>>)
    %add3A_403 = arith.constant 3200 : i32
    %add3A_404 = arith.addi %mul3A_2, %add3A_403 : i32
    %dma_start3A_405 = arith.constant 0 : i32
    %dma_start3A_406 = tpu.memref_slice %arg3[%add3A_404, %dma_start3A_405] : memref<320000x16xf32, #tpu.memory_space<hbm>> -> memref<200x16xf32, #tpu.memory_space<hbm>>
    %dma_start3A_407 = arith.constant 0 : i32
    %dma_start3A_408 = tpu.memref_slice %arg3[%add3A_404, %dma_start3A_407] : memref<320000x16xf32, #tpu.memory_space<hbm>> -> memref<200x16xf32, #tpu.memory_space<hbm>>
    tpu.enqueue_dma source(%arg4 : memref<200x16xf32, #tpu.memory_space<vmem>>) target(%dma_start3A_408 : memref<200x16xf32, #tpu.memory_space<hbm>>) target_semaphore(%arg12 : memref<!tpu.dma_semaphore, #tpu.memory_space<semaphore_mem>>)
    %add3A_409 = arith.constant 3000 : i32
    %add3A_410 = arith.addi %mul3A_2, %add3A_409 : i32
    %dma_wait3A_411 = arith.constant 0 : i32
    %dma_wait3A_412 = tpu.memref_slice %arg3[%add3A_410, %dma_wait3A_411] : memref<320000x16xf32, #tpu.memory_space<hbm>> -> memref<200x16xf32, #tpu.memory_space<hbm>>
    %dma_wait3A_413 = arith.constant 0 : i32
    %dma_wait3A_414 = tpu.memref_slice %arg3[%add3A_410, %dma_wait3A_413] : memref<320000x16xf32, #tpu.memory_space<hbm>> -> memref<200x16xf32, #tpu.memory_space<hbm>>
    tpu.wait_dma2 semaphore(%arg15 : memref<!tpu.dma_semaphore, #tpu.memory_space<semaphore_mem>>) src(%arg7 : memref<200x16xf32, #tpu.memory_space<vmem>>) dst(%dma_wait3A_414 : memref<200x16xf32, #tpu.memory_space<hbm>>)
    %add3A_415 = arith.constant 3800 : i32
    %add3A_416 = arith.addi %mul3A_2, %add3A_415 : i32
    %dma_start3A_417 = arith.constant 0 : i32
    %dma_start3A_418 = tpu.memref_slice %arg2[%add3A_416, %dma_start3A_417] : memref<320000x16xf32, #tpu.memory_space<hbm>> -> memref<200x16xf32, #tpu.memory_space<hbm>>
    %dma_start3A_419 = arith.constant 0 : i32
    %dma_start3A_420 = tpu.memref_slice %arg2[%add3A_416, %dma_start3A_419] : memref<320000x16xf32, #tpu.memory_space<hbm>> -> memref<200x16xf32, #tpu.memory_space<hbm>>
    tpu.enqueue_dma source(%dma_start3A_420 : memref<200x16xf32, #tpu.memory_space<hbm>>) target(%arg7 : memref<200x16xf32, #tpu.memory_space<vmem>>) target_semaphore(%arg11 : memref<!tpu.dma_semaphore, #tpu.memory_space<semaphore_mem>>)
    %add3A_421 = arith.constant 3400 : i32
    %add3A_422 = arith.addi %mul3A_2, %add3A_421 : i32
    %dma_wait3A_423 = arith.constant 0 : i32
    %dma_wait3A_424 = tpu.memref_slice %arg2[%add3A_422, %dma_wait3A_423] : memref<320000x16xf32, #tpu.memory_space<hbm>> -> memref<200x16xf32, #tpu.memory_space<hbm>>
    %dma_wait3A_425 = arith.constant 0 : i32
    %dma_wait3A_426 = tpu.memref_slice %arg2[%add3A_422, %dma_wait3A_425] : memref<320000x16xf32, #tpu.memory_space<hbm>> -> memref<200x16xf32, #tpu.memory_space<hbm>>
    tpu.wait_dma2 semaphore(%arg9 : memref<!tpu.dma_semaphore, #tpu.memory_space<semaphore_mem>>) src(%dma_wait3A_426 : memref<200x16xf32, #tpu.memory_space<hbm>>) dst(%arg5 : memref<200x16xf32, #tpu.memory_space<vmem>>)
    %add3A_427 = arith.constant 3400 : i32
    %add3A_428 = arith.addi %mul3A_2, %add3A_427 : i32
    %dma_start3A_429 = arith.constant 0 : i32
    %dma_start3A_430 = tpu.memref_slice %arg3[%add3A_428, %dma_start3A_429] : memref<320000x16xf32, #tpu.memory_space<hbm>> -> memref<200x16xf32, #tpu.memory_space<hbm>>
    %dma_start3A_431 = arith.constant 0 : i32
    %dma_start3A_432 = tpu.memref_slice %arg3[%add3A_428, %dma_start3A_431] : memref<320000x16xf32, #tpu.memory_space<hbm>> -> memref<200x16xf32, #tpu.memory_space<hbm>>
    tpu.enqueue_dma source(%arg5 : memref<200x16xf32, #tpu.memory_space<vmem>>) target(%dma_start3A_432 : memref<200x16xf32, #tpu.memory_space<hbm>>) target_semaphore(%arg13 : memref<!tpu.dma_semaphore, #tpu.memory_space<semaphore_mem>>)
    %add3A_433 = arith.constant 3200 : i32
    %add3A_434 = arith.addi %mul3A_2, %add3A_433 : i32
    %dma_wait3A_435 = arith.constant 0 : i32
    %dma_wait3A_436 = tpu.memref_slice %arg3[%add3A_434, %dma_wait3A_435] : memref<320000x16xf32, #tpu.memory_space<hbm>> -> memref<200x16xf32, #tpu.memory_space<hbm>>
    %dma_wait3A_437 = arith.constant 0 : i32
    %dma_wait3A_438 = tpu.memref_slice %arg3[%add3A_434, %dma_wait3A_437] : memref<320000x16xf32, #tpu.memory_space<hbm>> -> memref<200x16xf32, #tpu.memory_space<hbm>>
    tpu.wait_dma2 semaphore(%arg12 : memref<!tpu.dma_semaphore, #tpu.memory_space<semaphore_mem>>) src(%arg4 : memref<200x16xf32, #tpu.memory_space<vmem>>) dst(%dma_wait3A_438 : memref<200x16xf32, #tpu.memory_space<hbm>>)
    %add3A_439 = arith.constant 4000 : i32
    %add3A_440 = arith.addi %mul3A_2, %add3A_439 : i32
    %dma_start3A_441 = arith.constant 0 : i32
    %dma_start3A_442 = tpu.memref_slice %arg2[%add3A_440, %dma_start3A_441] : memref<320000x16xf32, #tpu.memory_space<hbm>> -> memref<200x16xf32, #tpu.memory_space<hbm>>
    %dma_start3A_443 = arith.constant 0 : i32
    %dma_start3A_444 = tpu.memref_slice %arg2[%add3A_440, %dma_start3A_443] : memref<320000x16xf32, #tpu.memory_space<hbm>> -> memref<200x16xf32, #tpu.memory_space<hbm>>
    tpu.enqueue_dma source(%dma_start3A_444 : memref<200x16xf32, #tpu.memory_space<hbm>>) target(%arg4 : memref<200x16xf32, #tpu.memory_space<vmem>>) target_semaphore(%arg8 : memref<!tpu.dma_semaphore, #tpu.memory_space<semaphore_mem>>)
    %add3A_445 = arith.constant 3600 : i32
    %add3A_446 = arith.addi %mul3A_2, %add3A_445 : i32
    %dma_wait3A_447 = arith.constant 0 : i32
    %dma_wait3A_448 = tpu.memref_slice %arg2[%add3A_446, %dma_wait3A_447] : memref<320000x16xf32, #tpu.memory_space<hbm>> -> memref<200x16xf32, #tpu.memory_space<hbm>>
    %dma_wait3A_449 = arith.constant 0 : i32
    %dma_wait3A_450 = tpu.memref_slice %arg2[%add3A_446, %dma_wait3A_449] : memref<320000x16xf32, #tpu.memory_space<hbm>> -> memref<200x16xf32, #tpu.memory_space<hbm>>
    tpu.wait_dma2 semaphore(%arg10 : memref<!tpu.dma_semaphore, #tpu.memory_space<semaphore_mem>>) src(%dma_wait3A_450 : memref<200x16xf32, #tpu.memory_space<hbm>>) dst(%arg6 : memref<200x16xf32, #tpu.memory_space<vmem>>)
    %add3A_451 = arith.constant 3600 : i32
    %add3A_452 = arith.addi %mul3A_2, %add3A_451 : i32
    %dma_start3A_453 = arith.constant 0 : i32
    %dma_start3A_454 = tpu.memref_slice %arg3[%add3A_452, %dma_start3A_453] : memref<320000x16xf32, #tpu.memory_space<hbm>> -> memref<200x16xf32, #tpu.memory_space<hbm>>
    %dma_start3A_455 = arith.constant 0 : i32
    %dma_start3A_456 = tpu.memref_slice %arg3[%add3A_452, %dma_start3A_455] : memref<320000x16xf32, #tpu.memory_space<hbm>> -> memref<200x16xf32, #tpu.memory_space<hbm>>
    tpu.enqueue_dma source(%arg6 : memref<200x16xf32, #tpu.memory_space<vmem>>) target(%dma_start3A_456 : memref<200x16xf32, #tpu.memory_space<hbm>>) target_semaphore(%arg14 : memref<!tpu.dma_semaphore, #tpu.memory_space<semaphore_mem>>)
    %add3A_457 = arith.constant 3400 : i32
    %add3A_458 = arith.addi %mul3A_2, %add3A_457 : i32
    %dma_wait3A_459 = arith.constant 0 : i32
    %dma_wait3A_460 = tpu.memref_slice %arg3[%add3A_458, %dma_wait3A_459] : memref<320000x16xf32, #tpu.memory_space<hbm>> -> memref<200x16xf32, #tpu.memory_space<hbm>>
    %dma_wait3A_461 = arith.constant 0 : i32
    %dma_wait3A_462 = tpu.memref_slice %arg3[%add3A_458, %dma_wait3A_461] : memref<320000x16xf32, #tpu.memory_space<hbm>> -> memref<200x16xf32, #tpu.memory_space<hbm>>
    tpu.wait_dma2 semaphore(%arg13 : memref<!tpu.dma_semaphore, #tpu.memory_space<semaphore_mem>>) src(%arg5 : memref<200x16xf32, #tpu.memory_space<vmem>>) dst(%dma_wait3A_462 : memref<200x16xf32, #tpu.memory_space<hbm>>)
    %add3A_463 = arith.constant 4200 : i32
    %add3A_464 = arith.addi %mul3A_2, %add3A_463 : i32
    %dma_start3A_465 = arith.constant 0 : i32
    %dma_start3A_466 = tpu.memref_slice %arg2[%add3A_464, %dma_start3A_465] : memref<320000x16xf32, #tpu.memory_space<hbm>> -> memref<200x16xf32, #tpu.memory_space<hbm>>
    %dma_start3A_467 = arith.constant 0 : i32
    %dma_start3A_468 = tpu.memref_slice %arg2[%add3A_464, %dma_start3A_467] : memref<320000x16xf32, #tpu.memory_space<hbm>> -> memref<200x16xf32, #tpu.memory_space<hbm>>
    tpu.enqueue_dma source(%dma_start3A_468 : memref<200x16xf32, #tpu.memory_space<hbm>>) target(%arg5 : memref<200x16xf32, #tpu.memory_space<vmem>>) target_semaphore(%arg9 : memref<!tpu.dma_semaphore, #tpu.memory_space<semaphore_mem>>)
    %add3A_469 = arith.constant 3800 : i32
    %add3A_470 = arith.addi %mul3A_2, %add3A_469 : i32
    %dma_wait3A_471 = arith.constant 0 : i32
    %dma_wait3A_472 = tpu.memref_slice %arg2[%add3A_470, %dma_wait3A_471] : memref<320000x16xf32, #tpu.memory_space<hbm>> -> memref<200x16xf32, #tpu.memory_space<hbm>>
    %dma_wait3A_473 = arith.constant 0 : i32
    %dma_wait3A_474 = tpu.memref_slice %arg2[%add3A_470, %dma_wait3A_473] : memref<320000x16xf32, #tpu.memory_space<hbm>> -> memref<200x16xf32, #tpu.memory_space<hbm>>
    tpu.wait_dma2 semaphore(%arg11 : memref<!tpu.dma_semaphore, #tpu.memory_space<semaphore_mem>>) src(%dma_wait3A_474 : memref<200x16xf32, #tpu.memory_space<hbm>>) dst(%arg7 : memref<200x16xf32, #tpu.memory_space<vmem>>)
    %add3A_475 = arith.constant 3800 : i32
    %add3A_476 = arith.addi %mul3A_2, %add3A_475 : i32
    %dma_start3A_477 = arith.constant 0 : i32
    %dma_start3A_478 = tpu.memref_slice %arg3[%add3A_476, %dma_start3A_477] : memref<320000x16xf32, #tpu.memory_space<hbm>> -> memref<200x16xf32, #tpu.memory_space<hbm>>
    %dma_start3A_479 = arith.constant 0 : i32
    %dma_start3A_480 = tpu.memref_slice %arg3[%add3A_476, %dma_start3A_479] : memref<320000x16xf32, #tpu.memory_space<hbm>> -> memref<200x16xf32, #tpu.memory_space<hbm>>
    tpu.enqueue_dma source(%arg7 : memref<200x16xf32, #tpu.memory_space<vmem>>) target(%dma_start3A_480 : memref<200x16xf32, #tpu.memory_space<hbm>>) target_semaphore(%arg15 : memref<!tpu.dma_semaphore, #tpu.memory_space<semaphore_mem>>)
    %add3A_481 = arith.constant 3600 : i32
    %add3A_482 = arith.addi %mul3A_2, %add3A_481 : i32
    %dma_wait3A_483 = arith.constant 0 : i32
    %dma_wait3A_484 = tpu.memref_slice %arg3[%add3A_482, %dma_wait3A_483] : memref<320000x16xf32, #tpu.memory_space<hbm>> -> memref<200x16xf32, #tpu.memory_space<hbm>>
    %dma_wait3A_485 = arith.constant 0 : i32
    %dma_wait3A_486 = tpu.memref_slice %arg3[%add3A_482, %dma_wait3A_485] : memref<320000x16xf32, #tpu.memory_space<hbm>> -> memref<200x16xf32, #tpu.memory_space<hbm>>
    tpu.wait_dma2 semaphore(%arg14 : memref<!tpu.dma_semaphore, #tpu.memory_space<semaphore_mem>>) src(%arg6 : memref<200x16xf32, #tpu.memory_space<vmem>>) dst(%dma_wait3A_486 : memref<200x16xf32, #tpu.memory_space<hbm>>)
    %add3A_487 = arith.constant 4400 : i32
    %add3A_488 = arith.addi %mul3A_2, %add3A_487 : i32
    %dma_start3A_489 = arith.constant 0 : i32
    %dma_start3A_490 = tpu.memref_slice %arg2[%add3A_488, %dma_start3A_489] : memref<320000x16xf32, #tpu.memory_space<hbm>> -> memref<200x16xf32, #tpu.memory_space<hbm>>
    %dma_start3A_491 = arith.constant 0 : i32
    %dma_start3A_492 = tpu.memref_slice %arg2[%add3A_488, %dma_start3A_491] : memref<320000x16xf32, #tpu.memory_space<hbm>> -> memref<200x16xf32, #tpu.memory_space<hbm>>
    tpu.enqueue_dma source(%dma_start3A_492 : memref<200x16xf32, #tpu.memory_space<hbm>>) target(%arg6 : memref<200x16xf32, #tpu.memory_space<vmem>>) target_semaphore(%arg10 : memref<!tpu.dma_semaphore, #tpu.memory_space<semaphore_mem>>)
    %add3A_493 = arith.constant 4000 : i32
    %add3A_494 = arith.addi %mul3A_2, %add3A_493 : i32
    %dma_wait3A_495 = arith.constant 0 : i32
    %dma_wait3A_496 = tpu.memref_slice %arg2[%add3A_494, %dma_wait3A_495] : memref<320000x16xf32, #tpu.memory_space<hbm>> -> memref<200x16xf32, #tpu.memory_space<hbm>>
    %dma_wait3A_497 = arith.constant 0 : i32
    %dma_wait3A_498 = tpu.memref_slice %arg2[%add3A_494, %dma_wait3A_497] : memref<320000x16xf32, #tpu.memory_space<hbm>> -> memref<200x16xf32, #tpu.memory_space<hbm>>
    tpu.wait_dma2 semaphore(%arg8 : memref<!tpu.dma_semaphore, #tpu.memory_space<semaphore_mem>>) src(%dma_wait3A_498 : memref<200x16xf32, #tpu.memory_space<hbm>>) dst(%arg4 : memref<200x16xf32, #tpu.memory_space<vmem>>)
    %add3A_499 = arith.constant 4000 : i32
    %add3A_500 = arith.addi %mul3A_2, %add3A_499 : i32
    %dma_start3A_501 = arith.constant 0 : i32
    %dma_start3A_502 = tpu.memref_slice %arg3[%add3A_500, %dma_start3A_501] : memref<320000x16xf32, #tpu.memory_space<hbm>> -> memref<200x16xf32, #tpu.memory_space<hbm>>
    %dma_start3A_503 = arith.constant 0 : i32
    %dma_start3A_504 = tpu.memref_slice %arg3[%add3A_500, %dma_start3A_503] : memref<320000x16xf32, #tpu.memory_space<hbm>> -> memref<200x16xf32, #tpu.memory_space<hbm>>
    tpu.enqueue_dma source(%arg4 : memref<200x16xf32, #tpu.memory_space<vmem>>) target(%dma_start3A_504 : memref<200x16xf32, #tpu.memory_space<hbm>>) target_semaphore(%arg12 : memref<!tpu.dma_semaphore, #tpu.memory_space<semaphore_mem>>)
    %add3A_505 = arith.constant 3800 : i32
    %add3A_506 = arith.addi %mul3A_2, %add3A_505 : i32
    %dma_wait3A_507 = arith.constant 0 : i32
    %dma_wait3A_508 = tpu.memref_slice %arg3[%add3A_506, %dma_wait3A_507] : memref<320000x16xf32, #tpu.memory_space<hbm>> -> memref<200x16xf32, #tpu.memory_space<hbm>>
    %dma_wait3A_509 = arith.constant 0 : i32
    %dma_wait3A_510 = tpu.memref_slice %arg3[%add3A_506, %dma_wait3A_509] : memref<320000x16xf32, #tpu.memory_space<hbm>> -> memref<200x16xf32, #tpu.memory_space<hbm>>
    tpu.wait_dma2 semaphore(%arg15 : memref<!tpu.dma_semaphore, #tpu.memory_space<semaphore_mem>>) src(%arg7 : memref<200x16xf32, #tpu.memory_space<vmem>>) dst(%dma_wait3A_510 : memref<200x16xf32, #tpu.memory_space<hbm>>)
    %add3A_511 = arith.constant 4600 : i32
    %add3A_512 = arith.addi %mul3A_2, %add3A_511 : i32
    %dma_start3A_513 = arith.constant 0 : i32
    %dma_start3A_514 = tpu.memref_slice %arg2[%add3A_512, %dma_start3A_513] : memref<320000x16xf32, #tpu.memory_space<hbm>> -> memref<200x16xf32, #tpu.memory_space<hbm>>
    %dma_start3A_515 = arith.constant 0 : i32
    %dma_start3A_516 = tpu.memref_slice %arg2[%add3A_512, %dma_start3A_515] : memref<320000x16xf32, #tpu.memory_space<hbm>> -> memref<200x16xf32, #tpu.memory_space<hbm>>
    tpu.enqueue_dma source(%dma_start3A_516 : memref<200x16xf32, #tpu.memory_space<hbm>>) target(%arg7 : memref<200x16xf32, #tpu.memory_space<vmem>>) target_semaphore(%arg11 : memref<!tpu.dma_semaphore, #tpu.memory_space<semaphore_mem>>)
    %add3A_517 = arith.constant 4200 : i32
    %add3A_518 = arith.addi %mul3A_2, %add3A_517 : i32
    %dma_wait3A_519 = arith.constant 0 : i32
    %dma_wait3A_520 = tpu.memref_slice %arg2[%add3A_518, %dma_wait3A_519] : memref<320000x16xf32, #tpu.memory_space<hbm>> -> memref<200x16xf32, #tpu.memory_space<hbm>>
    %dma_wait3A_521 = arith.constant 0 : i32
    %dma_wait3A_522 = tpu.memref_slice %arg2[%add3A_518, %dma_wait3A_521] : memref<320000x16xf32, #tpu.memory_space<hbm>> -> memref<200x16xf32, #tpu.memory_space<hbm>>
    tpu.wait_dma2 semaphore(%arg9 : memref<!tpu.dma_semaphore, #tpu.memory_space<semaphore_mem>>) src(%dma_wait3A_522 : memref<200x16xf32, #tpu.memory_space<hbm>>) dst(%arg5 : memref<200x16xf32, #tpu.memory_space<vmem>>)
    %add3A_523 = arith.constant 4200 : i32
    %add3A_524 = arith.addi %mul3A_2, %add3A_523 : i32
    %dma_start3A_525 = arith.constant 0 : i32
    %dma_start3A_526 = tpu.memref_slice %arg3[%add3A_524, %dma_start3A_525] : memref<320000x16xf32, #tpu.memory_space<hbm>> -> memref<200x16xf32, #tpu.memory_space<hbm>>
    %dma_start3A_527 = arith.constant 0 : i32
    %dma_start3A_528 = tpu.memref_slice %arg3[%add3A_524, %dma_start3A_527] : memref<320000x16xf32, #tpu.memory_space<hbm>> -> memref<200x16xf32, #tpu.memory_space<hbm>>
    tpu.enqueue_dma source(%arg5 : memref<200x16xf32, #tpu.memory_space<vmem>>) target(%dma_start3A_528 : memref<200x16xf32, #tpu.memory_space<hbm>>) target_semaphore(%arg13 : memref<!tpu.dma_semaphore, #tpu.memory_space<semaphore_mem>>)
    %add3A_529 = arith.constant 4000 : i32
    %add3A_530 = arith.addi %mul3A_2, %add3A_529 : i32
    %dma_wait3A_531 = arith.constant 0 : i32
    %dma_wait3A_532 = tpu.memref_slice %arg3[%add3A_530, %dma_wait3A_531] : memref<320000x16xf32, #tpu.memory_space<hbm>> -> memref<200x16xf32, #tpu.memory_space<hbm>>
    %dma_wait3A_533 = arith.constant 0 : i32
    %dma_wait3A_534 = tpu.memref_slice %arg3[%add3A_530, %dma_wait3A_533] : memref<320000x16xf32, #tpu.memory_space<hbm>> -> memref<200x16xf32, #tpu.memory_space<hbm>>
    tpu.wait_dma2 semaphore(%arg12 : memref<!tpu.dma_semaphore, #tpu.memory_space<semaphore_mem>>) src(%arg4 : memref<200x16xf32, #tpu.memory_space<vmem>>) dst(%dma_wait3A_534 : memref<200x16xf32, #tpu.memory_space<hbm>>)
    %add3A_535 = arith.constant 4800 : i32
    %add3A_536 = arith.addi %mul3A_2, %add3A_535 : i32
    %dma_start3A_537 = arith.constant 0 : i32
    %dma_start3A_538 = tpu.memref_slice %arg2[%add3A_536, %dma_start3A_537] : memref<320000x16xf32, #tpu.memory_space<hbm>> -> memref<200x16xf32, #tpu.memory_space<hbm>>
    %dma_start3A_539 = arith.constant 0 : i32
    %dma_start3A_540 = tpu.memref_slice %arg2[%add3A_536, %dma_start3A_539] : memref<320000x16xf32, #tpu.memory_space<hbm>> -> memref<200x16xf32, #tpu.memory_space<hbm>>
    tpu.enqueue_dma source(%dma_start3A_540 : memref<200x16xf32, #tpu.memory_space<hbm>>) target(%arg4 : memref<200x16xf32, #tpu.memory_space<vmem>>) target_semaphore(%arg8 : memref<!tpu.dma_semaphore, #tpu.memory_space<semaphore_mem>>)
    %add3A_541 = arith.constant 4400 : i32
    %add3A_542 = arith.addi %mul3A_2, %add3A_541 : i32
    %dma_wait3A_543 = arith.constant 0 : i32
    %dma_wait3A_544 = tpu.memref_slice %arg2[%add3A_542, %dma_wait3A_543] : memref<320000x16xf32, #tpu.memory_space<hbm>> -> memref<200x16xf32, #tpu.memory_space<hbm>>
    %dma_wait3A_545 = arith.constant 0 : i32
    %dma_wait3A_546 = tpu.memref_slice %arg2[%add3A_542, %dma_wait3A_545] : memref<320000x16xf32, #tpu.memory_space<hbm>> -> memref<200x16xf32, #tpu.memory_space<hbm>>
    tpu.wait_dma2 semaphore(%arg10 : memref<!tpu.dma_semaphore, #tpu.memory_space<semaphore_mem>>) src(%dma_wait3A_546 : memref<200x16xf32, #tpu.memory_space<hbm>>) dst(%arg6 : memref<200x16xf32, #tpu.memory_space<vmem>>)
    %add3A_547 = arith.constant 4400 : i32
    %add3A_548 = arith.addi %mul3A_2, %add3A_547 : i32
    %dma_start3A_549 = arith.constant 0 : i32
    %dma_start3A_550 = tpu.memref_slice %arg3[%add3A_548, %dma_start3A_549] : memref<320000x16xf32, #tpu.memory_space<hbm>> -> memref<200x16xf32, #tpu.memory_space<hbm>>
    %dma_start3A_551 = arith.constant 0 : i32
    %dma_start3A_552 = tpu.memref_slice %arg3[%add3A_548, %dma_start3A_551] : memref<320000x16xf32, #tpu.memory_space<hbm>> -> memref<200x16xf32, #tpu.memory_space<hbm>>
    tpu.enqueue_dma source(%arg6 : memref<200x16xf32, #tpu.memory_space<vmem>>) target(%dma_start3A_552 : memref<200x16xf32, #tpu.memory_space<hbm>>) target_semaphore(%arg14 : memref<!tpu.dma_semaphore, #tpu.memory_space<semaphore_mem>>)
    %add3A_553 = arith.constant 4200 : i32
    %add3A_554 = arith.addi %mul3A_2, %add3A_553 : i32
    %dma_wait3A_555 = arith.constant 0 : i32
    %dma_wait3A_556 = tpu.memref_slice %arg3[%add3A_554, %dma_wait3A_555] : memref<320000x16xf32, #tpu.memory_space<hbm>> -> memref<200x16xf32, #tpu.memory_space<hbm>>
    %dma_wait3A_557 = arith.constant 0 : i32
    %dma_wait3A_558 = tpu.memref_slice %arg3[%add3A_554, %dma_wait3A_557] : memref<320000x16xf32, #tpu.memory_space<hbm>> -> memref<200x16xf32, #tpu.memory_space<hbm>>
    tpu.wait_dma2 semaphore(%arg13 : memref<!tpu.dma_semaphore, #tpu.memory_space<semaphore_mem>>) src(%arg5 : memref<200x16xf32, #tpu.memory_space<vmem>>) dst(%dma_wait3A_558 : memref<200x16xf32, #tpu.memory_space<hbm>>)
    %add3A_559 = arith.constant 5000 : i32
    %add3A_560 = arith.addi %mul3A_2, %add3A_559 : i32
    %dma_start3A_561 = arith.constant 0 : i32
    %dma_start3A_562 = tpu.memref_slice %arg2[%add3A_560, %dma_start3A_561] : memref<320000x16xf32, #tpu.memory_space<hbm>> -> memref<200x16xf32, #tpu.memory_space<hbm>>
    %dma_start3A_563 = arith.constant 0 : i32
    %dma_start3A_564 = tpu.memref_slice %arg2[%add3A_560, %dma_start3A_563] : memref<320000x16xf32, #tpu.memory_space<hbm>> -> memref<200x16xf32, #tpu.memory_space<hbm>>
    tpu.enqueue_dma source(%dma_start3A_564 : memref<200x16xf32, #tpu.memory_space<hbm>>) target(%arg5 : memref<200x16xf32, #tpu.memory_space<vmem>>) target_semaphore(%arg9 : memref<!tpu.dma_semaphore, #tpu.memory_space<semaphore_mem>>)
    %add3A_565 = arith.constant 4600 : i32
    %add3A_566 = arith.addi %mul3A_2, %add3A_565 : i32
    %dma_wait3A_567 = arith.constant 0 : i32
    %dma_wait3A_568 = tpu.memref_slice %arg2[%add3A_566, %dma_wait3A_567] : memref<320000x16xf32, #tpu.memory_space<hbm>> -> memref<200x16xf32, #tpu.memory_space<hbm>>
    %dma_wait3A_569 = arith.constant 0 : i32
    %dma_wait3A_570 = tpu.memref_slice %arg2[%add3A_566, %dma_wait3A_569] : memref<320000x16xf32, #tpu.memory_space<hbm>> -> memref<200x16xf32, #tpu.memory_space<hbm>>
    tpu.wait_dma2 semaphore(%arg11 : memref<!tpu.dma_semaphore, #tpu.memory_space<semaphore_mem>>) src(%dma_wait3A_570 : memref<200x16xf32, #tpu.memory_space<hbm>>) dst(%arg7 : memref<200x16xf32, #tpu.memory_space<vmem>>)
    %add3A_571 = arith.constant 4600 : i32
    %add3A_572 = arith.addi %mul3A_2, %add3A_571 : i32
    %dma_start3A_573 = arith.constant 0 : i32
    %dma_start3A_574 = tpu.memref_slice %arg3[%add3A_572, %dma_start3A_573] : memref<320000x16xf32, #tpu.memory_space<hbm>> -> memref<200x16xf32, #tpu.memory_space<hbm>>
    %dma_start3A_575 = arith.constant 0 : i32
    %dma_start3A_576 = tpu.memref_slice %arg3[%add3A_572, %dma_start3A_575] : memref<320000x16xf32, #tpu.memory_space<hbm>> -> memref<200x16xf32, #tpu.memory_space<hbm>>
    tpu.enqueue_dma source(%arg7 : memref<200x16xf32, #tpu.memory_space<vmem>>) target(%dma_start3A_576 : memref<200x16xf32, #tpu.memory_space<hbm>>) target_semaphore(%arg15 : memref<!tpu.dma_semaphore, #tpu.memory_space<semaphore_mem>>)
    %add3A_577 = arith.constant 4400 : i32
    %add3A_578 = arith.addi %mul3A_2, %add3A_577 : i32
    %dma_wait3A_579 = arith.constant 0 : i32
    %dma_wait3A_580 = tpu.memref_slice %arg3[%add3A_578, %dma_wait3A_579] : memref<320000x16xf32, #tpu.memory_space<hbm>> -> memref<200x16xf32, #tpu.memory_space<hbm>>
    %dma_wait3A_581 = arith.constant 0 : i32
    %dma_wait3A_582 = tpu.memref_slice %arg3[%add3A_578, %dma_wait3A_581] : memref<320000x16xf32, #tpu.memory_space<hbm>> -> memref<200x16xf32, #tpu.memory_space<hbm>>
    tpu.wait_dma2 semaphore(%arg14 : memref<!tpu.dma_semaphore, #tpu.memory_space<semaphore_mem>>) src(%arg6 : memref<200x16xf32, #tpu.memory_space<vmem>>) dst(%dma_wait3A_582 : memref<200x16xf32, #tpu.memory_space<hbm>>)
    %add3A_583 = arith.constant 5200 : i32
    %add3A_584 = arith.addi %mul3A_2, %add3A_583 : i32
    %dma_start3A_585 = arith.constant 0 : i32
    %dma_start3A_586 = tpu.memref_slice %arg2[%add3A_584, %dma_start3A_585] : memref<320000x16xf32, #tpu.memory_space<hbm>> -> memref<200x16xf32, #tpu.memory_space<hbm>>
    %dma_start3A_587 = arith.constant 0 : i32
    %dma_start3A_588 = tpu.memref_slice %arg2[%add3A_584, %dma_start3A_587] : memref<320000x16xf32, #tpu.memory_space<hbm>> -> memref<200x16xf32, #tpu.memory_space<hbm>>
    tpu.enqueue_dma source(%dma_start3A_588 : memref<200x16xf32, #tpu.memory_space<hbm>>) target(%arg6 : memref<200x16xf32, #tpu.memory_space<vmem>>) target_semaphore(%arg10 : memref<!tpu.dma_semaphore, #tpu.memory_space<semaphore_mem>>)
    %add3A_589 = arith.constant 4800 : i32
    %add3A_590 = arith.addi %mul3A_2, %add3A_589 : i32
    %dma_wait3A_591 = arith.constant 0 : i32
    %dma_wait3A_592 = tpu.memref_slice %arg2[%add3A_590, %dma_wait3A_591] : memref<320000x16xf32, #tpu.memory_space<hbm>> -> memref<200x16xf32, #tpu.memory_space<hbm>>
    %dma_wait3A_593 = arith.constant 0 : i32
    %dma_wait3A_594 = tpu.memref_slice %arg2[%add3A_590, %dma_wait3A_593] : memref<320000x16xf32, #tpu.memory_space<hbm>> -> memref<200x16xf32, #tpu.memory_space<hbm>>
    tpu.wait_dma2 semaphore(%arg8 : memref<!tpu.dma_semaphore, #tpu.memory_space<semaphore_mem>>) src(%dma_wait3A_594 : memref<200x16xf32, #tpu.memory_space<hbm>>) dst(%arg4 : memref<200x16xf32, #tpu.memory_space<vmem>>)
    %add3A_595 = arith.constant 4800 : i32
    %add3A_596 = arith.addi %mul3A_2, %add3A_595 : i32
    %dma_start3A_597 = arith.constant 0 : i32
    %dma_start3A_598 = tpu.memref_slice %arg3[%add3A_596, %dma_start3A_597] : memref<320000x16xf32, #tpu.memory_space<hbm>> -> memref<200x16xf32, #tpu.memory_space<hbm>>
    %dma_start3A_599 = arith.constant 0 : i32
    %dma_start3A_600 = tpu.memref_slice %arg3[%add3A_596, %dma_start3A_599] : memref<320000x16xf32, #tpu.memory_space<hbm>> -> memref<200x16xf32, #tpu.memory_space<hbm>>
    tpu.enqueue_dma source(%arg4 : memref<200x16xf32, #tpu.memory_space<vmem>>) target(%dma_start3A_600 : memref<200x16xf32, #tpu.memory_space<hbm>>) target_semaphore(%arg12 : memref<!tpu.dma_semaphore, #tpu.memory_space<semaphore_mem>>)
    %add3A_601 = arith.constant 4600 : i32
    %add3A_602 = arith.addi %mul3A_2, %add3A_601 : i32
    %dma_wait3A_603 = arith.constant 0 : i32
    %dma_wait3A_604 = tpu.memref_slice %arg3[%add3A_602, %dma_wait3A_603] : memref<320000x16xf32, #tpu.memory_space<hbm>> -> memref<200x16xf32, #tpu.memory_space<hbm>>
    %dma_wait3A_605 = arith.constant 0 : i32
    %dma_wait3A_606 = tpu.memref_slice %arg3[%add3A_602, %dma_wait3A_605] : memref<320000x16xf32, #tpu.memory_space<hbm>> -> memref<200x16xf32, #tpu.memory_space<hbm>>
    tpu.wait_dma2 semaphore(%arg15 : memref<!tpu.dma_semaphore, #tpu.memory_space<semaphore_mem>>) src(%arg7 : memref<200x16xf32, #tpu.memory_space<vmem>>) dst(%dma_wait3A_606 : memref<200x16xf32, #tpu.memory_space<hbm>>)
    %add3A_607 = arith.constant 5400 : i32
    %add3A_608 = arith.addi %mul3A_2, %add3A_607 : i32
    %dma_start3A_609 = arith.constant 0 : i32
    %dma_start3A_610 = tpu.memref_slice %arg2[%add3A_608, %dma_start3A_609] : memref<320000x16xf32, #tpu.memory_space<hbm>> -> memref<200x16xf32, #tpu.memory_space<hbm>>
    %dma_start3A_611 = arith.constant 0 : i32
    %dma_start3A_612 = tpu.memref_slice %arg2[%add3A_608, %dma_start3A_611] : memref<320000x16xf32, #tpu.memory_space<hbm>> -> memref<200x16xf32, #tpu.memory_space<hbm>>
    tpu.enqueue_dma source(%dma_start3A_612 : memref<200x16xf32, #tpu.memory_space<hbm>>) target(%arg7 : memref<200x16xf32, #tpu.memory_space<vmem>>) target_semaphore(%arg11 : memref<!tpu.dma_semaphore, #tpu.memory_space<semaphore_mem>>)
    %add3A_613 = arith.constant 5000 : i32
    %add3A_614 = arith.addi %mul3A_2, %add3A_613 : i32
    %dma_wait3A_615 = arith.constant 0 : i32
    %dma_wait3A_616 = tpu.memref_slice %arg2[%add3A_614, %dma_wait3A_615] : memref<320000x16xf32, #tpu.memory_space<hbm>> -> memref<200x16xf32, #tpu.memory_space<hbm>>
    %dma_wait3A_617 = arith.constant 0 : i32
    %dma_wait3A_618 = tpu.memref_slice %arg2[%add3A_614, %dma_wait3A_617] : memref<320000x16xf32, #tpu.memory_space<hbm>> -> memref<200x16xf32, #tpu.memory_space<hbm>>
    tpu.wait_dma2 semaphore(%arg9 : memref<!tpu.dma_semaphore, #tpu.memory_space<semaphore_mem>>) src(%dma_wait3A_618 : memref<200x16xf32, #tpu.memory_space<hbm>>) dst(%arg5 : memref<200x16xf32, #tpu.memory_space<vmem>>)
    %add3A_619 = arith.constant 5000 : i32
    %add3A_620 = arith.addi %mul3A_2, %add3A_619 : i32
    %dma_start3A_621 = arith.constant 0 : i32
    %dma_start3A_622 = tpu.memref_slice %arg3[%add3A_620, %dma_start3A_621] : memref<320000x16xf32, #tpu.memory_space<hbm>> -> memref<200x16xf32, #tpu.memory_space<hbm>>
    %dma_start3A_623 = arith.constant 0 : i32
    %dma_start3A_624 = tpu.memref_slice %arg3[%add3A_620, %dma_start3A_623] : memref<320000x16xf32, #tpu.memory_space<hbm>> -> memref<200x16xf32, #tpu.memory_space<hbm>>
    tpu.enqueue_dma source(%arg5 : memref<200x16xf32, #tpu.memory_space<vmem>>) target(%dma_start3A_624 : memref<200x16xf32, #tpu.memory_space<hbm>>) target_semaphore(%arg13 : memref<!tpu.dma_semaphore, #tpu.memory_space<semaphore_mem>>)
    %add3A_625 = arith.constant 4800 : i32
    %add3A_626 = arith.addi %mul3A_2, %add3A_625 : i32
    %dma_wait3A_627 = arith.constant 0 : i32
    %dma_wait3A_628 = tpu.memref_slice %arg3[%add3A_626, %dma_wait3A_627] : memref<320000x16xf32, #tpu.memory_space<hbm>> -> memref<200x16xf32, #tpu.memory_space<hbm>>
    %dma_wait3A_629 = arith.constant 0 : i32
    %dma_wait3A_630 = tpu.memref_slice %arg3[%add3A_626, %dma_wait3A_629] : memref<320000x16xf32, #tpu.memory_space<hbm>> -> memref<200x16xf32, #tpu.memory_space<hbm>>
    tpu.wait_dma2 semaphore(%arg12 : memref<!tpu.dma_semaphore, #tpu.memory_space<semaphore_mem>>) src(%arg4 : memref<200x16xf32, #tpu.memory_space<vmem>>) dst(%dma_wait3A_630 : memref<200x16xf32, #tpu.memory_space<hbm>>)
    %add3A_631 = arith.constant 5600 : i32
    %add3A_632 = arith.addi %mul3A_2, %add3A_631 : i32
    %dma_start3A_633 = arith.constant 0 : i32
    %dma_start3A_634 = tpu.memref_slice %arg2[%add3A_632, %dma_start3A_633] : memref<320000x16xf32, #tpu.memory_space<hbm>> -> memref<200x16xf32, #tpu.memory_space<hbm>>
    %dma_start3A_635 = arith.constant 0 : i32
    %dma_start3A_636 = tpu.memref_slice %arg2[%add3A_632, %dma_start3A_635] : memref<320000x16xf32, #tpu.memory_space<hbm>> -> memref<200x16xf32, #tpu.memory_space<hbm>>
    tpu.enqueue_dma source(%dma_start3A_636 : memref<200x16xf32, #tpu.memory_space<hbm>>) target(%arg4 : memref<200x16xf32, #tpu.memory_space<vmem>>) target_semaphore(%arg8 : memref<!tpu.dma_semaphore, #tpu.memory_space<semaphore_mem>>)
    %add3A_637 = arith.constant 5200 : i32
    %add3A_638 = arith.addi %mul3A_2, %add3A_637 : i32
    %dma_wait3A_639 = arith.constant 0 : i32
    %dma_wait3A_640 = tpu.memref_slice %arg2[%add3A_638, %dma_wait3A_639] : memref<320000x16xf32, #tpu.memory_space<hbm>> -> memref<200x16xf32, #tpu.memory_space<hbm>>
    %dma_wait3A_641 = arith.constant 0 : i32
    %dma_wait3A_642 = tpu.memref_slice %arg2[%add3A_638, %dma_wait3A_641] : memref<320000x16xf32, #tpu.memory_space<hbm>> -> memref<200x16xf32, #tpu.memory_space<hbm>>
    tpu.wait_dma2 semaphore(%arg10 : memref<!tpu.dma_semaphore, #tpu.memory_space<semaphore_mem>>) src(%dma_wait3A_642 : memref<200x16xf32, #tpu.memory_space<hbm>>) dst(%arg6 : memref<200x16xf32, #tpu.memory_space<vmem>>)
    %add3A_643 = arith.constant 5200 : i32
    %add3A_644 = arith.addi %mul3A_2, %add3A_643 : i32
    %dma_start3A_645 = arith.constant 0 : i32
    %dma_start3A_646 = tpu.memref_slice %arg3[%add3A_644, %dma_start3A_645] : memref<320000x16xf32, #tpu.memory_space<hbm>> -> memref<200x16xf32, #tpu.memory_space<hbm>>
    %dma_start3A_647 = arith.constant 0 : i32
    %dma_start3A_648 = tpu.memref_slice %arg3[%add3A_644, %dma_start3A_647] : memref<320000x16xf32, #tpu.memory_space<hbm>> -> memref<200x16xf32, #tpu.memory_space<hbm>>
    tpu.enqueue_dma source(%arg6 : memref<200x16xf32, #tpu.memory_space<vmem>>) target(%dma_start3A_648 : memref<200x16xf32, #tpu.memory_space<hbm>>) target_semaphore(%arg14 : memref<!tpu.dma_semaphore, #tpu.memory_space<semaphore_mem>>)
    %add3A_649 = arith.constant 5000 : i32
    %add3A_650 = arith.addi %mul3A_2, %add3A_649 : i32
    %dma_wait3A_651 = arith.constant 0 : i32
    %dma_wait3A_652 = tpu.memref_slice %arg3[%add3A_650, %dma_wait3A_651] : memref<320000x16xf32, #tpu.memory_space<hbm>> -> memref<200x16xf32, #tpu.memory_space<hbm>>
    %dma_wait3A_653 = arith.constant 0 : i32
    %dma_wait3A_654 = tpu.memref_slice %arg3[%add3A_650, %dma_wait3A_653] : memref<320000x16xf32, #tpu.memory_space<hbm>> -> memref<200x16xf32, #tpu.memory_space<hbm>>
    tpu.wait_dma2 semaphore(%arg13 : memref<!tpu.dma_semaphore, #tpu.memory_space<semaphore_mem>>) src(%arg5 : memref<200x16xf32, #tpu.memory_space<vmem>>) dst(%dma_wait3A_654 : memref<200x16xf32, #tpu.memory_space<hbm>>)
    %add3A_655 = arith.constant 5800 : i32
    %add3A_656 = arith.addi %mul3A_2, %add3A_655 : i32
    %dma_start3A_657 = arith.constant 0 : i32
    %dma_start3A_658 = tpu.memref_slice %arg2[%add3A_656, %dma_start3A_657] : memref<320000x16xf32, #tpu.memory_space<hbm>> -> memref<200x16xf32, #tpu.memory_space<hbm>>
    %dma_start3A_659 = arith.constant 0 : i32
    %dma_start3A_660 = tpu.memref_slice %arg2[%add3A_656, %dma_start3A_659] : memref<320000x16xf32, #tpu.memory_space<hbm>> -> memref<200x16xf32, #tpu.memory_space<hbm>>
    tpu.enqueue_dma source(%dma_start3A_660 : memref<200x16xf32, #tpu.memory_space<hbm>>) target(%arg5 : memref<200x16xf32, #tpu.memory_space<vmem>>) target_semaphore(%arg9 : memref<!tpu.dma_semaphore, #tpu.memory_space<semaphore_mem>>)
    %add3A_661 = arith.constant 5400 : i32
    %add3A_662 = arith.addi %mul3A_2, %add3A_661 : i32
    %dma_wait3A_663 = arith.constant 0 : i32
    %dma_wait3A_664 = tpu.memref_slice %arg2[%add3A_662, %dma_wait3A_663] : memref<320000x16xf32, #tpu.memory_space<hbm>> -> memref<200x16xf32, #tpu.memory_space<hbm>>
    %dma_wait3A_665 = arith.constant 0 : i32
    %dma_wait3A_666 = tpu.memref_slice %arg2[%add3A_662, %dma_wait3A_665] : memref<320000x16xf32, #tpu.memory_space<hbm>> -> memref<200x16xf32, #tpu.memory_space<hbm>>
    tpu.wait_dma2 semaphore(%arg11 : memref<!tpu.dma_semaphore, #tpu.memory_space<semaphore_mem>>) src(%dma_wait3A_666 : memref<200x16xf32, #tpu.memory_space<hbm>>) dst(%arg7 : memref<200x16xf32, #tpu.memory_space<vmem>>)
    %add3A_667 = arith.constant 5400 : i32
    %add3A_668 = arith.addi %mul3A_2, %add3A_667 : i32
    %dma_start3A_669 = arith.constant 0 : i32
    %dma_start3A_670 = tpu.memref_slice %arg3[%add3A_668, %dma_start3A_669] : memref<320000x16xf32, #tpu.memory_space<hbm>> -> memref<200x16xf32, #tpu.memory_space<hbm>>
    %dma_start3A_671 = arith.constant 0 : i32
    %dma_start3A_672 = tpu.memref_slice %arg3[%add3A_668, %dma_start3A_671] : memref<320000x16xf32, #tpu.memory_space<hbm>> -> memref<200x16xf32, #tpu.memory_space<hbm>>
    tpu.enqueue_dma source(%arg7 : memref<200x16xf32, #tpu.memory_space<vmem>>) target(%dma_start3A_672 : memref<200x16xf32, #tpu.memory_space<hbm>>) target_semaphore(%arg15 : memref<!tpu.dma_semaphore, #tpu.memory_space<semaphore_mem>>)
    %add3A_673 = arith.constant 5200 : i32
    %add3A_674 = arith.addi %mul3A_2, %add3A_673 : i32
    %dma_wait3A_675 = arith.constant 0 : i32
    %dma_wait3A_676 = tpu.memref_slice %arg3[%add3A_674, %dma_wait3A_675] : memref<320000x16xf32, #tpu.memory_space<hbm>> -> memref<200x16xf32, #tpu.memory_space<hbm>>
    %dma_wait3A_677 = arith.constant 0 : i32
    %dma_wait3A_678 = tpu.memref_slice %arg3[%add3A_674, %dma_wait3A_677] : memref<320000x16xf32, #tpu.memory_space<hbm>> -> memref<200x16xf32, #tpu.memory_space<hbm>>
    tpu.wait_dma2 semaphore(%arg14 : memref<!tpu.dma_semaphore, #tpu.memory_space<semaphore_mem>>) src(%arg6 : memref<200x16xf32, #tpu.memory_space<vmem>>) dst(%dma_wait3A_678 : memref<200x16xf32, #tpu.memory_space<hbm>>)
    %add3A_679 = arith.constant 6000 : i32
    %add3A_680 = arith.addi %mul3A_2, %add3A_679 : i32
    %dma_start3A_681 = arith.constant 0 : i32
    %dma_start3A_682 = tpu.memref_slice %arg2[%add3A_680, %dma_start3A_681] : memref<320000x16xf32, #tpu.memory_space<hbm>> -> memref<200x16xf32, #tpu.memory_space<hbm>>
    %dma_start3A_683 = arith.constant 0 : i32
    %dma_start3A_684 = tpu.memref_slice %arg2[%add3A_680, %dma_start3A_683] : memref<320000x16xf32, #tpu.memory_space<hbm>> -> memref<200x16xf32, #tpu.memory_space<hbm>>
    tpu.enqueue_dma source(%dma_start3A_684 : memref<200x16xf32, #tpu.memory_space<hbm>>) target(%arg6 : memref<200x16xf32, #tpu.memory_space<vmem>>) target_semaphore(%arg10 : memref<!tpu.dma_semaphore, #tpu.memory_space<semaphore_mem>>)
    %add3A_685 = arith.constant 5600 : i32
    %add3A_686 = arith.addi %mul3A_2, %add3A_685 : i32
    %dma_wait3A_687 = arith.constant 0 : i32
    %dma_wait3A_688 = tpu.memref_slice %arg2[%add3A_686, %dma_wait3A_687] : memref<320000x16xf32, #tpu.memory_space<hbm>> -> memref<200x16xf32, #tpu.memory_space<hbm>>
    %dma_wait3A_689 = arith.constant 0 : i32
    %dma_wait3A_690 = tpu.memref_slice %arg2[%add3A_686, %dma_wait3A_689] : memref<320000x16xf32, #tpu.memory_space<hbm>> -> memref<200x16xf32, #tpu.memory_space<hbm>>
    tpu.wait_dma2 semaphore(%arg8 : memref<!tpu.dma_semaphore, #tpu.memory_space<semaphore_mem>>) src(%dma_wait3A_690 : memref<200x16xf32, #tpu.memory_space<hbm>>) dst(%arg4 : memref<200x16xf32, #tpu.memory_space<vmem>>)
    %add3A_691 = arith.constant 5600 : i32
    %add3A_692 = arith.addi %mul3A_2, %add3A_691 : i32
    %dma_start3A_693 = arith.constant 0 : i32
    %dma_start3A_694 = tpu.memref_slice %arg3[%add3A_692, %dma_start3A_693] : memref<320000x16xf32, #tpu.memory_space<hbm>> -> memref<200x16xf32, #tpu.memory_space<hbm>>
    %dma_start3A_695 = arith.constant 0 : i32
    %dma_start3A_696 = tpu.memref_slice %arg3[%add3A_692, %dma_start3A_695] : memref<320000x16xf32, #tpu.memory_space<hbm>> -> memref<200x16xf32, #tpu.memory_space<hbm>>
    tpu.enqueue_dma source(%arg4 : memref<200x16xf32, #tpu.memory_space<vmem>>) target(%dma_start3A_696 : memref<200x16xf32, #tpu.memory_space<hbm>>) target_semaphore(%arg12 : memref<!tpu.dma_semaphore, #tpu.memory_space<semaphore_mem>>)
    %add3A_697 = arith.constant 5400 : i32
    %add3A_698 = arith.addi %mul3A_2, %add3A_697 : i32
    %dma_wait3A_699 = arith.constant 0 : i32
    %dma_wait3A_700 = tpu.memref_slice %arg3[%add3A_698, %dma_wait3A_699] : memref<320000x16xf32, #tpu.memory_space<hbm>> -> memref<200x16xf32, #tpu.memory_space<hbm>>
    %dma_wait3A_701 = arith.constant 0 : i32
    %dma_wait3A_702 = tpu.memref_slice %arg3[%add3A_698, %dma_wait3A_701] : memref<320000x16xf32, #tpu.memory_space<hbm>> -> memref<200x16xf32, #tpu.memory_space<hbm>>
    tpu.wait_dma2 semaphore(%arg15 : memref<!tpu.dma_semaphore, #tpu.memory_space<semaphore_mem>>) src(%arg7 : memref<200x16xf32, #tpu.memory_space<vmem>>) dst(%dma_wait3A_702 : memref<200x16xf32, #tpu.memory_space<hbm>>)
    %add3A_703 = arith.constant 6200 : i32
    %add3A_704 = arith.addi %mul3A_2, %add3A_703 : i32
    %dma_start3A_705 = arith.constant 0 : i32
    %dma_start3A_706 = tpu.memref_slice %arg2[%add3A_704, %dma_start3A_705] : memref<320000x16xf32, #tpu.memory_space<hbm>> -> memref<200x16xf32, #tpu.memory_space<hbm>>
    %dma_start3A_707 = arith.constant 0 : i32
    %dma_start3A_708 = tpu.memref_slice %arg2[%add3A_704, %dma_start3A_707] : memref<320000x16xf32, #tpu.memory_space<hbm>> -> memref<200x16xf32, #tpu.memory_space<hbm>>
    tpu.enqueue_dma source(%dma_start3A_708 : memref<200x16xf32, #tpu.memory_space<hbm>>) target(%arg7 : memref<200x16xf32, #tpu.memory_space<vmem>>) target_semaphore(%arg11 : memref<!tpu.dma_semaphore, #tpu.memory_space<semaphore_mem>>)
    %add3A_709 = arith.constant 5800 : i32
    %add3A_710 = arith.addi %mul3A_2, %add3A_709 : i32
    %dma_wait3A_711 = arith.constant 0 : i32
    %dma_wait3A_712 = tpu.memref_slice %arg2[%add3A_710, %dma_wait3A_711] : memref<320000x16xf32, #tpu.memory_space<hbm>> -> memref<200x16xf32, #tpu.memory_space<hbm>>
    %dma_wait3A_713 = arith.constant 0 : i32
    %dma_wait3A_714 = tpu.memref_slice %arg2[%add3A_710, %dma_wait3A_713] : memref<320000x16xf32, #tpu.memory_space<hbm>> -> memref<200x16xf32, #tpu.memory_space<hbm>>
    tpu.wait_dma2 semaphore(%arg9 : memref<!tpu.dma_semaphore, #tpu.memory_space<semaphore_mem>>) src(%dma_wait3A_714 : memref<200x16xf32, #tpu.memory_space<hbm>>) dst(%arg5 : memref<200x16xf32, #tpu.memory_space<vmem>>)
    %add3A_715 = arith.constant 5800 : i32
    %add3A_716 = arith.addi %mul3A_2, %add3A_715 : i32
    %dma_start3A_717 = arith.constant 0 : i32
    %dma_start3A_718 = tpu.memref_slice %arg3[%add3A_716, %dma_start3A_717] : memref<320000x16xf32, #tpu.memory_space<hbm>> -> memref<200x16xf32, #tpu.memory_space<hbm>>
    %dma_start3A_719 = arith.constant 0 : i32
    %dma_start3A_720 = tpu.memref_slice %arg3[%add3A_716, %dma_start3A_719] : memref<320000x16xf32, #tpu.memory_space<hbm>> -> memref<200x16xf32, #tpu.memory_space<hbm>>
    tpu.enqueue_dma source(%arg5 : memref<200x16xf32, #tpu.memory_space<vmem>>) target(%dma_start3A_720 : memref<200x16xf32, #tpu.memory_space<hbm>>) target_semaphore(%arg13 : memref<!tpu.dma_semaphore, #tpu.memory_space<semaphore_mem>>)
    %add3A_721 = arith.constant 5600 : i32
    %add3A_722 = arith.addi %mul3A_2, %add3A_721 : i32
    %dma_wait3A_723 = arith.constant 0 : i32
    %dma_wait3A_724 = tpu.memref_slice %arg3[%add3A_722, %dma_wait3A_723] : memref<320000x16xf32, #tpu.memory_space<hbm>> -> memref<200x16xf32, #tpu.memory_space<hbm>>
    %dma_wait3A_725 = arith.constant 0 : i32
    %dma_wait3A_726 = tpu.memref_slice %arg3[%add3A_722, %dma_wait3A_725] : memref<320000x16xf32, #tpu.memory_space<hbm>> -> memref<200x16xf32, #tpu.memory_space<hbm>>
    tpu.wait_dma2 semaphore(%arg12 : memref<!tpu.dma_semaphore, #tpu.memory_space<semaphore_mem>>) src(%arg4 : memref<200x16xf32, #tpu.memory_space<vmem>>) dst(%dma_wait3A_726 : memref<200x16xf32, #tpu.memory_space<hbm>>)
    %add3A_727 = arith.constant 6400 : i32
    %add3A_728 = arith.addi %mul3A_2, %add3A_727 : i32
    %dma_start3A_729 = arith.constant 0 : i32
    %dma_start3A_730 = tpu.memref_slice %arg2[%add3A_728, %dma_start3A_729] : memref<320000x16xf32, #tpu.memory_space<hbm>> -> memref<200x16xf32, #tpu.memory_space<hbm>>
    %dma_start3A_731 = arith.constant 0 : i32
    %dma_start3A_732 = tpu.memref_slice %arg2[%add3A_728, %dma_start3A_731] : memref<320000x16xf32, #tpu.memory_space<hbm>> -> memref<200x16xf32, #tpu.memory_space<hbm>>
    tpu.enqueue_dma source(%dma_start3A_732 : memref<200x16xf32, #tpu.memory_space<hbm>>) target(%arg4 : memref<200x16xf32, #tpu.memory_space<vmem>>) target_semaphore(%arg8 : memref<!tpu.dma_semaphore, #tpu.memory_space<semaphore_mem>>)
    %add3A_733 = arith.constant 6000 : i32
    %add3A_734 = arith.addi %mul3A_2, %add3A_733 : i32
    %dma_wait3A_735 = arith.constant 0 : i32
    %dma_wait3A_736 = tpu.memref_slice %arg2[%add3A_734, %dma_wait3A_735] : memref<320000x16xf32, #tpu.memory_space<hbm>> -> memref<200x16xf32, #tpu.memory_space<hbm>>
    %dma_wait3A_737 = arith.constant 0 : i32
    %dma_wait3A_738 = tpu.memref_slice %arg2[%add3A_734, %dma_wait3A_737] : memref<320000x16xf32, #tpu.memory_space<hbm>> -> memref<200x16xf32, #tpu.memory_space<hbm>>
    tpu.wait_dma2 semaphore(%arg10 : memref<!tpu.dma_semaphore, #tpu.memory_space<semaphore_mem>>) src(%dma_wait3A_738 : memref<200x16xf32, #tpu.memory_space<hbm>>) dst(%arg6 : memref<200x16xf32, #tpu.memory_space<vmem>>)
    %add3A_739 = arith.constant 6000 : i32
    %add3A_740 = arith.addi %mul3A_2, %add3A_739 : i32
    %dma_start3A_741 = arith.constant 0 : i32
    %dma_start3A_742 = tpu.memref_slice %arg3[%add3A_740, %dma_start3A_741] : memref<320000x16xf32, #tpu.memory_space<hbm>> -> memref<200x16xf32, #tpu.memory_space<hbm>>
    %dma_start3A_743 = arith.constant 0 : i32
    %dma_start3A_744 = tpu.memref_slice %arg3[%add3A_740, %dma_start3A_743] : memref<320000x16xf32, #tpu.memory_space<hbm>> -> memref<200x16xf32, #tpu.memory_space<hbm>>
    tpu.enqueue_dma source(%arg6 : memref<200x16xf32, #tpu.memory_space<vmem>>) target(%dma_start3A_744 : memref<200x16xf32, #tpu.memory_space<hbm>>) target_semaphore(%arg14 : memref<!tpu.dma_semaphore, #tpu.memory_space<semaphore_mem>>)
    %add3A_745 = arith.constant 5800 : i32
    %add3A_746 = arith.addi %mul3A_2, %add3A_745 : i32
    %dma_wait3A_747 = arith.constant 0 : i32
    %dma_wait3A_748 = tpu.memref_slice %arg3[%add3A_746, %dma_wait3A_747] : memref<320000x16xf32, #tpu.memory_space<hbm>> -> memref<200x16xf32, #tpu.memory_space<hbm>>
    %dma_wait3A_749 = arith.constant 0 : i32
    %dma_wait3A_750 = tpu.memref_slice %arg3[%add3A_746, %dma_wait3A_749] : memref<320000x16xf32, #tpu.memory_space<hbm>> -> memref<200x16xf32, #tpu.memory_space<hbm>>
    tpu.wait_dma2 semaphore(%arg13 : memref<!tpu.dma_semaphore, #tpu.memory_space<semaphore_mem>>) src(%arg5 : memref<200x16xf32, #tpu.memory_space<vmem>>) dst(%dma_wait3A_750 : memref<200x16xf32, #tpu.memory_space<hbm>>)
    %add3A_751 = arith.constant 6600 : i32
    %add3A_752 = arith.addi %mul3A_2, %add3A_751 : i32
    %dma_start3A_753 = arith.constant 0 : i32
    %dma_start3A_754 = tpu.memref_slice %arg2[%add3A_752, %dma_start3A_753] : memref<320000x16xf32, #tpu.memory_space<hbm>> -> memref<200x16xf32, #tpu.memory_space<hbm>>
    %dma_start3A_755 = arith.constant 0 : i32
    %dma_start3A_756 = tpu.memref_slice %arg2[%add3A_752, %dma_start3A_755] : memref<320000x16xf32, #tpu.memory_space<hbm>> -> memref<200x16xf32, #tpu.memory_space<hbm>>
    tpu.enqueue_dma source(%dma_start3A_756 : memref<200x16xf32, #tpu.memory_space<hbm>>) target(%arg5 : memref<200x16xf32, #tpu.memory_space<vmem>>) target_semaphore(%arg9 : memref<!tpu.dma_semaphore, #tpu.memory_space<semaphore_mem>>)
    %add3A_757 = arith.constant 6200 : i32
    %add3A_758 = arith.addi %mul3A_2, %add3A_757 : i32
    %dma_wait3A_759 = arith.constant 0 : i32
    %dma_wait3A_760 = tpu.memref_slice %arg2[%add3A_758, %dma_wait3A_759] : memref<320000x16xf32, #tpu.memory_space<hbm>> -> memref<200x16xf32, #tpu.memory_space<hbm>>
    %dma_wait3A_761 = arith.constant 0 : i32
    %dma_wait3A_762 = tpu.memref_slice %arg2[%add3A_758, %dma_wait3A_761] : memref<320000x16xf32, #tpu.memory_space<hbm>> -> memref<200x16xf32, #tpu.memory_space<hbm>>
    tpu.wait_dma2 semaphore(%arg11 : memref<!tpu.dma_semaphore, #tpu.memory_space<semaphore_mem>>) src(%dma_wait3A_762 : memref<200x16xf32, #tpu.memory_space<hbm>>) dst(%arg7 : memref<200x16xf32, #tpu.memory_space<vmem>>)
    %add3A_763 = arith.constant 6200 : i32
    %add3A_764 = arith.addi %mul3A_2, %add3A_763 : i32
    %dma_start3A_765 = arith.constant 0 : i32
    %dma_start3A_766 = tpu.memref_slice %arg3[%add3A_764, %dma_start3A_765] : memref<320000x16xf32, #tpu.memory_space<hbm>> -> memref<200x16xf32, #tpu.memory_space<hbm>>
    %dma_start3A_767 = arith.constant 0 : i32
    %dma_start3A_768 = tpu.memref_slice %arg3[%add3A_764, %dma_start3A_767] : memref<320000x16xf32, #tpu.memory_space<hbm>> -> memref<200x16xf32, #tpu.memory_space<hbm>>
    tpu.enqueue_dma source(%arg7 : memref<200x16xf32, #tpu.memory_space<vmem>>) target(%dma_start3A_768 : memref<200x16xf32, #tpu.memory_space<hbm>>) target_semaphore(%arg15 : memref<!tpu.dma_semaphore, #tpu.memory_space<semaphore_mem>>)
    %add3A_769 = arith.constant 6000 : i32
    %add3A_770 = arith.addi %mul3A_2, %add3A_769 : i32
    %dma_wait3A_771 = arith.constant 0 : i32
    %dma_wait3A_772 = tpu.memref_slice %arg3[%add3A_770, %dma_wait3A_771] : memref<320000x16xf32, #tpu.memory_space<hbm>> -> memref<200x16xf32, #tpu.memory_space<hbm>>
    %dma_wait3A_773 = arith.constant 0 : i32
    %dma_wait3A_774 = tpu.memref_slice %arg3[%add3A_770, %dma_wait3A_773] : memref<320000x16xf32, #tpu.memory_space<hbm>> -> memref<200x16xf32, #tpu.memory_space<hbm>>
    tpu.wait_dma2 semaphore(%arg14 : memref<!tpu.dma_semaphore, #tpu.memory_space<semaphore_mem>>) src(%arg6 : memref<200x16xf32, #tpu.memory_space<vmem>>) dst(%dma_wait3A_774 : memref<200x16xf32, #tpu.memory_space<hbm>>)
    %add3A_775 = arith.constant 6800 : i32
    %add3A_776 = arith.addi %mul3A_2, %add3A_775 : i32
    %dma_start3A_777 = arith.constant 0 : i32
    %dma_start3A_778 = tpu.memref_slice %arg2[%add3A_776, %dma_start3A_777] : memref<320000x16xf32, #tpu.memory_space<hbm>> -> memref<200x16xf32, #tpu.memory_space<hbm>>
    %dma_start3A_779 = arith.constant 0 : i32
    %dma_start3A_780 = tpu.memref_slice %arg2[%add3A_776, %dma_start3A_779] : memref<320000x16xf32, #tpu.memory_space<hbm>> -> memref<200x16xf32, #tpu.memory_space<hbm>>
    tpu.enqueue_dma source(%dma_start3A_780 : memref<200x16xf32, #tpu.memory_space<hbm>>) target(%arg6 : memref<200x16xf32, #tpu.memory_space<vmem>>) target_semaphore(%arg10 : memref<!tpu.dma_semaphore, #tpu.memory_space<semaphore_mem>>)
    %add3A_781 = arith.constant 6400 : i32
    %add3A_782 = arith.addi %mul3A_2, %add3A_781 : i32
    %dma_wait3A_783 = arith.constant 0 : i32
    %dma_wait3A_784 = tpu.memref_slice %arg2[%add3A_782, %dma_wait3A_783] : memref<320000x16xf32, #tpu.memory_space<hbm>> -> memref<200x16xf32, #tpu.memory_space<hbm>>
    %dma_wait3A_785 = arith.constant 0 : i32
    %dma_wait3A_786 = tpu.memref_slice %arg2[%add3A_782, %dma_wait3A_785] : memref<320000x16xf32, #tpu.memory_space<hbm>> -> memref<200x16xf32, #tpu.memory_space<hbm>>
    tpu.wait_dma2 semaphore(%arg8 : memref<!tpu.dma_semaphore, #tpu.memory_space<semaphore_mem>>) src(%dma_wait3A_786 : memref<200x16xf32, #tpu.memory_space<hbm>>) dst(%arg4 : memref<200x16xf32, #tpu.memory_space<vmem>>)
    %add3A_787 = arith.constant 6400 : i32
    %add3A_788 = arith.addi %mul3A_2, %add3A_787 : i32
    %dma_start3A_789 = arith.constant 0 : i32
    %dma_start3A_790 = tpu.memref_slice %arg3[%add3A_788, %dma_start3A_789] : memref<320000x16xf32, #tpu.memory_space<hbm>> -> memref<200x16xf32, #tpu.memory_space<hbm>>
    %dma_start3A_791 = arith.constant 0 : i32
    %dma_start3A_792 = tpu.memref_slice %arg3[%add3A_788, %dma_start3A_791] : memref<320000x16xf32, #tpu.memory_space<hbm>> -> memref<200x16xf32, #tpu.memory_space<hbm>>
    tpu.enqueue_dma source(%arg4 : memref<200x16xf32, #tpu.memory_space<vmem>>) target(%dma_start3A_792 : memref<200x16xf32, #tpu.memory_space<hbm>>) target_semaphore(%arg12 : memref<!tpu.dma_semaphore, #tpu.memory_space<semaphore_mem>>)
    %add3A_793 = arith.constant 6200 : i32
    %add3A_794 = arith.addi %mul3A_2, %add3A_793 : i32
    %dma_wait3A_795 = arith.constant 0 : i32
    %dma_wait3A_796 = tpu.memref_slice %arg3[%add3A_794, %dma_wait3A_795] : memref<320000x16xf32, #tpu.memory_space<hbm>> -> memref<200x16xf32, #tpu.memory_space<hbm>>
    %dma_wait3A_797 = arith.constant 0 : i32
    %dma_wait3A_798 = tpu.memref_slice %arg3[%add3A_794, %dma_wait3A_797] : memref<320000x16xf32, #tpu.memory_space<hbm>> -> memref<200x16xf32, #tpu.memory_space<hbm>>
    tpu.wait_dma2 semaphore(%arg15 : memref<!tpu.dma_semaphore, #tpu.memory_space<semaphore_mem>>) src(%arg7 : memref<200x16xf32, #tpu.memory_space<vmem>>) dst(%dma_wait3A_798 : memref<200x16xf32, #tpu.memory_space<hbm>>)
    %add3A_799 = arith.constant 7000 : i32
    %add3A_800 = arith.addi %mul3A_2, %add3A_799 : i32
    %dma_start3A_801 = arith.constant 0 : i32
    %dma_start3A_802 = tpu.memref_slice %arg2[%add3A_800, %dma_start3A_801] : memref<320000x16xf32, #tpu.memory_space<hbm>> -> memref<200x16xf32, #tpu.memory_space<hbm>>
    %dma_start3A_803 = arith.constant 0 : i32
    %dma_start3A_804 = tpu.memref_slice %arg2[%add3A_800, %dma_start3A_803] : memref<320000x16xf32, #tpu.memory_space<hbm>> -> memref<200x16xf32, #tpu.memory_space<hbm>>
    tpu.enqueue_dma source(%dma_start3A_804 : memref<200x16xf32, #tpu.memory_space<hbm>>) target(%arg7 : memref<200x16xf32, #tpu.memory_space<vmem>>) target_semaphore(%arg11 : memref<!tpu.dma_semaphore, #tpu.memory_space<semaphore_mem>>)
    %add3A_805 = arith.constant 6600 : i32
    %add3A_806 = arith.addi %mul3A_2, %add3A_805 : i32
    %dma_wait3A_807 = arith.constant 0 : i32
    %dma_wait3A_808 = tpu.memref_slice %arg2[%add3A_806, %dma_wait3A_807] : memref<320000x16xf32, #tpu.memory_space<hbm>> -> memref<200x16xf32, #tpu.memory_space<hbm>>
    %dma_wait3A_809 = arith.constant 0 : i32
    %dma_wait3A_810 = tpu.memref_slice %arg2[%add3A_806, %dma_wait3A_809] : memref<320000x16xf32, #tpu.memory_space<hbm>> -> memref<200x16xf32, #tpu.memory_space<hbm>>
    tpu.wait_dma2 semaphore(%arg9 : memref<!tpu.dma_semaphore, #tpu.memory_space<semaphore_mem>>) src(%dma_wait3A_810 : memref<200x16xf32, #tpu.memory_space<hbm>>) dst(%arg5 : memref<200x16xf32, #tpu.memory_space<vmem>>)
    %add3A_811 = arith.constant 6600 : i32
    %add3A_812 = arith.addi %mul3A_2, %add3A_811 : i32
    %dma_start3A_813 = arith.constant 0 : i32
    %dma_start3A_814 = tpu.memref_slice %arg3[%add3A_812, %dma_start3A_813] : memref<320000x16xf32, #tpu.memory_space<hbm>> -> memref<200x16xf32, #tpu.memory_space<hbm>>
    %dma_start3A_815 = arith.constant 0 : i32
    %dma_start3A_816 = tpu.memref_slice %arg3[%add3A_812, %dma_start3A_815] : memref<320000x16xf32, #tpu.memory_space<hbm>> -> memref<200x16xf32, #tpu.memory_space<hbm>>
    tpu.enqueue_dma source(%arg5 : memref<200x16xf32, #tpu.memory_space<vmem>>) target(%dma_start3A_816 : memref<200x16xf32, #tpu.memory_space<hbm>>) target_semaphore(%arg13 : memref<!tpu.dma_semaphore, #tpu.memory_space<semaphore_mem>>)
    %add3A_817 = arith.constant 6400 : i32
    %add3A_818 = arith.addi %mul3A_2, %add3A_817 : i32
    %dma_wait3A_819 = arith.constant 0 : i32
    %dma_wait3A_820 = tpu.memref_slice %arg3[%add3A_818, %dma_wait3A_819] : memref<320000x16xf32, #tpu.memory_space<hbm>> -> memref<200x16xf32, #tpu.memory_space<hbm>>
    %dma_wait3A_821 = arith.constant 0 : i32
    %dma_wait3A_822 = tpu.memref_slice %arg3[%add3A_818, %dma_wait3A_821] : memref<320000x16xf32, #tpu.memory_space<hbm>> -> memref<200x16xf32, #tpu.memory_space<hbm>>
    tpu.wait_dma2 semaphore(%arg12 : memref<!tpu.dma_semaphore, #tpu.memory_space<semaphore_mem>>) src(%arg4 : memref<200x16xf32, #tpu.memory_space<vmem>>) dst(%dma_wait3A_822 : memref<200x16xf32, #tpu.memory_space<hbm>>)
    %add3A_823 = arith.constant 7200 : i32
    %add3A_824 = arith.addi %mul3A_2, %add3A_823 : i32
    %dma_start3A_825 = arith.constant 0 : i32
    %dma_start3A_826 = tpu.memref_slice %arg2[%add3A_824, %dma_start3A_825] : memref<320000x16xf32, #tpu.memory_space<hbm>> -> memref<200x16xf32, #tpu.memory_space<hbm>>
    %dma_start3A_827 = arith.constant 0 : i32
    %dma_start3A_828 = tpu.memref_slice %arg2[%add3A_824, %dma_start3A_827] : memref<320000x16xf32, #tpu.memory_space<hbm>> -> memref<200x16xf32, #tpu.memory_space<hbm>>
    tpu.enqueue_dma source(%dma_start3A_828 : memref<200x16xf32, #tpu.memory_space<hbm>>) target(%arg4 : memref<200x16xf32, #tpu.memory_space<vmem>>) target_semaphore(%arg8 : memref<!tpu.dma_semaphore, #tpu.memory_space<semaphore_mem>>)
    %add3A_829 = arith.constant 6800 : i32
    %add3A_830 = arith.addi %mul3A_2, %add3A_829 : i32
    %dma_wait3A_831 = arith.constant 0 : i32
    %dma_wait3A_832 = tpu.memref_slice %arg2[%add3A_830, %dma_wait3A_831] : memref<320000x16xf32, #tpu.memory_space<hbm>> -> memref<200x16xf32, #tpu.memory_space<hbm>>
    %dma_wait3A_833 = arith.constant 0 : i32
    %dma_wait3A_834 = tpu.memref_slice %arg2[%add3A_830, %dma_wait3A_833] : memref<320000x16xf32, #tpu.memory_space<hbm>> -> memref<200x16xf32, #tpu.memory_space<hbm>>
    tpu.wait_dma2 semaphore(%arg10 : memref<!tpu.dma_semaphore, #tpu.memory_space<semaphore_mem>>) src(%dma_wait3A_834 : memref<200x16xf32, #tpu.memory_space<hbm>>) dst(%arg6 : memref<200x16xf32, #tpu.memory_space<vmem>>)
    %add3A_835 = arith.constant 6800 : i32
    %add3A_836 = arith.addi %mul3A_2, %add3A_835 : i32
    %dma_start3A_837 = arith.constant 0 : i32
    %dma_start3A_838 = tpu.memref_slice %arg3[%add3A_836, %dma_start3A_837] : memref<320000x16xf32, #tpu.memory_space<hbm>> -> memref<200x16xf32, #tpu.memory_space<hbm>>
    %dma_start3A_839 = arith.constant 0 : i32
    %dma_start3A_840 = tpu.memref_slice %arg3[%add3A_836, %dma_start3A_839] : memref<320000x16xf32, #tpu.memory_space<hbm>> -> memref<200x16xf32, #tpu.memory_space<hbm>>
    tpu.enqueue_dma source(%arg6 : memref<200x16xf32, #tpu.memory_space<vmem>>) target(%dma_start3A_840 : memref<200x16xf32, #tpu.memory_space<hbm>>) target_semaphore(%arg14 : memref<!tpu.dma_semaphore, #tpu.memory_space<semaphore_mem>>)
    %add3A_841 = arith.constant 6600 : i32
    %add3A_842 = arith.addi %mul3A_2, %add3A_841 : i32
    %dma_wait3A_843 = arith.constant 0 : i32
    %dma_wait3A_844 = tpu.memref_slice %arg3[%add3A_842, %dma_wait3A_843] : memref<320000x16xf32, #tpu.memory_space<hbm>> -> memref<200x16xf32, #tpu.memory_space<hbm>>
    %dma_wait3A_845 = arith.constant 0 : i32
    %dma_wait3A_846 = tpu.memref_slice %arg3[%add3A_842, %dma_wait3A_845] : memref<320000x16xf32, #tpu.memory_space<hbm>> -> memref<200x16xf32, #tpu.memory_space<hbm>>
    tpu.wait_dma2 semaphore(%arg13 : memref<!tpu.dma_semaphore, #tpu.memory_space<semaphore_mem>>) src(%arg5 : memref<200x16xf32, #tpu.memory_space<vmem>>) dst(%dma_wait3A_846 : memref<200x16xf32, #tpu.memory_space<hbm>>)
    %add3A_847 = arith.constant 7400 : i32
    %add3A_848 = arith.addi %mul3A_2, %add3A_847 : i32
    %dma_start3A_849 = arith.constant 0 : i32
    %dma_start3A_850 = tpu.memref_slice %arg2[%add3A_848, %dma_start3A_849] : memref<320000x16xf32, #tpu.memory_space<hbm>> -> memref<200x16xf32, #tpu.memory_space<hbm>>
    %dma_start3A_851 = arith.constant 0 : i32
    %dma_start3A_852 = tpu.memref_slice %arg2[%add3A_848, %dma_start3A_851] : memref<320000x16xf32, #tpu.memory_space<hbm>> -> memref<200x16xf32, #tpu.memory_space<hbm>>
    tpu.enqueue_dma source(%dma_start3A_852 : memref<200x16xf32, #tpu.memory_space<hbm>>) target(%arg5 : memref<200x16xf32, #tpu.memory_space<vmem>>) target_semaphore(%arg9 : memref<!tpu.dma_semaphore, #tpu.memory_space<semaphore_mem>>)
    %add3A_853 = arith.constant 7000 : i32
    %add3A_854 = arith.addi %mul3A_2, %add3A_853 : i32
    %dma_wait3A_855 = arith.constant 0 : i32
    %dma_wait3A_856 = tpu.memref_slice %arg2[%add3A_854, %dma_wait3A_855] : memref<320000x16xf32, #tpu.memory_space<hbm>> -> memref<200x16xf32, #tpu.memory_space<hbm>>
    %dma_wait3A_857 = arith.constant 0 : i32
    %dma_wait3A_858 = tpu.memref_slice %arg2[%add3A_854, %dma_wait3A_857] : memref<320000x16xf32, #tpu.memory_space<hbm>> -> memref<200x16xf32, #tpu.memory_space<hbm>>
    tpu.wait_dma2 semaphore(%arg11 : memref<!tpu.dma_semaphore, #tpu.memory_space<semaphore_mem>>) src(%dma_wait3A_858 : memref<200x16xf32, #tpu.memory_space<hbm>>) dst(%arg7 : memref<200x16xf32, #tpu.memory_space<vmem>>)
    %add3A_859 = arith.constant 7000 : i32
    %add3A_860 = arith.addi %mul3A_2, %add3A_859 : i32
    %dma_start3A_861 = arith.constant 0 : i32
    %dma_start3A_862 = tpu.memref_slice %arg3[%add3A_860, %dma_start3A_861] : memref<320000x16xf32, #tpu.memory_space<hbm>> -> memref<200x16xf32, #tpu.memory_space<hbm>>
    %dma_start3A_863 = arith.constant 0 : i32
    %dma_start3A_864 = tpu.memref_slice %arg3[%add3A_860, %dma_start3A_863] : memref<320000x16xf32, #tpu.memory_space<hbm>> -> memref<200x16xf32, #tpu.memory_space<hbm>>
    tpu.enqueue_dma source(%arg7 : memref<200x16xf32, #tpu.memory_space<vmem>>) target(%dma_start3A_864 : memref<200x16xf32, #tpu.memory_space<hbm>>) target_semaphore(%arg15 : memref<!tpu.dma_semaphore, #tpu.memory_space<semaphore_mem>>)
    %add3A_865 = arith.constant 6800 : i32
    %add3A_866 = arith.addi %mul3A_2, %add3A_865 : i32
    %dma_wait3A_867 = arith.constant 0 : i32
    %dma_wait3A_868 = tpu.memref_slice %arg3[%add3A_866, %dma_wait3A_867] : memref<320000x16xf32, #tpu.memory_space<hbm>> -> memref<200x16xf32, #tpu.memory_space<hbm>>
    %dma_wait3A_869 = arith.constant 0 : i32
    %dma_wait3A_870 = tpu.memref_slice %arg3[%add3A_866, %dma_wait3A_869] : memref<320000x16xf32, #tpu.memory_space<hbm>> -> memref<200x16xf32, #tpu.memory_space<hbm>>
    tpu.wait_dma2 semaphore(%arg14 : memref<!tpu.dma_semaphore, #tpu.memory_space<semaphore_mem>>) src(%arg6 : memref<200x16xf32, #tpu.memory_space<vmem>>) dst(%dma_wait3A_870 : memref<200x16xf32, #tpu.memory_space<hbm>>)
    %add3A_871 = arith.constant 7600 : i32
    %add3A_872 = arith.addi %mul3A_2, %add3A_871 : i32
    %dma_start3A_873 = arith.constant 0 : i32
    %dma_start3A_874 = tpu.memref_slice %arg2[%add3A_872, %dma_start3A_873] : memref<320000x16xf32, #tpu.memory_space<hbm>> -> memref<200x16xf32, #tpu.memory_space<hbm>>
    %dma_start3A_875 = arith.constant 0 : i32
    %dma_start3A_876 = tpu.memref_slice %arg2[%add3A_872, %dma_start3A_875] : memref<320000x16xf32, #tpu.memory_space<hbm>> -> memref<200x16xf32, #tpu.memory_space<hbm>>
    tpu.enqueue_dma source(%dma_start3A_876 : memref<200x16xf32, #tpu.memory_space<hbm>>) target(%arg6 : memref<200x16xf32, #tpu.memory_space<vmem>>) target_semaphore(%arg10 : memref<!tpu.dma_semaphore, #tpu.memory_space<semaphore_mem>>)
    %add3A_877 = arith.constant 7200 : i32
    %add3A_878 = arith.addi %mul3A_2, %add3A_877 : i32
    %dma_wait3A_879 = arith.constant 0 : i32
    %dma_wait3A_880 = tpu.memref_slice %arg2[%add3A_878, %dma_wait3A_879] : memref<320000x16xf32, #tpu.memory_space<hbm>> -> memref<200x16xf32, #tpu.memory_space<hbm>>
    %dma_wait3A_881 = arith.constant 0 : i32
    %dma_wait3A_882 = tpu.memref_slice %arg2[%add3A_878, %dma_wait3A_881] : memref<320000x16xf32, #tpu.memory_space<hbm>> -> memref<200x16xf32, #tpu.memory_space<hbm>>
    tpu.wait_dma2 semaphore(%arg8 : memref<!tpu.dma_semaphore, #tpu.memory_space<semaphore_mem>>) src(%dma_wait3A_882 : memref<200x16xf32, #tpu.memory_space<hbm>>) dst(%arg4 : memref<200x16xf32, #tpu.memory_space<vmem>>)
    %add3A_883 = arith.constant 7200 : i32
    %add3A_884 = arith.addi %mul3A_2, %add3A_883 : i32
    %dma_start3A_885 = arith.constant 0 : i32
    %dma_start3A_886 = tpu.memref_slice %arg3[%add3A_884, %dma_start3A_885] : memref<320000x16xf32, #tpu.memory_space<hbm>> -> memref<200x16xf32, #tpu.memory_space<hbm>>
    %dma_start3A_887 = arith.constant 0 : i32
    %dma_start3A_888 = tpu.memref_slice %arg3[%add3A_884, %dma_start3A_887] : memref<320000x16xf32, #tpu.memory_space<hbm>> -> memref<200x16xf32, #tpu.memory_space<hbm>>
    tpu.enqueue_dma source(%arg4 : memref<200x16xf32, #tpu.memory_space<vmem>>) target(%dma_start3A_888 : memref<200x16xf32, #tpu.memory_space<hbm>>) target_semaphore(%arg12 : memref<!tpu.dma_semaphore, #tpu.memory_space<semaphore_mem>>)
    %add3A_889 = arith.constant 7000 : i32
    %add3A_890 = arith.addi %mul3A_2, %add3A_889 : i32
    %dma_wait3A_891 = arith.constant 0 : i32
    %dma_wait3A_892 = tpu.memref_slice %arg3[%add3A_890, %dma_wait3A_891] : memref<320000x16xf32, #tpu.memory_space<hbm>> -> memref<200x16xf32, #tpu.memory_space<hbm>>
    %dma_wait3A_893 = arith.constant 0 : i32
    %dma_wait3A_894 = tpu.memref_slice %arg3[%add3A_890, %dma_wait3A_893] : memref<320000x16xf32, #tpu.memory_space<hbm>> -> memref<200x16xf32, #tpu.memory_space<hbm>>
    tpu.wait_dma2 semaphore(%arg15 : memref<!tpu.dma_semaphore, #tpu.memory_space<semaphore_mem>>) src(%arg7 : memref<200x16xf32, #tpu.memory_space<vmem>>) dst(%dma_wait3A_894 : memref<200x16xf32, #tpu.memory_space<hbm>>)
    %add3A_895 = arith.constant 7800 : i32
    %add3A_896 = arith.addi %mul3A_2, %add3A_895 : i32
    %dma_start3A_897 = arith.constant 0 : i32
    %dma_start3A_898 = tpu.memref_slice %arg2[%add3A_896, %dma_start3A_897] : memref<320000x16xf32, #tpu.memory_space<hbm>> -> memref<200x16xf32, #tpu.memory_space<hbm>>
    %dma_start3A_899 = arith.constant 0 : i32
    %dma_start3A_900 = tpu.memref_slice %arg2[%add3A_896, %dma_start3A_899] : memref<320000x16xf32, #tpu.memory_space<hbm>> -> memref<200x16xf32, #tpu.memory_space<hbm>>
    tpu.enqueue_dma source(%dma_start3A_900 : memref<200x16xf32, #tpu.memory_space<hbm>>) target(%arg7 : memref<200x16xf32, #tpu.memory_space<vmem>>) target_semaphore(%arg11 : memref<!tpu.dma_semaphore, #tpu.memory_space<semaphore_mem>>)
    %add3A_901 = arith.constant 7400 : i32
    %add3A_902 = arith.addi %mul3A_2, %add3A_901 : i32
    %dma_wait3A_903 = arith.constant 0 : i32
    %dma_wait3A_904 = tpu.memref_slice %arg2[%add3A_902, %dma_wait3A_903] : memref<320000x16xf32, #tpu.memory_space<hbm>> -> memref<200x16xf32, #tpu.memory_space<hbm>>
    %dma_wait3A_905 = arith.constant 0 : i32
    %dma_wait3A_906 = tpu.memref_slice %arg2[%add3A_902, %dma_wait3A_905] : memref<320000x16xf32, #tpu.memory_space<hbm>> -> memref<200x16xf32, #tpu.memory_space<hbm>>
    tpu.wait_dma2 semaphore(%arg9 : memref<!tpu.dma_semaphore, #tpu.memory_space<semaphore_mem>>) src(%dma_wait3A_906 : memref<200x16xf32, #tpu.memory_space<hbm>>) dst(%arg5 : memref<200x16xf32, #tpu.memory_space<vmem>>)
    %add3A_907 = arith.constant 7400 : i32
    %add3A_908 = arith.addi %mul3A_2, %add3A_907 : i32
    %dma_start3A_909 = arith.constant 0 : i32
    %dma_start3A_910 = tpu.memref_slice %arg3[%add3A_908, %dma_start3A_909] : memref<320000x16xf32, #tpu.memory_space<hbm>> -> memref<200x16xf32, #tpu.memory_space<hbm>>
    %dma_start3A_911 = arith.constant 0 : i32
    %dma_start3A_912 = tpu.memref_slice %arg3[%add3A_908, %dma_start3A_911] : memref<320000x16xf32, #tpu.memory_space<hbm>> -> memref<200x16xf32, #tpu.memory_space<hbm>>
    tpu.enqueue_dma source(%arg5 : memref<200x16xf32, #tpu.memory_space<vmem>>) target(%dma_start3A_912 : memref<200x16xf32, #tpu.memory_space<hbm>>) target_semaphore(%arg13 : memref<!tpu.dma_semaphore, #tpu.memory_space<semaphore_mem>>)
    %add3A_913 = arith.constant 7200 : i32
    %add3A_914 = arith.addi %mul3A_2, %add3A_913 : i32
    %dma_wait3A_915 = arith.constant 0 : i32
    %dma_wait3A_916 = tpu.memref_slice %arg3[%add3A_914, %dma_wait3A_915] : memref<320000x16xf32, #tpu.memory_space<hbm>> -> memref<200x16xf32, #tpu.memory_space<hbm>>
    %dma_wait3A_917 = arith.constant 0 : i32
    %dma_wait3A_918 = tpu.memref_slice %arg3[%add3A_914, %dma_wait3A_917] : memref<320000x16xf32, #tpu.memory_space<hbm>> -> memref<200x16xf32, #tpu.memory_space<hbm>>
    tpu.wait_dma2 semaphore(%arg12 : memref<!tpu.dma_semaphore, #tpu.memory_space<semaphore_mem>>) src(%arg4 : memref<200x16xf32, #tpu.memory_space<vmem>>) dst(%dma_wait3A_918 : memref<200x16xf32, #tpu.memory_space<hbm>>)
    %add3A_919 = arith.constant 8000 : i32
    %add3A_920 = arith.addi %mul3A_2, %add3A_919 : i32
    %dma_start3A_921 = arith.constant 0 : i32
    %dma_start3A_922 = tpu.memref_slice %arg2[%add3A_920, %dma_start3A_921] : memref<320000x16xf32, #tpu.memory_space<hbm>> -> memref<200x16xf32, #tpu.memory_space<hbm>>
    %dma_start3A_923 = arith.constant 0 : i32
    %dma_start3A_924 = tpu.memref_slice %arg2[%add3A_920, %dma_start3A_923] : memref<320000x16xf32, #tpu.memory_space<hbm>> -> memref<200x16xf32, #tpu.memory_space<hbm>>
    tpu.enqueue_dma source(%dma_start3A_924 : memref<200x16xf32, #tpu.memory_space<hbm>>) target(%arg4 : memref<200x16xf32, #tpu.memory_space<vmem>>) target_semaphore(%arg8 : memref<!tpu.dma_semaphore, #tpu.memory_space<semaphore_mem>>)
    %add3A_925 = arith.constant 7600 : i32
    %add3A_926 = arith.addi %mul3A_2, %add3A_925 : i32
    %dma_wait3A_927 = arith.constant 0 : i32
    %dma_wait3A_928 = tpu.memref_slice %arg2[%add3A_926, %dma_wait3A_927] : memref<320000x16xf32, #tpu.memory_space<hbm>> -> memref<200x16xf32, #tpu.memory_space<hbm>>
    %dma_wait3A_929 = arith.constant 0 : i32
    %dma_wait3A_930 = tpu.memref_slice %arg2[%add3A_926, %dma_wait3A_929] : memref<320000x16xf32, #tpu.memory_space<hbm>> -> memref<200x16xf32, #tpu.memory_space<hbm>>
    tpu.wait_dma2 semaphore(%arg10 : memref<!tpu.dma_semaphore, #tpu.memory_space<semaphore_mem>>) src(%dma_wait3A_930 : memref<200x16xf32, #tpu.memory_space<hbm>>) dst(%arg6 : memref<200x16xf32, #tpu.memory_space<vmem>>)
    %add3A_931 = arith.constant 7600 : i32
    %add3A_932 = arith.addi %mul3A_2, %add3A_931 : i32
    %dma_start3A_933 = arith.constant 0 : i32
    %dma_start3A_934 = tpu.memref_slice %arg3[%add3A_932, %dma_start3A_933] : memref<320000x16xf32, #tpu.memory_space<hbm>> -> memref<200x16xf32, #tpu.memory_space<hbm>>
    %dma_start3A_935 = arith.constant 0 : i32
    %dma_start3A_936 = tpu.memref_slice %arg3[%add3A_932, %dma_start3A_935] : memref<320000x16xf32, #tpu.memory_space<hbm>> -> memref<200x16xf32, #tpu.memory_space<hbm>>
    tpu.enqueue_dma source(%arg6 : memref<200x16xf32, #tpu.memory_space<vmem>>) target(%dma_start3A_936 : memref<200x16xf32, #tpu.memory_space<hbm>>) target_semaphore(%arg14 : memref<!tpu.dma_semaphore, #tpu.memory_space<semaphore_mem>>)
    %add3A_937 = arith.constant 7400 : i32
    %add3A_938 = arith.addi %mul3A_2, %add3A_937 : i32
    %dma_wait3A_939 = arith.constant 0 : i32
    %dma_wait3A_940 = tpu.memref_slice %arg3[%add3A_938, %dma_wait3A_939] : memref<320000x16xf32, #tpu.memory_space<hbm>> -> memref<200x16xf32, #tpu.memory_space<hbm>>
    %dma_wait3A_941 = arith.constant 0 : i32
    %dma_wait3A_942 = tpu.memref_slice %arg3[%add3A_938, %dma_wait3A_941] : memref<320000x16xf32, #tpu.memory_space<hbm>> -> memref<200x16xf32, #tpu.memory_space<hbm>>
    tpu.wait_dma2 semaphore(%arg13 : memref<!tpu.dma_semaphore, #tpu.memory_space<semaphore_mem>>) src(%arg5 : memref<200x16xf32, #tpu.memory_space<vmem>>) dst(%dma_wait3A_942 : memref<200x16xf32, #tpu.memory_space<hbm>>)
    %add3A_943 = arith.constant 8200 : i32
    %add3A_944 = arith.addi %mul3A_2, %add3A_943 : i32
    %dma_start3A_945 = arith.constant 0 : i32
    %dma_start3A_946 = tpu.memref_slice %arg2[%add3A_944, %dma_start3A_945] : memref<320000x16xf32, #tpu.memory_space<hbm>> -> memref<200x16xf32, #tpu.memory_space<hbm>>
    %dma_start3A_947 = arith.constant 0 : i32
    %dma_start3A_948 = tpu.memref_slice %arg2[%add3A_944, %dma_start3A_947] : memref<320000x16xf32, #tpu.memory_space<hbm>> -> memref<200x16xf32, #tpu.memory_space<hbm>>
    tpu.enqueue_dma source(%dma_start3A_948 : memref<200x16xf32, #tpu.memory_space<hbm>>) target(%arg5 : memref<200x16xf32, #tpu.memory_space<vmem>>) target_semaphore(%arg9 : memref<!tpu.dma_semaphore, #tpu.memory_space<semaphore_mem>>)
    %add3A_949 = arith.constant 7800 : i32
    %add3A_950 = arith.addi %mul3A_2, %add3A_949 : i32
    %dma_wait3A_951 = arith.constant 0 : i32
    %dma_wait3A_952 = tpu.memref_slice %arg2[%add3A_950, %dma_wait3A_951] : memref<320000x16xf32, #tpu.memory_space<hbm>> -> memref<200x16xf32, #tpu.memory_space<hbm>>
    %dma_wait3A_953 = arith.constant 0 : i32
    %dma_wait3A_954 = tpu.memref_slice %arg2[%add3A_950, %dma_wait3A_953] : memref<320000x16xf32, #tpu.memory_space<hbm>> -> memref<200x16xf32, #tpu.memory_space<hbm>>
    tpu.wait_dma2 semaphore(%arg11 : memref<!tpu.dma_semaphore, #tpu.memory_space<semaphore_mem>>) src(%dma_wait3A_954 : memref<200x16xf32, #tpu.memory_space<hbm>>) dst(%arg7 : memref<200x16xf32, #tpu.memory_space<vmem>>)
    %add3A_955 = arith.constant 7800 : i32
    %add3A_956 = arith.addi %mul3A_2, %add3A_955 : i32
    %dma_start3A_957 = arith.constant 0 : i32
    %dma_start3A_958 = tpu.memref_slice %arg3[%add3A_956, %dma_start3A_957] : memref<320000x16xf32, #tpu.memory_space<hbm>> -> memref<200x16xf32, #tpu.memory_space<hbm>>
    %dma_start3A_959 = arith.constant 0 : i32
    %dma_start3A_960 = tpu.memref_slice %arg3[%add3A_956, %dma_start3A_959] : memref<320000x16xf32, #tpu.memory_space<hbm>> -> memref<200x16xf32, #tpu.memory_space<hbm>>
    tpu.enqueue_dma source(%arg7 : memref<200x16xf32, #tpu.memory_space<vmem>>) target(%dma_start3A_960 : memref<200x16xf32, #tpu.memory_space<hbm>>) target_semaphore(%arg15 : memref<!tpu.dma_semaphore, #tpu.memory_space<semaphore_mem>>)
    %add3A_961 = arith.constant 7600 : i32
    %add3A_962 = arith.addi %mul3A_2, %add3A_961 : i32
    %dma_wait3A_963 = arith.constant 0 : i32
    %dma_wait3A_964 = tpu.memref_slice %arg3[%add3A_962, %dma_wait3A_963] : memref<320000x16xf32, #tpu.memory_space<hbm>> -> memref<200x16xf32, #tpu.memory_space<hbm>>
    %dma_wait3A_965 = arith.constant 0 : i32
    %dma_wait3A_966 = tpu.memref_slice %arg3[%add3A_962, %dma_wait3A_965] : memref<320000x16xf32, #tpu.memory_space<hbm>> -> memref<200x16xf32, #tpu.memory_space<hbm>>
    tpu.wait_dma2 semaphore(%arg14 : memref<!tpu.dma_semaphore, #tpu.memory_space<semaphore_mem>>) src(%arg6 : memref<200x16xf32, #tpu.memory_space<vmem>>) dst(%dma_wait3A_966 : memref<200x16xf32, #tpu.memory_space<hbm>>)
    %add3A_967 = arith.constant 8400 : i32
    %add3A_968 = arith.addi %mul3A_2, %add3A_967 : i32
    %dma_start3A_969 = arith.constant 0 : i32
    %dma_start3A_970 = tpu.memref_slice %arg2[%add3A_968, %dma_start3A_969] : memref<320000x16xf32, #tpu.memory_space<hbm>> -> memref<200x16xf32, #tpu.memory_space<hbm>>
    %dma_start3A_971 = arith.constant 0 : i32
    %dma_start3A_972 = tpu.memref_slice %arg2[%add3A_968, %dma_start3A_971] : memref<320000x16xf32, #tpu.memory_space<hbm>> -> memref<200x16xf32, #tpu.memory_space<hbm>>
    tpu.enqueue_dma source(%dma_start3A_972 : memref<200x16xf32, #tpu.memory_space<hbm>>) target(%arg6 : memref<200x16xf32, #tpu.memory_space<vmem>>) target_semaphore(%arg10 : memref<!tpu.dma_semaphore, #tpu.memory_space<semaphore_mem>>)
    %add3A_973 = arith.constant 8000 : i32
    %add3A_974 = arith.addi %mul3A_2, %add3A_973 : i32
    %dma_wait3A_975 = arith.constant 0 : i32
    %dma_wait3A_976 = tpu.memref_slice %arg2[%add3A_974, %dma_wait3A_975] : memref<320000x16xf32, #tpu.memory_space<hbm>> -> memref<200x16xf32, #tpu.memory_space<hbm>>
    %dma_wait3A_977 = arith.constant 0 : i32
    %dma_wait3A_978 = tpu.memref_slice %arg2[%add3A_974, %dma_wait3A_977] : memref<320000x16xf32, #tpu.memory_space<hbm>> -> memref<200x16xf32, #tpu.memory_space<hbm>>
    tpu.wait_dma2 semaphore(%arg8 : memref<!tpu.dma_semaphore, #tpu.memory_space<semaphore_mem>>) src(%dma_wait3A_978 : memref<200x16xf32, #tpu.memory_space<hbm>>) dst(%arg4 : memref<200x16xf32, #tpu.memory_space<vmem>>)
    %add3A_979 = arith.constant 8000 : i32
    %add3A_980 = arith.addi %mul3A_2, %add3A_979 : i32
    %dma_start3A_981 = arith.constant 0 : i32
    %dma_start3A_982 = tpu.memref_slice %arg3[%add3A_980, %dma_start3A_981] : memref<320000x16xf32, #tpu.memory_space<hbm>> -> memref<200x16xf32, #tpu.memory_space<hbm>>
    %dma_start3A_983 = arith.constant 0 : i32
    %dma_start3A_984 = tpu.memref_slice %arg3[%add3A_980, %dma_start3A_983] : memref<320000x16xf32, #tpu.memory_space<hbm>> -> memref<200x16xf32, #tpu.memory_space<hbm>>
    tpu.enqueue_dma source(%arg4 : memref<200x16xf32, #tpu.memory_space<vmem>>) target(%dma_start3A_984 : memref<200x16xf32, #tpu.memory_space<hbm>>) target_semaphore(%arg12 : memref<!tpu.dma_semaphore, #tpu.memory_space<semaphore_mem>>)
    %add3A_985 = arith.constant 7800 : i32
    %add3A_986 = arith.addi %mul3A_2, %add3A_985 : i32
    %dma_wait3A_987 = arith.constant 0 : i32
    %dma_wait3A_988 = tpu.memref_slice %arg3[%add3A_986, %dma_wait3A_987] : memref<320000x16xf32, #tpu.memory_space<hbm>> -> memref<200x16xf32, #tpu.memory_space<hbm>>
    %dma_wait3A_989 = arith.constant 0 : i32
    %dma_wait3A_990 = tpu.memref_slice %arg3[%add3A_986, %dma_wait3A_989] : memref<320000x16xf32, #tpu.memory_space<hbm>> -> memref<200x16xf32, #tpu.memory_space<hbm>>
    tpu.wait_dma2 semaphore(%arg15 : memref<!tpu.dma_semaphore, #tpu.memory_space<semaphore_mem>>) src(%arg7 : memref<200x16xf32, #tpu.memory_space<vmem>>) dst(%dma_wait3A_990 : memref<200x16xf32, #tpu.memory_space<hbm>>)
    %add3A_991 = arith.constant 8600 : i32
    %add3A_992 = arith.addi %mul3A_2, %add3A_991 : i32
    %dma_start3A_993 = arith.constant 0 : i32
    %dma_start3A_994 = tpu.memref_slice %arg2[%add3A_992, %dma_start3A_993] : memref<320000x16xf32, #tpu.memory_space<hbm>> -> memref<200x16xf32, #tpu.memory_space<hbm>>
    %dma_start3A_995 = arith.constant 0 : i32
    %dma_start3A_996 = tpu.memref_slice %arg2[%add3A_992, %dma_start3A_995] : memref<320000x16xf32, #tpu.memory_space<hbm>> -> memref<200x16xf32, #tpu.memory_space<hbm>>
    tpu.enqueue_dma source(%dma_start3A_996 : memref<200x16xf32, #tpu.memory_space<hbm>>) target(%arg7 : memref<200x16xf32, #tpu.memory_space<vmem>>) target_semaphore(%arg11 : memref<!tpu.dma_semaphore, #tpu.memory_space<semaphore_mem>>)
    %add3A_997 = arith.constant 8200 : i32
    %add3A_998 = arith.addi %mul3A_2, %add3A_997 : i32
    %dma_wait3A_999 = arith.constant 0 : i32
    %dma_wait3A_1000 = tpu.memref_slice %arg2[%add3A_998, %dma_wait3A_999] : memref<320000x16xf32, #tpu.memory_space<hbm>> -> memref<200x16xf32, #tpu.memory_space<hbm>>
    %dma_wait3A_1001 = arith.constant 0 : i32
    %dma_wait3A_1002 = tpu.memref_slice %arg2[%add3A_998, %dma_wait3A_1001] : memref<320000x16xf32, #tpu.memory_space<hbm>> -> memref<200x16xf32, #tpu.memory_space<hbm>>
    tpu.wait_dma2 semaphore(%arg9 : memref<!tpu.dma_semaphore, #tpu.memory_space<semaphore_mem>>) src(%dma_wait3A_1002 : memref<200x16xf32, #tpu.memory_space<hbm>>) dst(%arg5 : memref<200x16xf32, #tpu.memory_space<vmem>>)
    %add3A_1003 = arith.constant 8200 : i32
    %add3A_1004 = arith.addi %mul3A_2, %add3A_1003 : i32
    %dma_start3A_1005 = arith.constant 0 : i32
    %dma_start3A_1006 = tpu.memref_slice %arg3[%add3A_1004, %dma_start3A_1005] : memref<320000x16xf32, #tpu.memory_space<hbm>> -> memref<200x16xf32, #tpu.memory_space<hbm>>
    %dma_start3A_1007 = arith.constant 0 : i32
    %dma_start3A_1008 = tpu.memref_slice %arg3[%add3A_1004, %dma_start3A_1007] : memref<320000x16xf32, #tpu.memory_space<hbm>> -> memref<200x16xf32, #tpu.memory_space<hbm>>
    tpu.enqueue_dma source(%arg5 : memref<200x16xf32, #tpu.memory_space<vmem>>) target(%dma_start3A_1008 : memref<200x16xf32, #tpu.memory_space<hbm>>) target_semaphore(%arg13 : memref<!tpu.dma_semaphore, #tpu.memory_space<semaphore_mem>>)
    %add3A_1009 = arith.constant 8000 : i32
    %add3A_1010 = arith.addi %mul3A_2, %add3A_1009 : i32
    %dma_wait3A_1011 = arith.constant 0 : i32
    %dma_wait3A_1012 = tpu.memref_slice %arg3[%add3A_1010, %dma_wait3A_1011] : memref<320000x16xf32, #tpu.memory_space<hbm>> -> memref<200x16xf32, #tpu.memory_space<hbm>>
    %dma_wait3A_1013 = arith.constant 0 : i32
    %dma_wait3A_1014 = tpu.memref_slice %arg3[%add3A_1010, %dma_wait3A_1013] : memref<320000x16xf32, #tpu.memory_space<hbm>> -> memref<200x16xf32, #tpu.memory_space<hbm>>
    tpu.wait_dma2 semaphore(%arg12 : memref<!tpu.dma_semaphore, #tpu.memory_space<semaphore_mem>>) src(%arg4 : memref<200x16xf32, #tpu.memory_space<vmem>>) dst(%dma_wait3A_1014 : memref<200x16xf32, #tpu.memory_space<hbm>>)
    %add3A_1015 = arith.constant 8800 : i32
    %add3A_1016 = arith.addi %mul3A_2, %add3A_1015 : i32
    %dma_start3A_1017 = arith.constant 0 : i32
    %dma_start3A_1018 = tpu.memref_slice %arg2[%add3A_1016, %dma_start3A_1017] : memref<320000x16xf32, #tpu.memory_space<hbm>> -> memref<200x16xf32, #tpu.memory_space<hbm>>
    %dma_start3A_1019 = arith.constant 0 : i32
    %dma_start3A_1020 = tpu.memref_slice %arg2[%add3A_1016, %dma_start3A_1019] : memref<320000x16xf32, #tpu.memory_space<hbm>> -> memref<200x16xf32, #tpu.memory_space<hbm>>
    tpu.enqueue_dma source(%dma_start3A_1020 : memref<200x16xf32, #tpu.memory_space<hbm>>) target(%arg4 : memref<200x16xf32, #tpu.memory_space<vmem>>) target_semaphore(%arg8 : memref<!tpu.dma_semaphore, #tpu.memory_space<semaphore_mem>>)
    %add3A_1021 = arith.constant 8400 : i32
    %add3A_1022 = arith.addi %mul3A_2, %add3A_1021 : i32
    %dma_wait3A_1023 = arith.constant 0 : i32
    %dma_wait3A_1024 = tpu.memref_slice %arg2[%add3A_1022, %dma_wait3A_1023] : memref<320000x16xf32, #tpu.memory_space<hbm>> -> memref<200x16xf32, #tpu.memory_space<hbm>>
    %dma_wait3A_1025 = arith.constant 0 : i32
    %dma_wait3A_1026 = tpu.memref_slice %arg2[%add3A_1022, %dma_wait3A_1025] : memref<320000x16xf32, #tpu.memory_space<hbm>> -> memref<200x16xf32, #tpu.memory_space<hbm>>
    tpu.wait_dma2 semaphore(%arg10 : memref<!tpu.dma_semaphore, #tpu.memory_space<semaphore_mem>>) src(%dma_wait3A_1026 : memref<200x16xf32, #tpu.memory_space<hbm>>) dst(%arg6 : memref<200x16xf32, #tpu.memory_space<vmem>>)
    %add3A_1027 = arith.constant 8400 : i32
    %add3A_1028 = arith.addi %mul3A_2, %add3A_1027 : i32
    %dma_start3A_1029 = arith.constant 0 : i32
    %dma_start3A_1030 = tpu.memref_slice %arg3[%add3A_1028, %dma_start3A_1029] : memref<320000x16xf32, #tpu.memory_space<hbm>> -> memref<200x16xf32, #tpu.memory_space<hbm>>
    %dma_start3A_1031 = arith.constant 0 : i32
    %dma_start3A_1032 = tpu.memref_slice %arg3[%add3A_1028, %dma_start3A_1031] : memref<320000x16xf32, #tpu.memory_space<hbm>> -> memref<200x16xf32, #tpu.memory_space<hbm>>
    tpu.enqueue_dma source(%arg6 : memref<200x16xf32, #tpu.memory_space<vmem>>) target(%dma_start3A_1032 : memref<200x16xf32, #tpu.memory_space<hbm>>) target_semaphore(%arg14 : memref<!tpu.dma_semaphore, #tpu.memory_space<semaphore_mem>>)
    %add3A_1033 = arith.constant 8200 : i32
    %add3A_1034 = arith.addi %mul3A_2, %add3A_1033 : i32
    %dma_wait3A_1035 = arith.constant 0 : i32
    %dma_wait3A_1036 = tpu.memref_slice %arg3[%add3A_1034, %dma_wait3A_1035] : memref<320000x16xf32, #tpu.memory_space<hbm>> -> memref<200x16xf32, #tpu.memory_space<hbm>>
    %dma_wait3A_1037 = arith.constant 0 : i32
    %dma_wait3A_1038 = tpu.memref_slice %arg3[%add3A_1034, %dma_wait3A_1037] : memref<320000x16xf32, #tpu.memory_space<hbm>> -> memref<200x16xf32, #tpu.memory_space<hbm>>
    tpu.wait_dma2 semaphore(%arg13 : memref<!tpu.dma_semaphore, #tpu.memory_space<semaphore_mem>>) src(%arg5 : memref<200x16xf32, #tpu.memory_space<vmem>>) dst(%dma_wait3A_1038 : memref<200x16xf32, #tpu.memory_space<hbm>>)
    %add3A_1039 = arith.constant 9000 : i32
    %add3A_1040 = arith.addi %mul3A_2, %add3A_1039 : i32
    %dma_start3A_1041 = arith.constant 0 : i32
    %dma_start3A_1042 = tpu.memref_slice %arg2[%add3A_1040, %dma_start3A_1041] : memref<320000x16xf32, #tpu.memory_space<hbm>> -> memref<200x16xf32, #tpu.memory_space<hbm>>
    %dma_start3A_1043 = arith.constant 0 : i32
    %dma_start3A_1044 = tpu.memref_slice %arg2[%add3A_1040, %dma_start3A_1043] : memref<320000x16xf32, #tpu.memory_space<hbm>> -> memref<200x16xf32, #tpu.memory_space<hbm>>
    tpu.enqueue_dma source(%dma_start3A_1044 : memref<200x16xf32, #tpu.memory_space<hbm>>) target(%arg5 : memref<200x16xf32, #tpu.memory_space<vmem>>) target_semaphore(%arg9 : memref<!tpu.dma_semaphore, #tpu.memory_space<semaphore_mem>>)
    %add3A_1045 = arith.constant 8600 : i32
    %add3A_1046 = arith.addi %mul3A_2, %add3A_1045 : i32
    %dma_wait3A_1047 = arith.constant 0 : i32
    %dma_wait3A_1048 = tpu.memref_slice %arg2[%add3A_1046, %dma_wait3A_1047] : memref<320000x16xf32, #tpu.memory_space<hbm>> -> memref<200x16xf32, #tpu.memory_space<hbm>>
    %dma_wait3A_1049 = arith.constant 0 : i32
    %dma_wait3A_1050 = tpu.memref_slice %arg2[%add3A_1046, %dma_wait3A_1049] : memref<320000x16xf32, #tpu.memory_space<hbm>> -> memref<200x16xf32, #tpu.memory_space<hbm>>
    tpu.wait_dma2 semaphore(%arg11 : memref<!tpu.dma_semaphore, #tpu.memory_space<semaphore_mem>>) src(%dma_wait3A_1050 : memref<200x16xf32, #tpu.memory_space<hbm>>) dst(%arg7 : memref<200x16xf32, #tpu.memory_space<vmem>>)
    %add3A_1051 = arith.constant 8600 : i32
    %add3A_1052 = arith.addi %mul3A_2, %add3A_1051 : i32
    %dma_start3A_1053 = arith.constant 0 : i32
    %dma_start3A_1054 = tpu.memref_slice %arg3[%add3A_1052, %dma_start3A_1053] : memref<320000x16xf32, #tpu.memory_space<hbm>> -> memref<200x16xf32, #tpu.memory_space<hbm>>
    %dma_start3A_1055 = arith.constant 0 : i32
    %dma_start3A_1056 = tpu.memref_slice %arg3[%add3A_1052, %dma_start3A_1055] : memref<320000x16xf32, #tpu.memory_space<hbm>> -> memref<200x16xf32, #tpu.memory_space<hbm>>
    tpu.enqueue_dma source(%arg7 : memref<200x16xf32, #tpu.memory_space<vmem>>) target(%dma_start3A_1056 : memref<200x16xf32, #tpu.memory_space<hbm>>) target_semaphore(%arg15 : memref<!tpu.dma_semaphore, #tpu.memory_space<semaphore_mem>>)
    %add3A_1057 = arith.constant 8400 : i32
    %add3A_1058 = arith.addi %mul3A_2, %add3A_1057 : i32
    %dma_wait3A_1059 = arith.constant 0 : i32
    %dma_wait3A_1060 = tpu.memref_slice %arg3[%add3A_1058, %dma_wait3A_1059] : memref<320000x16xf32, #tpu.memory_space<hbm>> -> memref<200x16xf32, #tpu.memory_space<hbm>>
    %dma_wait3A_1061 = arith.constant 0 : i32
    %dma_wait3A_1062 = tpu.memref_slice %arg3[%add3A_1058, %dma_wait3A_1061] : memref<320000x16xf32, #tpu.memory_space<hbm>> -> memref<200x16xf32, #tpu.memory_space<hbm>>
    tpu.wait_dma2 semaphore(%arg14 : memref<!tpu.dma_semaphore, #tpu.memory_space<semaphore_mem>>) src(%arg6 : memref<200x16xf32, #tpu.memory_space<vmem>>) dst(%dma_wait3A_1062 : memref<200x16xf32, #tpu.memory_space<hbm>>)
    %add3A_1063 = arith.constant 9200 : i32
    %add3A_1064 = arith.addi %mul3A_2, %add3A_1063 : i32
    %dma_start3A_1065 = arith.constant 0 : i32
    %dma_start3A_1066 = tpu.memref_slice %arg2[%add3A_1064, %dma_start3A_1065] : memref<320000x16xf32, #tpu.memory_space<hbm>> -> memref<200x16xf32, #tpu.memory_space<hbm>>
    %dma_start3A_1067 = arith.constant 0 : i32
    %dma_start3A_1068 = tpu.memref_slice %arg2[%add3A_1064, %dma_start3A_1067] : memref<320000x16xf32, #tpu.memory_space<hbm>> -> memref<200x16xf32, #tpu.memory_space<hbm>>
    tpu.enqueue_dma source(%dma_start3A_1068 : memref<200x16xf32, #tpu.memory_space<hbm>>) target(%arg6 : memref<200x16xf32, #tpu.memory_space<vmem>>) target_semaphore(%arg10 : memref<!tpu.dma_semaphore, #tpu.memory_space<semaphore_mem>>)
    %add3A_1069 = arith.constant 8800 : i32
    %add3A_1070 = arith.addi %mul3A_2, %add3A_1069 : i32
    %dma_wait3A_1071 = arith.constant 0 : i32
    %dma_wait3A_1072 = tpu.memref_slice %arg2[%add3A_1070, %dma_wait3A_1071] : memref<320000x16xf32, #tpu.memory_space<hbm>> -> memref<200x16xf32, #tpu.memory_space<hbm>>
    %dma_wait3A_1073 = arith.constant 0 : i32
    %dma_wait3A_1074 = tpu.memref_slice %arg2[%add3A_1070, %dma_wait3A_1073] : memref<320000x16xf32, #tpu.memory_space<hbm>> -> memref<200x16xf32, #tpu.memory_space<hbm>>
    tpu.wait_dma2 semaphore(%arg8 : memref<!tpu.dma_semaphore, #tpu.memory_space<semaphore_mem>>) src(%dma_wait3A_1074 : memref<200x16xf32, #tpu.memory_space<hbm>>) dst(%arg4 : memref<200x16xf32, #tpu.memory_space<vmem>>)
    %add3A_1075 = arith.constant 8800 : i32
    %add3A_1076 = arith.addi %mul3A_2, %add3A_1075 : i32
    %dma_start3A_1077 = arith.constant 0 : i32
    %dma_start3A_1078 = tpu.memref_slice %arg3[%add3A_1076, %dma_start3A_1077] : memref<320000x16xf32, #tpu.memory_space<hbm>> -> memref<200x16xf32, #tpu.memory_space<hbm>>
    %dma_start3A_1079 = arith.constant 0 : i32
    %dma_start3A_1080 = tpu.memref_slice %arg3[%add3A_1076, %dma_start3A_1079] : memref<320000x16xf32, #tpu.memory_space<hbm>> -> memref<200x16xf32, #tpu.memory_space<hbm>>
    tpu.enqueue_dma source(%arg4 : memref<200x16xf32, #tpu.memory_space<vmem>>) target(%dma_start3A_1080 : memref<200x16xf32, #tpu.memory_space<hbm>>) target_semaphore(%arg12 : memref<!tpu.dma_semaphore, #tpu.memory_space<semaphore_mem>>)
    %add3A_1081 = arith.constant 8600 : i32
    %add3A_1082 = arith.addi %mul3A_2, %add3A_1081 : i32
    %dma_wait3A_1083 = arith.constant 0 : i32
    %dma_wait3A_1084 = tpu.memref_slice %arg3[%add3A_1082, %dma_wait3A_1083] : memref<320000x16xf32, #tpu.memory_space<hbm>> -> memref<200x16xf32, #tpu.memory_space<hbm>>
    %dma_wait3A_1085 = arith.constant 0 : i32
    %dma_wait3A_1086 = tpu.memref_slice %arg3[%add3A_1082, %dma_wait3A_1085] : memref<320000x16xf32, #tpu.memory_space<hbm>> -> memref<200x16xf32, #tpu.memory_space<hbm>>
    tpu.wait_dma2 semaphore(%arg15 : memref<!tpu.dma_semaphore, #tpu.memory_space<semaphore_mem>>) src(%arg7 : memref<200x16xf32, #tpu.memory_space<vmem>>) dst(%dma_wait3A_1086 : memref<200x16xf32, #tpu.memory_space<hbm>>)
    %add3A_1087 = arith.constant 9400 : i32
    %add3A_1088 = arith.addi %mul3A_2, %add3A_1087 : i32
    %dma_start3A_1089 = arith.constant 0 : i32
    %dma_start3A_1090 = tpu.memref_slice %arg2[%add3A_1088, %dma_start3A_1089] : memref<320000x16xf32, #tpu.memory_space<hbm>> -> memref<200x16xf32, #tpu.memory_space<hbm>>
    %dma_start3A_1091 = arith.constant 0 : i32
    %dma_start3A_1092 = tpu.memref_slice %arg2[%add3A_1088, %dma_start3A_1091] : memref<320000x16xf32, #tpu.memory_space<hbm>> -> memref<200x16xf32, #tpu.memory_space<hbm>>
    tpu.enqueue_dma source(%dma_start3A_1092 : memref<200x16xf32, #tpu.memory_space<hbm>>) target(%arg7 : memref<200x16xf32, #tpu.memory_space<vmem>>) target_semaphore(%arg11 : memref<!tpu.dma_semaphore, #tpu.memory_space<semaphore_mem>>)
    %add3A_1093 = arith.constant 9000 : i32
    %add3A_1094 = arith.addi %mul3A_2, %add3A_1093 : i32
    %dma_wait3A_1095 = arith.constant 0 : i32
    %dma_wait3A_1096 = tpu.memref_slice %arg2[%add3A_1094, %dma_wait3A_1095] : memref<320000x16xf32, #tpu.memory_space<hbm>> -> memref<200x16xf32, #tpu.memory_space<hbm>>
    %dma_wait3A_1097 = arith.constant 0 : i32
    %dma_wait3A_1098 = tpu.memref_slice %arg2[%add3A_1094, %dma_wait3A_1097] : memref<320000x16xf32, #tpu.memory_space<hbm>> -> memref<200x16xf32, #tpu.memory_space<hbm>>
    tpu.wait_dma2 semaphore(%arg9 : memref<!tpu.dma_semaphore, #tpu.memory_space<semaphore_mem>>) src(%dma_wait3A_1098 : memref<200x16xf32, #tpu.memory_space<hbm>>) dst(%arg5 : memref<200x16xf32, #tpu.memory_space<vmem>>)
    %add3A_1099 = arith.constant 9000 : i32
    %add3A_1100 = arith.addi %mul3A_2, %add3A_1099 : i32
    %dma_start3A_1101 = arith.constant 0 : i32
    %dma_start3A_1102 = tpu.memref_slice %arg3[%add3A_1100, %dma_start3A_1101] : memref<320000x16xf32, #tpu.memory_space<hbm>> -> memref<200x16xf32, #tpu.memory_space<hbm>>
    %dma_start3A_1103 = arith.constant 0 : i32
    %dma_start3A_1104 = tpu.memref_slice %arg3[%add3A_1100, %dma_start3A_1103] : memref<320000x16xf32, #tpu.memory_space<hbm>> -> memref<200x16xf32, #tpu.memory_space<hbm>>
    tpu.enqueue_dma source(%arg5 : memref<200x16xf32, #tpu.memory_space<vmem>>) target(%dma_start3A_1104 : memref<200x16xf32, #tpu.memory_space<hbm>>) target_semaphore(%arg13 : memref<!tpu.dma_semaphore, #tpu.memory_space<semaphore_mem>>)
    %add3A_1105 = arith.constant 8800 : i32
    %add3A_1106 = arith.addi %mul3A_2, %add3A_1105 : i32
    %dma_wait3A_1107 = arith.constant 0 : i32
    %dma_wait3A_1108 = tpu.memref_slice %arg3[%add3A_1106, %dma_wait3A_1107] : memref<320000x16xf32, #tpu.memory_space<hbm>> -> memref<200x16xf32, #tpu.memory_space<hbm>>
    %dma_wait3A_1109 = arith.constant 0 : i32
    %dma_wait3A_1110 = tpu.memref_slice %arg3[%add3A_1106, %dma_wait3A_1109] : memref<320000x16xf32, #tpu.memory_space<hbm>> -> memref<200x16xf32, #tpu.memory_space<hbm>>
    tpu.wait_dma2 semaphore(%arg12 : memref<!tpu.dma_semaphore, #tpu.memory_space<semaphore_mem>>) src(%arg4 : memref<200x16xf32, #tpu.memory_space<vmem>>) dst(%dma_wait3A_1110 : memref<200x16xf32, #tpu.memory_space<hbm>>)
    %add3A_1111 = arith.constant 9600 : i32
    %add3A_1112 = arith.addi %mul3A_2, %add3A_1111 : i32
    %dma_start3A_1113 = arith.constant 0 : i32
    %dma_start3A_1114 = tpu.memref_slice %arg2[%add3A_1112, %dma_start3A_1113] : memref<320000x16xf32, #tpu.memory_space<hbm>> -> memref<200x16xf32, #tpu.memory_space<hbm>>
    %dma_start3A_1115 = arith.constant 0 : i32
    %dma_start3A_1116 = tpu.memref_slice %arg2[%add3A_1112, %dma_start3A_1115] : memref<320000x16xf32, #tpu.memory_space<hbm>> -> memref<200x16xf32, #tpu.memory_space<hbm>>
    tpu.enqueue_dma source(%dma_start3A_1116 : memref<200x16xf32, #tpu.memory_space<hbm>>) target(%arg4 : memref<200x16xf32, #tpu.memory_space<vmem>>) target_semaphore(%arg8 : memref<!tpu.dma_semaphore, #tpu.memory_space<semaphore_mem>>)
    %add3A_1117 = arith.constant 9200 : i32
    %add3A_1118 = arith.addi %mul3A_2, %add3A_1117 : i32
    %dma_wait3A_1119 = arith.constant 0 : i32
    %dma_wait3A_1120 = tpu.memref_slice %arg2[%add3A_1118, %dma_wait3A_1119] : memref<320000x16xf32, #tpu.memory_space<hbm>> -> memref<200x16xf32, #tpu.memory_space<hbm>>
    %dma_wait3A_1121 = arith.constant 0 : i32
    %dma_wait3A_1122 = tpu.memref_slice %arg2[%add3A_1118, %dma_wait3A_1121] : memref<320000x16xf32, #tpu.memory_space<hbm>> -> memref<200x16xf32, #tpu.memory_space<hbm>>
    tpu.wait_dma2 semaphore(%arg10 : memref<!tpu.dma_semaphore, #tpu.memory_space<semaphore_mem>>) src(%dma_wait3A_1122 : memref<200x16xf32, #tpu.memory_space<hbm>>) dst(%arg6 : memref<200x16xf32, #tpu.memory_space<vmem>>)
    %add3A_1123 = arith.constant 9200 : i32
    %add3A_1124 = arith.addi %mul3A_2, %add3A_1123 : i32
    %dma_start3A_1125 = arith.constant 0 : i32
    %dma_start3A_1126 = tpu.memref_slice %arg3[%add3A_1124, %dma_start3A_1125] : memref<320000x16xf32, #tpu.memory_space<hbm>> -> memref<200x16xf32, #tpu.memory_space<hbm>>
    %dma_start3A_1127 = arith.constant 0 : i32
    %dma_start3A_1128 = tpu.memref_slice %arg3[%add3A_1124, %dma_start3A_1127] : memref<320000x16xf32, #tpu.memory_space<hbm>> -> memref<200x16xf32, #tpu.memory_space<hbm>>
    tpu.enqueue_dma source(%arg6 : memref<200x16xf32, #tpu.memory_space<vmem>>) target(%dma_start3A_1128 : memref<200x16xf32, #tpu.memory_space<hbm>>) target_semaphore(%arg14 : memref<!tpu.dma_semaphore, #tpu.memory_space<semaphore_mem>>)
    %add3A_1129 = arith.constant 9000 : i32
    %add3A_1130 = arith.addi %mul3A_2, %add3A_1129 : i32
    %dma_wait3A_1131 = arith.constant 0 : i32
    %dma_wait3A_1132 = tpu.memref_slice %arg3[%add3A_1130, %dma_wait3A_1131] : memref<320000x16xf32, #tpu.memory_space<hbm>> -> memref<200x16xf32, #tpu.memory_space<hbm>>
    %dma_wait3A_1133 = arith.constant 0 : i32
    %dma_wait3A_1134 = tpu.memref_slice %arg3[%add3A_1130, %dma_wait3A_1133] : memref<320000x16xf32, #tpu.memory_space<hbm>> -> memref<200x16xf32, #tpu.memory_space<hbm>>
    tpu.wait_dma2 semaphore(%arg13 : memref<!tpu.dma_semaphore, #tpu.memory_space<semaphore_mem>>) src(%arg5 : memref<200x16xf32, #tpu.memory_space<vmem>>) dst(%dma_wait3A_1134 : memref<200x16xf32, #tpu.memory_space<hbm>>)
    %add3A_1135 = arith.constant 9800 : i32
    %add3A_1136 = arith.addi %mul3A_2, %add3A_1135 : i32
    %dma_start3A_1137 = arith.constant 0 : i32
    %dma_start3A_1138 = tpu.memref_slice %arg2[%add3A_1136, %dma_start3A_1137] : memref<320000x16xf32, #tpu.memory_space<hbm>> -> memref<200x16xf32, #tpu.memory_space<hbm>>
    %dma_start3A_1139 = arith.constant 0 : i32
    %dma_start3A_1140 = tpu.memref_slice %arg2[%add3A_1136, %dma_start3A_1139] : memref<320000x16xf32, #tpu.memory_space<hbm>> -> memref<200x16xf32, #tpu.memory_space<hbm>>
    tpu.enqueue_dma source(%dma_start3A_1140 : memref<200x16xf32, #tpu.memory_space<hbm>>) target(%arg5 : memref<200x16xf32, #tpu.memory_space<vmem>>) target_semaphore(%arg9 : memref<!tpu.dma_semaphore, #tpu.memory_space<semaphore_mem>>)
    %add3A_1141 = arith.constant 9400 : i32
    %add3A_1142 = arith.addi %mul3A_2, %add3A_1141 : i32
    %dma_wait3A_1143 = arith.constant 0 : i32
    %dma_wait3A_1144 = tpu.memref_slice %arg2[%add3A_1142, %dma_wait3A_1143] : memref<320000x16xf32, #tpu.memory_space<hbm>> -> memref<200x16xf32, #tpu.memory_space<hbm>>
    %dma_wait3A_1145 = arith.constant 0 : i32
    %dma_wait3A_1146 = tpu.memref_slice %arg2[%add3A_1142, %dma_wait3A_1145] : memref<320000x16xf32, #tpu.memory_space<hbm>> -> memref<200x16xf32, #tpu.memory_space<hbm>>
    tpu.wait_dma2 semaphore(%arg11 : memref<!tpu.dma_semaphore, #tpu.memory_space<semaphore_mem>>) src(%dma_wait3A_1146 : memref<200x16xf32, #tpu.memory_space<hbm>>) dst(%arg7 : memref<200x16xf32, #tpu.memory_space<vmem>>)
    %add3A_1147 = arith.constant 9400 : i32
    %add3A_1148 = arith.addi %mul3A_2, %add3A_1147 : i32
    %dma_start3A_1149 = arith.constant 0 : i32
    %dma_start3A_1150 = tpu.memref_slice %arg3[%add3A_1148, %dma_start3A_1149] : memref<320000x16xf32, #tpu.memory_space<hbm>> -> memref<200x16xf32, #tpu.memory_space<hbm>>
    %dma_start3A_1151 = arith.constant 0 : i32
    %dma_start3A_1152 = tpu.memref_slice %arg3[%add3A_1148, %dma_start3A_1151] : memref<320000x16xf32, #tpu.memory_space<hbm>> -> memref<200x16xf32, #tpu.memory_space<hbm>>
    tpu.enqueue_dma source(%arg7 : memref<200x16xf32, #tpu.memory_space<vmem>>) target(%dma_start3A_1152 : memref<200x16xf32, #tpu.memory_space<hbm>>) target_semaphore(%arg15 : memref<!tpu.dma_semaphore, #tpu.memory_space<semaphore_mem>>)
    %add3A_1153 = arith.constant 9600 : i32
    %add3A_1154 = arith.addi %mul3A_2, %add3A_1153 : i32
    %dma_wait3A_1155 = arith.constant 0 : i32
    %dma_wait3A_1156 = tpu.memref_slice %arg2[%add3A_1154, %dma_wait3A_1155] : memref<320000x16xf32, #tpu.memory_space<hbm>> -> memref<200x16xf32, #tpu.memory_space<hbm>>
    %dma_wait3A_1157 = arith.constant 0 : i32
    %dma_wait3A_1158 = tpu.memref_slice %arg2[%add3A_1154, %dma_wait3A_1157] : memref<320000x16xf32, #tpu.memory_space<hbm>> -> memref<200x16xf32, #tpu.memory_space<hbm>>
    tpu.wait_dma2 semaphore(%arg8 : memref<!tpu.dma_semaphore, #tpu.memory_space<semaphore_mem>>) src(%dma_wait3A_1158 : memref<200x16xf32, #tpu.memory_space<hbm>>) dst(%arg4 : memref<200x16xf32, #tpu.memory_space<vmem>>)
    %add3A_1159 = arith.constant 9600 : i32
    %add3A_1160 = arith.addi %mul3A_2, %add3A_1159 : i32
    %dma_start3A_1161 = arith.constant 0 : i32
    %dma_start3A_1162 = tpu.memref_slice %arg3[%add3A_1160, %dma_start3A_1161] : memref<320000x16xf32, #tpu.memory_space<hbm>> -> memref<200x16xf32, #tpu.memory_space<hbm>>
    %dma_start3A_1163 = arith.constant 0 : i32
    %dma_start3A_1164 = tpu.memref_slice %arg3[%add3A_1160, %dma_start3A_1163] : memref<320000x16xf32, #tpu.memory_space<hbm>> -> memref<200x16xf32, #tpu.memory_space<hbm>>
    tpu.enqueue_dma source(%arg4 : memref<200x16xf32, #tpu.memory_space<vmem>>) target(%dma_start3A_1164 : memref<200x16xf32, #tpu.memory_space<hbm>>) target_semaphore(%arg12 : memref<!tpu.dma_semaphore, #tpu.memory_space<semaphore_mem>>)
    %add3A_1165 = arith.constant 9800 : i32
    %add3A_1166 = arith.addi %mul3A_2, %add3A_1165 : i32
    %dma_wait3A_1167 = arith.constant 0 : i32
    %dma_wait3A_1168 = tpu.memref_slice %arg2[%add3A_1166, %dma_wait3A_1167] : memref<320000x16xf32, #tpu.memory_space<hbm>> -> memref<200x16xf32, #tpu.memory_space<hbm>>
    %dma_wait3A_1169 = arith.constant 0 : i32
    %dma_wait3A_1170 = tpu.memref_slice %arg2[%add3A_1166, %dma_wait3A_1169] : memref<320000x16xf32, #tpu.memory_space<hbm>> -> memref<200x16xf32, #tpu.memory_space<hbm>>
    tpu.wait_dma2 semaphore(%arg9 : memref<!tpu.dma_semaphore, #tpu.memory_space<semaphore_mem>>) src(%dma_wait3A_1170 : memref<200x16xf32, #tpu.memory_space<hbm>>) dst(%arg5 : memref<200x16xf32, #tpu.memory_space<vmem>>)
    %add3A_1171 = arith.constant 9800 : i32
    %add3A_1172 = arith.addi %mul3A_2, %add3A_1171 : i32
    %dma_start3A_1173 = arith.constant 0 : i32
    %dma_start3A_1174 = tpu.memref_slice %arg3[%add3A_1172, %dma_start3A_1173] : memref<320000x16xf32, #tpu.memory_space<hbm>> -> memref<200x16xf32, #tpu.memory_space<hbm>>
    %dma_start3A_1175 = arith.constant 0 : i32
    %dma_start3A_1176 = tpu.memref_slice %arg3[%add3A_1172, %dma_start3A_1175] : memref<320000x16xf32, #tpu.memory_space<hbm>> -> memref<200x16xf32, #tpu.memory_space<hbm>>
    tpu.enqueue_dma source(%arg5 : memref<200x16xf32, #tpu.memory_space<vmem>>) target(%dma_start3A_1176 : memref<200x16xf32, #tpu.memory_space<hbm>>) target_semaphore(%arg13 : memref<!tpu.dma_semaphore, #tpu.memory_space<semaphore_mem>>)
    %add3A_1177 = arith.constant 9600 : i32
    %add3A_1178 = arith.addi %mul3A_2, %add3A_1177 : i32
    %dma_wait3A_1179 = arith.constant 0 : i32
    %dma_wait3A_1180 = tpu.memref_slice %arg3[%add3A_1178, %dma_wait3A_1179] : memref<320000x16xf32, #tpu.memory_space<hbm>> -> memref<200x16xf32, #tpu.memory_space<hbm>>
    %dma_wait3A_1181 = arith.constant 0 : i32
    %dma_wait3A_1182 = tpu.memref_slice %arg3[%add3A_1178, %dma_wait3A_1181] : memref<320000x16xf32, #tpu.memory_space<hbm>> -> memref<200x16xf32, #tpu.memory_space<hbm>>
    tpu.wait_dma2 semaphore(%arg12 : memref<!tpu.dma_semaphore, #tpu.memory_space<semaphore_mem>>) src(%arg4 : memref<200x16xf32, #tpu.memory_space<vmem>>) dst(%dma_wait3A_1182 : memref<200x16xf32, #tpu.memory_space<hbm>>)
    %add3A_1183 = arith.constant 9800 : i32
    %add3A_1184 = arith.addi %mul3A_2, %add3A_1183 : i32
    %dma_wait3A_1185 = arith.constant 0 : i32
    %dma_wait3A_1186 = tpu.memref_slice %arg3[%add3A_1184, %dma_wait3A_1185] : memref<320000x16xf32, #tpu.memory_space<hbm>> -> memref<200x16xf32, #tpu.memory_space<hbm>>
    %dma_wait3A_1187 = arith.constant 0 : i32
    %dma_wait3A_1188 = tpu.memref_slice %arg3[%add3A_1184, %dma_wait3A_1187] : memref<320000x16xf32, #tpu.memory_space<hbm>> -> memref<200x16xf32, #tpu.memory_space<hbm>>
    tpu.wait_dma2 semaphore(%arg13 : memref<!tpu.dma_semaphore, #tpu.memory_space<semaphore_mem>>) src(%arg5 : memref<200x16xf32, #tpu.memory_space<vmem>>) dst(%dma_wait3A_1188 : memref<200x16xf32, #tpu.memory_space<hbm>>)
    return
  }
}

module attributes {stable_mosaic.version = 14 : i64} {
  func.func @_tc_copy_body(%arg0: i32, %arg1: memref<1000x128xf32, #tpu.memory_space<vmem>>, %arg2: memref<1000x128xf32, #tpu.memory_space<vmem>>) attributes {dimension_semantics = [#tpu.dimension_semantics<arbitrary>], iteration_bounds = array<i64: 10>, scalar_prefetch = 0 : i64, scratch_operands = 0 : i64, tpu.core_type = #tpu.core_type<tc>, window_params = [{transform_indices = @transform_0, window_bounds = array<i64: 1000, 128>}, {transform_indices = @transform_1, window_bounds = array<i64: 1000, 128>}]} {
    %get3A = arith.constant 0 : index
    %get3A_0 = arith.constant 0 : index
    %get3A_1 = vector.load %arg1[%get3A, %get3A_0] : memref<1000x128xf32, #tpu.memory_space<vmem>>, vector<1000x128xf32>
    %swap3A = arith.constant 0 : index
    %swap3A_2 = arith.constant 0 : index
    %swap3A_3 = vector.load %arg2[%swap3A, %swap3A_2] : memref<1000x128xf32, #tpu.memory_space<vmem>>, vector<1000x128xf32>
    tpu.vector_store %arg2[%swap3A, %swap3A_2], %get3A_1 {strides = array<i32>} : memref<1000x128xf32, #tpu.memory_space<vmem>>, vector<1000x128xf32>,
    return
  }
  func.func @transform_0(%arg0: i32) -> (i32, i32) {
    %c0_i32 = arith.constant 0 : i32
    %c0_i32_0 = arith.constant 0 : i32
    return %arg0, %c0_i32 : i32, i32
  }
  func.func @transform_1(%arg0: i32) -> (i32, i32) {
    %c0_i32 = arith.constant 0 : i32
    %c0_i32_0 = arith.constant 0 : i32
    return %arg0, %c0_i32 : i32, i32
  }
}

</mosaic_0001>

<sc_bundles>
// kernel: kernel.4.cloned.1.call-start
scs
__scs_entry_jumppad:
0x0: {  	(pc) =	sbr.rel $0x88, $3  }
0x1: {  	(tag) =	ssettag $0x0;
	lr =	simm.s32 $0x1  }
0x2: {  	[smem:$0x3F9F] =	sst lr;
	_ =	strace $0xD0000000  }
0x3: {  	_ = 	snop  }
0x4: {  	_ = 	snop  }
0x5: {  	_ = 	snop  }
0x6: {  	_ = 	snop  }
0x7: {  	_ = 	snop  }
__scs_overlays_trampoline_lowered:
0x8: {  	[smem:$0x3FAE] =	sst s0  }
0x9: {  	[smem:$0x3FAF] =	sst s1  }
0xa: {  	[smem:$0x3FB0] =	sst s2  }
0xb: {  	[smem:$0x3FB1] =	sst s3  }
0xc: {  	[smem:$0x3FB2] =	sst s4  }
0xd: {  	[smem:$0x3FB3] =	sst s5  }
0xe: {  	[smem:$0x3FB4] =	sst s6  }
0xf: {  	[smem:$0x3FB5] =	sst s7  }
0x10: {  	[smem:$0x3FB6] =	sst s8  }
0x11: {  	[smem:$0x3FB7] =	sst s9;
	s0 =	simm.s32 @!p0 $0x0  }
0x12: {  	s1 =	sld [smem:$0x3F9D];
	s0 =	simm.s32 @p0 $0x1  }
0x13: {  	[smem:$0x3FB8] =	sst s0;
	s0 =	simm.s32 @!p1 $0x0  }
0x14: {  	s2 =	sld [smem:$0x3F9C];
	s0 =	simm.s32 @p1 $0x1  }
0x15: {  	[smem:$0x3FB9] =	sst s0;
	s0 =	simm.s32 @!p2 $0x0  }
0x16: {  	s3 =	sld [smem:$0x3FDB];
	s0 =	simm.s32 @p2 $0x1  }
0x17: {  	s4 =	simm.s32 $0x1BF5;
	[smem:$0x3FBB] =	sst s0  }
0x18: {  	s0 =	sld [smem:$0x3F9E];
	_ =	swait.ge [sflag:s4], $0x0  }
0x19: {  	s7 =	sld [smem:$0x3F9F]  }
0x1a: {  	s8 =	sadd.s32 $0xFFFFE003, lr  }
0x1b: {  	s9 =	sadd.s32 $0xFFFFFEF7, lr;
	s5 =	simm.s32 $0xFFFFFFFF;
	p2 =	slt.u32 s8, $0xFFFFF086  }
0x1c: {  	p1 =	slt.u32 s9, $0xF7A;
	s5 =	simm.s32 @!p2 $0x0  }
0x1d: {  	s5 =	simm.s32 @p1 $0x1;
	p0 =	seq.s32 s7, s2  }
0x1e: {  	s7 =	smul.u32 @!p0 $0xF7A, s2;
	p2 =	seq.s32 @!p0 s5, $0x0  }
0x1f: {  	s9 =	smul.u32 $0xF7A, s1;
	s8 =	simm.s32 @!p0 $0x1BF5;
	p2 =	por !p2, p0  }
0x20: {  	[sflag:s8] =	ssyncset.s32 @!p0 $0xFFFFF086;
	s6 =	sadd.s32 @!p0 s3, s7;
	s7 =	simm.s32 @!p0 $0x108  }
0x21: {  	s3 =	sadd.s32 s3, s9;
	s6 =	sadd.s32 @!p0 $0x88, s6;
	s7 =	simm.s32 @p2 $0x1082  }
0x22: {  	[simem:s7], [sflag:s8] =	dma.local @!p0 [hbm:s6], $0xF7A  }
0x23: {  	s9 =	sor.u32 $0xD0000000, s2;
	s6 =	simm.s32 $0x108;
	_ =	swait.ge @!p0 [sflag:s8], $0x0  }
0x24: {  	s3 =	sadd.s32 $0x88, s3;
	s6 =	simm.s32 @!p1 $0x1082;
	[sflag:s4] =	ssyncset.s32 $0xFFFFF086  }
0x25: {  	[simem:s6], [sflag:s4] =	dma.local [hbm:s3], $0xF7A  }
0x26: {  	[smem:$0x3F9F] =	sst s1;
	(tag) =	ssettag s2;
	_ =	strace s9  }
0x27: {  	s1 =	sld [smem:$0x3FAF]  }
0x28: {  	s2 =	sld [smem:$0x3FB0]  }
0x29: {  	s4 =	sld [smem:$0x3FB2]  }
0x2a: {  	p0 =	seq.s32 s5, $0x0;
	s5 =	sld [smem:$0x3FB3]  }
0x2b: {  	s6 =	sld [smem:$0x3FB4]  }
0x2c: {  	s7 =	sld [smem:$0x3FB5]  }
0x2d: {  	s3 =	simm.s32 $0x108;
	s8 =	sld [smem:$0x3FB6]  }
0x2e: {  	s3 =	simm.s32 @!p0 $0x1082;
	s9 =	sld [smem:$0x3FB7]  }
0x2f: {  	lr =	sadd.s32 s0, s3;
	s0 =	sld [smem:$0x3FAE]  }
0x30: {  	s3 =	sld [smem:$0x3FB1]  }
0x31: {  	[smem:$0x3FBA] =	sst s10  }
0x32: {  	s10 =	sld [smem:$0x3FB8];
	_ =	sdelay $0x3  }
0x33: {  	p0 =	seq.s32 s10, $0x1;
	s10 =	sld [smem:$0x3FBA];
	_ =	sdelay $0x3  }
0x34: {  	[smem:$0x3FBA] =	sst s10  }
0x35: {  	s10 =	sld [smem:$0x3FB9];
	_ =	sdelay $0x3  }
0x36: {  	p1 =	seq.s32 s10, $0x1;
	s10 =	sld [smem:$0x3FBA];
	_ =	sdelay $0x3  }
0x37: {  	[smem:$0x3FBA] =	sst s10  }
0x38: {  	s10 =	sld [smem:$0x3FBB]  }
0x39: {  	_ = 	snop;
	(pc) =	sbr.ind lr, $3  }
0x3a: {  	_ = 	snop  }
0x3b: {  	_ = 	snop  }
0x3c: {  	p2 =	seq.s32 s10, $0x1;
	s10 =	sld [smem:$0x3FBA]  }
0x3d: {  	_ =	shalt  }
0x3e: {  	_ =	shalt  }
0x3f: {  	_ =	shalt  }
0x40: {  	_ =	shalt  }
0x41: {  	_ =	shalt  }
0x42: {  	_ =	shalt  }
0x43: {  	_ =	shalt  }
0x44: {  	_ =	shalt  }
0x45: {  	_ =	shalt  }
0x46: {  	_ =	shalt  }
0x47: {  	_ =	shalt  }
0x48: {  	_ =	shalt  }
0x49: {  	_ =	shalt  }
0x4a: {  	_ =	shalt  }
0x4b: {  	_ =	shalt  }
0x4c: {  	_ =	shalt  }
0x4d: {  	_ =	shalt  }
0x4e: {  	_ =	shalt  }
0x4f: {  	_ =	shalt  }
0x50: {  	_ =	shalt  }
0x51: {  	_ =	shalt  }
0x52: {  	_ =	shalt  }
0x53: {  	_ =	shalt  }
0x54: {  	_ =	shalt  }
0x55: {  	_ =	shalt  }
0x56: {  	_ =	shalt  }
0x57: {  	_ =	shalt  }
0x58: {  	_ =	shalt  }
0x59: {  	_ =	shalt  }
0x5a: {  	_ =	shalt  }
0x5b: {  	_ =	shalt  }
0x5c: {  	_ =	shalt  }
0x5d: {  	_ =	shalt  }
0x5e: {  	_ =	shalt  }
0x5f: {  	_ =	shalt  }
0x60: {  	_ =	shalt  }
0x61: {  	_ =	shalt  }
0x62: {  	_ =	shalt  }
0x63: {  	_ =	shalt  }
0x64: {  	_ =	shalt  }
0x65: {  	_ =	shalt  }
0x66: {  	_ =	shalt  }
0x67: {  	_ =	shalt  }
0x68: {  	_ =	shalt  }
0x69: {  	_ =	shalt  }
0x6a: {  	_ =	shalt  }
0x6b: {  	_ =	shalt  }
0x6c: {  	_ =	shalt  }
0x6d: {  	_ =	shalt  }
0x6e: {  	_ =	shalt  }
0x6f: {  	_ =	shalt  }
0x70: {  	_ =	shalt  }
0x71: {  	_ =	shalt  }
0x72: {  	_ =	shalt  }
0x73: {  	_ =	shalt  }
0x74: {  	_ =	shalt  }
0x75: {  	_ =	shalt  }
0x76: {  	_ =	shalt  }
0x77: {  	_ =	shalt  }
0x78: {  	_ =	shalt  }
0x79: {  	_ =	shalt  }
0x7a: {  	_ =	shalt  }
0x7b: {  	_ =	shalt  }
0x7c: {  	_ =	shalt  }
0x7d: {  	_ =	shalt  }
0x7e: {  	_ =	shalt  }
0x7f: {  	_ =	shalt  }
0x80: {  	_ =	shalt  }
0x81: {  	_ =	shalt  }
0x82: {  	_ =	shalt  }
0x83: {  	_ =	shalt  }
0x84: {  	_ =	shalt  }
0x85: {  	_ =	shalt  }
0x86: {  	_ =	shalt  }
0x87: {  	_ =	shalt  }
.Lfunc_end0:
.L_simem_size_0:
called_computation_lowered:
.L_overlay_start_0:
0x88: {  	s2 =	sld [smem:$0x3FD9]  }
0x89: {  	s3 =	sld [smem:$0x3FFE];
	_ =	sdelay $0x1  }
0x8a: {  	s1 =	srdreg.scid  }
0x8b: {  	s0 =	sand.u32 $0x1, s1  }
0x8c: {  	s16 =	sshll.u32 s0, $0xA;
	s2 =	sadd.s32 s3, s2  }
0x8d: {  	s2 =	sadd.s32 s2, s16  }
0x8e: {  	[smem:$0x3FC6] =	sst s2  }
0x8f: {  	_ = 	snop  }
0x90: {  	(tm) =	ssettm $0x1  }
0x91: {  	s17 =	sld [smem:$0x3FFB];
	_ =	sdelay $0x3  }
0x92: {  	_ =	strace s17  }
0x93: {  	s2 =	sld [smem:$0x3FFC];
	_ =	sdelay $0x3  }
0x94: {  	_ =	strace s2  }
0x95: {  	s2 =	sld [smem:$0x3FFD];
	_ =	sdelay $0x3  }
0x96: {  	_ =	strace s2  }
0x97: {  	_ =	strace $0x8FFFFFFF  }
0x98: {  	s18 =	sld [smem:$0x3FDB];
	_ =	sdelay $0x1  }
0x99: {  	s19 =	simm.s32 $_scs_section_size  }
0x9a: {  	s4 =	simm.s32 $_size__tile_overlayer_lowered;
	s5 =	simm.s32 $_tile_overlayer_lowered  }
0x9b: {  	s22 =	simm.s32 $0x1BFF;
	s21 =	sshll.u32 s5, $0x1;
	s2 =	sadd.s32 s19, s18  }
0x9c: {  	s6 =	simm.s32 $0x0;
	s20 =	sshll.u32 s4, $0x1;
	s4 =	sadd.s32 s21, s2  }
0x9d: {  	[timem:s6], [sflag:s22] =	dma.local [hbm:s4], s20  }
0x9e: {  	_ =	swait.ge [sflag:s22], s20  }
0x9f: {  	s3 =	ssub.s32 $0x0, s20;
	[sflag:s22] =	ssyncset.done $0x0  }
0xa0: {  	[sflag:s22] =	ssyncadd.s32 s3;
	_ =	sdelay $0x1  }
0xa1: {  	s23 =	simm.s32 $0x1B8B  }
0xa2: {  	_ =	swait.ge [sflag:s23], $0x1  }
0xa3: {  	[sflag:s23] =	ssyncset.done $0x0  }
0xa4: {  	s25 =	simm.s32 $0x1B8E;
	s24 =	sld [smem:$0x3FFE];
	[sflag:s23] =	ssyncadd.s32 $0xFFFFFFFF  }
0xa5: {  	s26 =	simm.s32 $execute0_lowered;
	[smem:$0x3FD2] =	sst s25  }
0xa6: {  	s4 =	sshll.u32 s26, $0x1;
	_ =	strace $0x80000046;
	[dreg:$0x1] =	wrdreg $0xFFFFFFFF  }
0xa7: {  	s28 =	simm.s32 $_size_execute0_lowered;
	s2 =	sadd.s32 s2, s4;
	[dreg:$0x0] =	wrdreg $0x0  }
0xa8: {  	s4 =	sshll.u32 s28, $0x1;
	[dreg:$0x2] =	wrdreg s2  }
0xa9: {  	[dreg:$0x3] =	wrdreg s4  }
0xaa: {  	[dreg:$0x4] =	wrdreg $0xC0  }
0xab: {  	_ =	task [dreg:s6], $0x5FFFF  }
0xac: {  	[dreg:$0x1] =	wrdreg $0xFFFFFFFF  }
0xad: {  	[dreg:$0x0] =	wrdreg $0x60  }
0xae: {  	[dreg:$0x2] =	wrdreg s24  }
0xaf: {  	[dreg:$0x3] =	wrdreg $0x9  }
0xb0: {  	_ =	task.clear_ibuf [dreg:s6], $0x4FFFF;
	_ =	strace $0x90000046  }
0xb1: {  	s29 =	simm.s32 $0x9;
	_ =	strace $0x80000048  }
0xb2: {  	_ =	swait.ge [sflag:s29], $0x1  }
0xb3: {  	[sflag:s29] =	ssyncadd.s32 $0xFFFFFFFF  }
0xb4: {  	_ =	strace $0x90000048  }
0xb5: {  	_ =	sfence  }
0xb6: {  	s30 =	sld [smem:$0x0];
	_ =	sdelay $0x2  }
0xb7: {  	s31 =	sshll.u32 s1, $0xD;
	s1 =	sshrl.u32 s1, $0x2  }
0xb8: {  	s3 =	sand.u32 $0x4000, s31;
	s1 =	sadd.s32 s1, s30  }
0xb9: {  	s0 =	sor.u32 s3, s0;
	s1 =	sshll.u32 s1, $0x11  }
0xba: {  	s0 =	sor.u32 s1, s0  }
0xbb: {  	s0 =	sadd.s32 $0x8F2B, s0  }
0xbc: {  	[sflag:s0] =	ssyncadd.remote.s32 $0x1  }
0xbd: {  	_ =	sfence.sel $0xFFFF  }
0xbe: {  	[dreg:$0x0] =	wrdreg $0xFFFFFFFF;
	(pc) =	sbr.abs _section_cstart, $3  }
0xbf: {  	[dreg:$0x1] =	wrdreg $0xFFFFFFFF  }
0xc0: {  	_ =	task.clear_ibuf [dreg:s6], $0x2FFFF;
	_ =	strace $0x9FFFFFFF  }
0xc1: {  	(tm) =	ssettm $0x7FFFFFFF  }
tec
execute0_lowered:
.L_overlay_start_1:
0x0: {  	(tag) =	ssettag $0x1  }
0x1: {  	s0 =	srdreg.scid;
	s1 =	stileid.u32  }
0x2: {  	s5 =	sand.u32 $0x1, s0;
	s13 =	sshll.u32 s1, $0x1  }
0x3: {  	s0 =	sor.u32 s5, s13  }
0x4: {  	s3 =	smul.u32 $0x138800, s0  }
0x5: {  	s4 =	rddreg [dreg:$0x0];
	s2 =	simm.s32 $0x0;
	s0 =	smul.u32 $0x27100, s0  }
0x6: {  	[smem:$0x7FF] =	sst s2;
	s1 =	sadd.s32 $0x600, s4  }
0x7: {  	s4 =	sadd.s32 $0x4E2600, s4;
	_ =	strace $0x80000047;
	s6 =	sadd.s32 s1, s0  }
0x8: {  	s3 =	sshrl.u32 s3, $0x3;
	s0 =	sadd.s32 s4, s0;
	[dreg:$0x2] =	wrdreg s6  }
0x9: {  	s7 =	sadd.s32 $0xC80, s3;
	[dreg:$0x5] =	wrdreg s0  }
0xa: {  	s8 =	sadd.s32 $0x1900, s3;
	s14 =	sadd.s32 s1, s7;
	s0 =	rddreg [dreg:$0x2]  }
0xb: {  	s16 =	sadd.s32 $0x2580, s3;
	s15 =	sadd.s32 s1, s8;
	[dreg:$0x3] =	wrdreg s14  }
0xc: {  	s17 =	sadd.s32 s1, s16;
	[dreg:$0x4] =	wrdreg s15  }
0xd: {  	s19 =	sadd.s32 $0x3200, s3;
	s18 =	sadd.s32 s4, s7;
	[dreg:$0x6] =	wrdreg s17  }
0xe: {  	s20 =	sadd.s32 s1, s19;
	[dreg:$0x7] =	wrdreg s18  }
0xf: {  	s22 =	sadd.s32 $0x3E80, s3;
	s21 =	sadd.s32 s4, s8;
	[dreg:$0x8] =	wrdreg s20  }
0x10: {  	s23 =	sadd.s32 s1, s22;
	[dreg:$0x9] =	wrdreg s21  }
0x11: {  	s25 =	sadd.s32 $0x4B00, s3;
	s24 =	sadd.s32 s4, s16;
	[dreg:$0xa] =	wrdreg s23  }
0x12: {  	s26 =	sadd.s32 s1, s25;
	[dreg:$0xb] =	wrdreg s24  }
0x13: {  	s10 =	sadd.s32 $0x5780, s3;
	s9 =	sadd.s32 s4, s19;
	[dreg:$0xc] =	wrdreg s26  }
0x14: {  	s11 =	sadd.s32 s1, s10;
	[dreg:$0xd] =	wrdreg s9  }
0x15: {  	s13 =	sadd.s32 $0x6400, s3;
	s12 =	sadd.s32 s4, s22;
	[dreg:$0xe] =	wrdreg s11  }
0x16: {  	[dreg:$0xf] =	wrdreg s12;
	s14 =	sadd.s32 s1, s13  }
0x17: {  	s16 =	sadd.s32 $0x7080, s3;
	s15 =	sadd.s32 s4, s25;
	[dreg:$0x10] =	wrdreg s14  }
0x18: {  	s17 =	sadd.s32 s1, s16;
	[dreg:$0x11] =	wrdreg s15  }
0x19: {  	s19 =	sadd.s32 $0x7D00, s3;
	s18 =	sadd.s32 s4, s10;
	[dreg:$0x12] =	wrdreg s17  }
0x1a: {  	s20 =	sadd.s32 s1, s19;
	[dreg:$0x13] =	wrdreg s18  }
0x1b: {  	s22 =	sadd.s32 $0x8980, s3;
	s21 =	sadd.s32 s4, s13;
	[dreg:$0x14] =	wrdreg s20  }
0x1c: {  	s23 =	sadd.s32 s1, s22;
	[dreg:$0x15] =	wrdreg s21  }
0x1d: {  	s24 =	sadd.s32 s4, s16;
	[dreg:$0x16] =	wrdreg s23  }
0x1e: {  	s9 =	sadd.s32 s4, s19;
	[dreg:$0x17] =	wrdreg s24  }
0x1f: {  	s25 =	sadd.s32 $0x9600, s3;
	s12 =	sadd.s32 s4, s22;
	[dreg:$0x19] =	wrdreg s9  }
0x20: {  	s10 =	sadd.s32 $0xA280, s3;
	s26 =	sadd.s32 s1, s25;
	[dreg:$0x1b] =	wrdreg s12  }
0x21: {  	s13 =	sadd.s32 $0xAF00, s3;
	s11 =	sadd.s32 s1, s10;
	[dreg:$0x18] =	wrdreg s26  }
0x22: {  	s14 =	sadd.s32 s1, s13;
	[dreg:$0x1a] =	wrdreg s11  }
0x23: {  	s16 =	sadd.s32 $0xBB80, s3;
	s15 =	sadd.s32 s4, s25;
	[dreg:$0x1c] =	wrdreg s14  }
0x24: {  	s17 =	sadd.s32 s1, s16;
	[dreg:$0x1d] =	wrdreg s15  }
0x25: {  	s19 =	sadd.s32 $0xC800, s3;
	s18 =	sadd.s32 s4, s10;
	[dreg:$0x1e] =	wrdreg s17  }
0x26: {  	s20 =	sadd.s32 s1, s19;
	[dreg:$0x1f] =	wrdreg s18  }
0x27: {  	s22 =	sadd.s32 $0xD480, s3;
	s21 =	sadd.s32 s4, s13;
	[smem:$0x7C9] =	sst s20  }
0x28: {  	s23 =	sadd.s32 s1, s22;
	[smem:$0x7CA] =	sst s21  }
0x29: {  	s24 =	sadd.s32 s4, s16;
	[smem:$0x7CB] =	sst s23  }
0x2a: {  	s9 =	sadd.s32 s4, s19;
	[smem:$0x7CC] =	sst s24  }
0x2b: {  	s25 =	sadd.s32 $0xE100, s3;
	s12 =	sadd.s32 s4, s22;
	[smem:$0x7CE] =	sst s9  }
0x2c: {  	s10 =	sadd.s32 $0xED80, s3;
	s26 =	sadd.s32 s1, s25;
	[smem:$0x7D0] =	sst s12  }
0x2d: {  	s13 =	sadd.s32 $0xFA00, s3;
	s11 =	sadd.s32 s1, s10;
	[smem:$0x7CD] =	sst s26  }
0x2e: {  	s14 =	sadd.s32 s1, s13;
	[smem:$0x7CF] =	sst s11  }
0x2f: {  	s16 =	sadd.s32 $0x10680, s3;
	s15 =	sadd.s32 s4, s25;
	[smem:$0x7D1] =	sst s14  }
0x30: {  	s17 =	sadd.s32 s1, s16;
	[smem:$0x7D2] =	sst s15  }
0x31: {  	s19 =	sadd.s32 $0x11300, s3;
	s18 =	sadd.s32 s4, s10;
	[smem:$0x7D3] =	sst s17  }
0x32: {  	s20 =	sadd.s32 s1, s19;
	[smem:$0x7D4] =	sst s18  }
0x33: {  	s22 =	sadd.s32 $0x11F80, s3;
	s21 =	sadd.s32 s4, s13;
	[smem:$0x7D5] =	sst s20  }
0x34: {  	s23 =	sadd.s32 s1, s22;
	[smem:$0x7D6] =	sst s21  }
0x35: {  	s24 =	sadd.s32 s4, s16;
	[smem:$0x7D7] =	sst s23  }
0x36: {  	s9 =	sadd.s32 s4, s19;
	[smem:$0x7D8] =	sst s24  }
0x37: {  	s25 =	sadd.s32 $0x12C00, s3;
	s12 =	sadd.s32 s4, s22;
	[smem:$0x7DA] =	sst s9  }
0x38: {  	s10 =	sadd.s32 $0x13880, s3;
	s26 =	sadd.s32 s1, s25;
	[smem:$0x7DC] =	sst s12  }
0x39: {  	s13 =	sadd.s32 $0x14500, s3;
	s11 =	sadd.s32 s1, s10;
	[smem:$0x7D9] =	sst s26  }
0x3a: {  	s14 =	sadd.s32 s1, s13;
	[smem:$0x7DB] =	sst s11  }
0x3b: {  	s16 =	sadd.s32 $0x15180, s3;
	s15 =	sadd.s32 s4, s25;
	[smem:$0x7DD] =	sst s14  }
0x3c: {  	s17 =	sadd.s32 s1, s16;
	[smem:$0x7DE] =	sst s15  }
0x3d: {  	s19 =	sadd.s32 $0x15E00, s3;
	s18 =	sadd.s32 s4, s10;
	[smem:$0x7DF] =	sst s17  }
0x3e: {  	s20 =	sadd.s32 s1, s19;
	[smem:$0x7E0] =	sst s18  }
0x3f: {  	s22 =	sadd.s32 $0x16A80, s3;
	s21 =	sadd.s32 s4, s13;
	[smem:$0x7E1] =	sst s20  }
0x40: {  	p0 =	por $0x0, $0x0;
	s23 =	sadd.s32 s1, s22;
	[smem:$0x7E2] =	sst s21  }
0x41: {  	s31 =	simm.s32 $0x7;
	s24 =	sadd.s32 s4, s16;
	[smem:$0x7E3] =	sst s23  }
0x42: {  	s30 =	simm.s32 $0x8;
	s9 =	sadd.s32 s4, s19;
	[smem:$0x7E4] =	sst s24  }
0x43: {  	s25 =	sadd.s32 $0x17700, s3;
	s12 =	sadd.s32 s4, s22;
	[smem:$0x7E6] =	sst s9  }
0x44: {  	s10 =	sadd.s32 $0x18380, s3;
	s26 =	sadd.s32 s1, s25;
	[smem:$0x7E8] =	sst s12  }
0x45: {  	s13 =	sadd.s32 $0x19000, s3;
	s11 =	sadd.s32 s1, s10;
	[smem:$0x7E5] =	sst s26  }
0x46: {  	s5 =	ssub.s32 $0x2, s5;
	s14 =	sadd.s32 s1, s13;
	[smem:$0x7E7] =	sst s11  }
0x47: {  	s16 =	sadd.s32 $0x19C80, s3;
	s15 =	sadd.s32 s4, s25;
	[smem:$0x7E9] =	sst s14  }
0x48: {  	s8 =	simm.s32 $0x2;
	s17 =	sadd.s32 s1, s16;
	[smem:$0x7EA] =	sst s15  }
0x49: {  	s19 =	sadd.s32 $0x1A900, s3;
	s18 =	sadd.s32 s4, s10;
	[smem:$0x7EB] =	sst s17  }
0x4a: {  	s22 =	sadd.s32 $0x1B580, s3;
	s20 =	sadd.s32 s1, s19;
	[smem:$0x7EC] =	sst s18  }
0x4b: {  	s21 =	sadd.s32 s4, s13;
	s23 =	sadd.s32 s1, s22;
	[smem:$0x7ED] =	sst s20  }
0x4c: {  	s24 =	sadd.s32 s4, s16;
	s25 =	sadd.s32 $0x1C200, s3;
	[smem:$0x7EE] =	sst s21  }
0x4d: {  	s7 =	sadd.s32 s4, s19;
	s9 =	sadd.s32 $0x1CE80, s3;
	[smem:$0x7EF] =	sst s23  }
0x4e: {  	s12 =	sadd.s32 $0x1DB00, s3;
	[smem:$0x7F0] =	sst s24;
	s26 =	sadd.s32 s1, s25  }
0x4f: {  	[smem:$0x7F2] =	sst s7;
	s10 =	sadd.s32 s1, s9;
	s11 =	sadd.s32 s4, s22  }
0x50: {  	s13 =	sadd.s32 s1, s12;
	s14 =	sadd.s32 s4, s25;
	[smem:$0x7F1] =	sst s26  }
0x51: {  	s15 =	sadd.s32 $0x1E780, s3;
	s17 =	sadd.s32 s4, s9;
	[smem:$0x7F3] =	sst s10  }
0x52: {  	s18 =	sadd.s32 $0x1F400, s3;
	s20 =	sadd.s32 s4, s12;
	[smem:$0x7F4] =	sst s11  }
0x53: {  	s21 =	sadd.s32 $0x20080, s3;
	s24 =	sadd.s32 $0x20D00, s3;
	[smem:$0x7F5] =	sst s13  }
0x54: {  	s9 =	sshrl.u32 s5, $0x1;
	s12 =	sadd.s32 $0x23280, s3;
	[smem:$0x7F6] =	sst s14  }
0x55: {  	s7 =	simm.s32 $0x6;
	s16 =	sadd.s32 s1, s15;
	[smem:$0x7F8] =	sst s17  }
0x56: {  	s19 =	sadd.s32 s1, s18;
	[smem:$0x7FA] =	sst s20;
	s22 =	sadd.s32 s1, s21  }
0x57: {  	s23 =	sadd.s32 s4, s15;
	s26 =	sadd.s32 s1, s24;
	[smem:$0x7F7] =	sst s16  }
0x58: {  	s9 =	ssub.s32 s5, s9;
	s10 =	sadd.s32 $0x21980, s3;
	[smem:$0x7F9] =	sst s19  }
0x59: {  	s29 =	sadd.s32 s4, s18;
	s11 =	sadd.s32 $0x22600, s3;
	[smem:$0x7FB] =	sst s22  }
0x5a: {  	s24 =	sadd.s32 s4, s24;
	s13 =	sadd.s32 $0x23F00, s3;
	[smem:$0x7FC] =	sst s23  }
0x5b: {  	s17 =	sadd.s32 $0x24B80, s3;
	s15 =	sadd.s32 s4, s12;
	[smem:$0x7FD] =	sst s26  }
0x5c: {  	s28 =	sadd.s32 s1, s10;
	s26 =	sadd.s32 s4, s21;
	s25 =	sadd.s32 s1, s11  }
0x5d: {  	s23 =	sadd.s32 s1, s12;
	s21 =	sadd.s32 s4, s10;
	s20 =	sadd.s32 s1, s13  }
0x5e: {  	s18 =	sadd.s32 s4, s11;
	s16 =	sadd.s32 s1, s17;
	s22 =	smax.u32 s9, $0x1  }
0x5f: {  	s19 =	sadd.s32 $0x25800, s3;
	s3 =	sadd.s32 $0x26480, s3;
	p1 =	sne.s32 s22, $0x1  }
.Ltmp0:
0x60: {  	s12 =	sadd.s32 s4, s13;
	s6 =	sadd.s32 s4, s17;
	(pc) =	sbr.rel @!p1 .LBB2_3-.Ltmp0, $4  }
0x61: {  	s17 =	simm.s32 $0xC800;
	s11 =	simm.s32 $0x1;
	s13 =	simm.s32 $0x12C00  }
0x62: {  	s9 =	simm.s32 $0x5;
	s14 =	sadd.s32 s1, s19;
	s10 =	sadd.s32 s1, s3  }
0x63: {  	s5 =	sadd.s32 s4, s19;
	s3 =	sadd.s32 s4, s3;
	s4 =	simm.s32 $0x6400  }
0x64: {  	s1 =	sadd.s32 $0xFFFFFFFF, s22;
	s22 =	simm.s32 $0x3;
	s19 =	simm.s32 $0x4  }
0x65: {  	[smem:$0x7C8] =	sst s1  }
0x66: {  	[tilespmem:s2], [sflag:$0x1] =	stream.linear.gather [hbm4b:s0+s2], $0x6400, $0x38;
	[tilespmem:$0x19000] =	vst v63  }
0x67: {  	s1 =	rddreg [dreg:$0x3]  }
0x68: {  	[tilespmem:s4], [sflag:$0x2] =	stream.linear.gather [hbm4b:s1+s2], $0x6400, $0x38;
	[tilespmem:$0x19000] =	vst v63  }
0x69: {  	s0 =	rddreg [dreg:$0x4]  }
0x6a: {  	[tilespmem:s17], [sflag:$0x3] =	stream.linear.gather [hbm4b:s0+s2], $0x6400, $0x38;
	[tilespmem:$0x19000] =	vst v63  }
0x6b: {  	_ =	swait.ge [sflag:s11], $0x6400  }
0x6c: {  	[sflag:s11] =	ssyncset.done $0x0  }
0x6d: {  	s0 =	rddreg [dreg:$0x5];
	[sflag:s11] =	ssyncadd.s32 $0xFFFF9C00  }
0x6e: {  	[hbm4b:s0+s2] =	stream.linear.scatter [tilespmem:s2], [sflag:$0x5], $0x6400, $0x38;
	[tilespmem:$0x19000] =	vst v63  }
0x6f: {  	s1 =	rddreg [dreg:$0x6]  }
0x70: {  	[tilespmem:s13], [sflag:$0x4] =	stream.linear.gather [hbm4b:s1+s2], $0x6400, $0x38;
	[tilespmem:$0x19000] =	vst v63  }
0x71: {  	_ =	swait.ge [sflag:s8], $0x6400  }
0x72: {  	[sflag:s8] =	ssyncset.done $0x0  }
0x73: {  	s1 =	rddreg [dreg:$0x7];
	[sflag:s8] =	ssyncadd.s32 $0xFFFF9C00  }
0x74: {  	[hbm4b:s1+s2] =	stream.linear.scatter [tilespmem:s4], [sflag:$0x6], $0x6400, $0x38;
	[tilespmem:$0x19000] =	vst v63  }
0x75: {  	_ =	swait.ge [sflag:s9], $0x6400  }
0x76: {  	[sflag:s9] =	ssyncset.done $0x0  }
0x77: {  	s1 =	rddreg [dreg:$0x8];
	[sflag:s9] =	ssyncadd.s32 $0xFFFF9C00  }
0x78: {  	[tilespmem:s2], [sflag:$0x1] =	stream.linear.gather [hbm4b:s1+s2], $0x6400, $0x38;
	[tilespmem:$0x19000] =	vst v63  }
0x79: {  	_ =	swait.ge [sflag:s22], $0x6400  }
0x7a: {  	[sflag:s22] =	ssyncset.done $0x0  }
0x7b: {  	s1 =	rddreg [dreg:$0x9];
	[sflag:s22] =	ssyncadd.s32 $0xFFFF9C00  }
0x7c: {  	[hbm4b:s1+s2] =	stream.linear.scatter [tilespmem:s17], [sflag:$0x7], $0x6400, $0x38;
	[tilespmem:$0x19000] =	vst v63  }
0x7d: {  	_ =	swait.ge [sflag:s7], $0x6400  }
0x7e: {  	[sflag:s7] =	ssyncset.done $0x0  }
0x7f: {  	s1 =	rddreg [dreg:$0xa];
	[sflag:s7] =	ssyncadd.s32 $0xFFFF9C00  }
0x80: {  	[tilespmem:s4], [sflag:$0x2] =	stream.linear.gather [hbm4b:s1+s2], $0x6400, $0x38;
	[tilespmem:$0x19000] =	vst v63  }
0x81: {  	_ =	swait.ge [sflag:s19], $0x6400  }
0x82: {  	[sflag:s19] =	ssyncset.done $0x0  }
0x83: {  	s1 =	rddreg [dreg:$0xb];
	[sflag:s19] =	ssyncadd.s32 $0xFFFF9C00  }
0x84: {  	[hbm4b:s1+s2] =	stream.linear.scatter [tilespmem:s13], [sflag:$0x8], $0x6400, $0x38;
	[tilespmem:$0x19000] =	vst v63  }
0x85: {  	_ =	swait.ge [sflag:s31], $0x6400  }
0x86: {  	[sflag:s31] =	ssyncset.done $0x0  }
0x87: {  	s1 =	rddreg [dreg:$0xc];
	[sflag:s31] =	ssyncadd.s32 $0xFFFF9C00  }
0x88: {  	[tilespmem:s17], [sflag:$0x3] =	stream.linear.gather [hbm4b:s1+s2], $0x6400, $0x38;
	[tilespmem:$0x19000] =	vst v63  }
0x89: {  	_ =	swait.ge [sflag:s11], $0x6400  }
0x8a: {  	[sflag:s11] =	ssyncset.done $0x0  }
0x8b: {  	s1 =	rddreg [dreg:$0xd];
	[sflag:s11] =	ssyncadd.s32 $0xFFFF9C00  }
0x8c: {  	[hbm4b:s1+s2] =	stream.linear.scatter [tilespmem:s2], [sflag:$0x5], $0x6400, $0x38;
	[tilespmem:$0x19000] =	vst v63  }
0x8d: {  	_ =	swait.ge [sflag:s30], $0x6400  }
0x8e: {  	[sflag:s30] =	ssyncset.done $0x0  }
0x8f: {  	s1 =	rddreg [dreg:$0xe];
	[sflag:s30] =	ssyncadd.s32 $0xFFFF9C00  }
0x90: {  	[tilespmem:s13], [sflag:$0x4] =	stream.linear.gather [hbm4b:s1+s2], $0x6400, $0x38;
	[tilespmem:$0x19000] =	vst v63  }
0x91: {  	_ =	swait.ge [sflag:s8], $0x6400  }
0x92: {  	[sflag:s8] =	ssyncset.done $0x0  }
0x93: {  	s1 =	rddreg [dreg:$0xf];
	[sflag:s8] =	ssyncadd.s32 $0xFFFF9C00  }
0x94: {  	[hbm4b:s1+s2] =	stream.linear.scatter [tilespmem:s4], [sflag:$0x6], $0x6400, $0x38;
	[tilespmem:$0x19000] =	vst v63  }
0x95: {  	_ =	swait.ge [sflag:s9], $0x6400  }
0x96: {  	[sflag:s9] =	ssyncset.done $0x0  }
0x97: {  	s1 =	rddreg [dreg:$0x10];
	[sflag:s9] =	ssyncadd.s32 $0xFFFF9C00  }
0x98: {  	[tilespmem:s2], [sflag:$0x1] =	stream.linear.gather [hbm4b:s1+s2], $0x6400, $0x38;
	[tilespmem:$0x19000] =	vst v63  }
0x99: {  	_ =	swait.ge [sflag:s22], $0x6400  }
0x9a: {  	[sflag:s22] =	ssyncset.done $0x0  }
0x9b: {  	s1 =	rddreg [dreg:$0x11];
	[sflag:s22] =	ssyncadd.s32 $0xFFFF9C00  }
0x9c: {  	[hbm4b:s1+s2] =	stream.linear.scatter [tilespmem:s17], [sflag:$0x7], $0x6400, $0x38;
	[tilespmem:$0x19000] =	vst v63  }
0x9d: {  	_ =	swait.ge [sflag:s7], $0x6400  }
0x9e: {  	[sflag:s7] =	ssyncset.done $0x0  }
0x9f: {  	s1 =	rddreg [dreg:$0x12];
	[sflag:s7] =	ssyncadd.s32 $0xFFFF9C00  }
0xa0: {  	[tilespmem:s4], [sflag:$0x2] =	stream.linear.gather [hbm4b:s1+s2], $0x6400, $0x38;
	[tilespmem:$0x19000] =	vst v63  }
0xa1: {  	_ =	swait.ge [sflag:s19], $0x6400  }
0xa2: {  	[sflag:s19] =	ssyncset.done $0x0  }
0xa3: {  	s1 =	rddreg [dreg:$0x13];
	[sflag:s19] =	ssyncadd.s32 $0xFFFF9C00  }
0xa4: {  	[hbm4b:s1+s2] =	stream.linear.scatter [tilespmem:s13], [sflag:$0x8], $0x6400, $0x38;
	[tilespmem:$0x19000] =	vst v63  }
0xa5: {  	_ =	swait.ge [sflag:s31], $0x6400  }
0xa6: {  	[sflag:s31] =	ssyncset.done $0x0  }
0xa7: {  	s1 =	rddreg [dreg:$0x14];
	[sflag:s31] =	ssyncadd.s32 $0xFFFF9C00  }
0xa8: {  	[tilespmem:s17], [sflag:$0x3] =	stream.linear.gather [hbm4b:s1+s2], $0x6400, $0x38;
	[tilespmem:$0x19000] =	vst v63  }
0xa9: {  	_ =	swait.ge [sflag:s11], $0x6400  }
0xaa: {  	[sflag:s11] =	ssyncset.done $0x0  }
0xab: {  	s1 =	rddreg [dreg:$0x15];
	[sflag:s11] =	ssyncadd.s32 $0xFFFF9C00  }
0xac: {  	[hbm4b:s1+s2] =	stream.linear.scatter [tilespmem:s2], [sflag:$0x5], $0x6400, $0x38;
	[tilespmem:$0x19000] =	vst v63  }
0xad: {  	_ =	swait.ge [sflag:s30], $0x6400  }
0xae: {  	[sflag:s30] =	ssyncset.done $0x0  }
0xaf: {  	s1 =	rddreg [dreg:$0x16];
	[sflag:s30] =	ssyncadd.s32 $0xFFFF9C00  }
0xb0: {  	[tilespmem:s13], [sflag:$0x4] =	stream.linear.gather [hbm4b:s1+s2], $0x6400, $0x38;
	[tilespmem:$0x19000] =	vst v63  }
0xb1: {  	_ =	swait.ge [sflag:s8], $0x6400  }
0xb2: {  	[sflag:s8] =	ssyncset.done $0x0  }
0xb3: {  	s1 =	rddreg [dreg:$0x17];
	[sflag:s8] =	ssyncadd.s32 $0xFFFF9C00  }
0xb4: {  	[hbm4b:s1+s2] =	stream.linear.scatter [tilespmem:s4], [sflag:$0x6], $0x6400, $0x38;
	[tilespmem:$0x19000] =	vst v63  }
0xb5: {  	_ =	swait.ge [sflag:s9], $0x6400  }
0xb6: {  	[sflag:s9] =	ssyncset.done $0x0  }
0xb7: {  	s1 =	rddreg [dreg:$0x18];
	[sflag:s9] =	ssyncadd.s32 $0xFFFF9C00  }
0xb8: {  	[tilespmem:s2], [sflag:$0x1] =	stream.linear.gather [hbm4b:s1+s2], $0x6400, $0x38;
	[tilespmem:$0x19000] =	vst v63  }
0xb9: {  	_ =	swait.ge [sflag:s22], $0x6400  }
0xba: {  	[sflag:s22] =	ssyncset.done $0x0  }
0xbb: {  	s1 =	rddreg [dreg:$0x19];
	[sflag:s22] =	ssyncadd.s32 $0xFFFF9C00  }
0xbc: {  	[hbm4b:s1+s2] =	stream.linear.scatter [tilespmem:s17], [sflag:$0x7], $0x6400, $0x38;
	[tilespmem:$0x19000] =	vst v63  }
0xbd: {  	_ =	swait.ge [sflag:s7], $0x6400  }
0xbe: {  	[sflag:s7] =	ssyncset.done $0x0  }
0xbf: {  	s1 =	rddreg [dreg:$0x1a];
	[sflag:s7] =	ssyncadd.s32 $0xFFFF9C00  }
0xc0: {  	[tilespmem:s4], [sflag:$0x2] =	stream.linear.gather [hbm4b:s1+s2], $0x6400, $0x38;
	[tilespmem:$0x19000] =	vst v63  }
0xc1: {  	_ =	swait.ge [sflag:s19], $0x6400  }
0xc2: {  	[sflag:s19] =	ssyncset.done $0x0  }
0xc3: {  	s1 =	rddreg [dreg:$0x1b];
	[sflag:s19] =	ssyncadd.s32 $0xFFFF9C00  }
0xc4: {  	[hbm4b:s1+s2] =	stream.linear.scatter [tilespmem:s13], [sflag:$0x8], $0x6400, $0x38;
	[tilespmem:$0x19000] =	vst v63  }
0xc5: {  	_ =	swait.ge [sflag:s31], $0x6400  }
0xc6: {  	[sflag:s31] =	ssyncset.done $0x0  }
0xc7: {  	s1 =	rddreg [dreg:$0x1c];
	[sflag:s31] =	ssyncadd.s32 $0xFFFF9C00  }
0xc8: {  	[tilespmem:s17], [sflag:$0x3] =	stream.linear.gather [hbm4b:s1+s2], $0x6400, $0x38;
	[tilespmem:$0x19000] =	vst v63  }
0xc9: {  	_ =	swait.ge [sflag:s11], $0x6400  }
0xca: {  	[sflag:s11] =	ssyncset.done $0x0  }
0xcb: {  	s1 =	rddreg [dreg:$0x1d];
	[sflag:s11] =	ssyncadd.s32 $0xFFFF9C00  }
0xcc: {  	[hbm4b:s1+s2] =	stream.linear.scatter [tilespmem:s2], [sflag:$0x5], $0x6400, $0x38;
	[tilespmem:$0x19000] =	vst v63  }
0xcd: {  	_ =	swait.ge [sflag:s30], $0x6400  }
0xce: {  	[sflag:s30] =	ssyncset.done $0x0  }
0xcf: {  	s1 =	rddreg [dreg:$0x1e];
	[sflag:s30] =	ssyncadd.s32 $0xFFFF9C00  }
0xd0: {  	[tilespmem:s13], [sflag:$0x4] =	stream.linear.gather [hbm4b:s1+s2], $0x6400, $0x38;
	[tilespmem:$0x19000] =	vst v63  }
0xd1: {  	_ =	swait.ge [sflag:s8], $0x6400  }
0xd2: {  	[sflag:s8] =	ssyncset.done $0x0  }
0xd3: {  	s1 =	rddreg [dreg:$0x1f];
	[sflag:s8] =	ssyncadd.s32 $0xFFFF9C00  }
0xd4: {  	[hbm4b:s1+s2] =	stream.linear.scatter [tilespmem:s4], [sflag:$0x6], $0x6400, $0x38;
	[tilespmem:$0x19000] =	vst v63  }
0xd5: {  	_ =	swait.ge [sflag:s9], $0x6400  }
0xd6: {  	s1 =	sld [smem:$0x7C9]  }
0xd7: {  	[sflag:s9] =	ssyncset.done $0x0  }
0xd8: {  	[sflag:s9] =	ssyncadd.s32 $0xFFFF9C00  }
0xd9: {  	[tilespmem:s2], [sflag:$0x1] =	stream.linear.gather [hbm4b:s1+s2], $0x6400, $0x38;
	[tilespmem:$0x19000] =	vst v63  }
0xda: {  	_ =	swait.ge [sflag:s22], $0x6400  }
0xdb: {  	s1 =	sld [smem:$0x7CA]  }
0xdc: {  	[sflag:s22] =	ssyncset.done $0x0  }
0xdd: {  	[sflag:s22] =	ssyncadd.s32 $0xFFFF9C00  }
0xde: {  	[hbm4b:s1+s2] =	stream.linear.scatter [tilespmem:s17], [sflag:$0x7], $0x6400, $0x38;
	[tilespmem:$0x19000] =	vst v63  }
0xdf: {  	_ =	swait.ge [sflag:s7], $0x6400  }
0xe0: {  	s1 =	sld [smem:$0x7CB]  }
0xe1: {  	[sflag:s7] =	ssyncset.done $0x0  }
0xe2: {  	[sflag:s7] =	ssyncadd.s32 $0xFFFF9C00  }
0xe3: {  	[tilespmem:s4], [sflag:$0x2] =	stream.linear.gather [hbm4b:s1+s2], $0x6400, $0x38;
	[tilespmem:$0x19000] =	vst v63  }
0xe4: {  	_ =	swait.ge [sflag:s19], $0x6400  }
0xe5: {  	s1 =	sld [smem:$0x7CC]  }
0xe6: {  	[sflag:s19] =	ssyncset.done $0x0  }
0xe7: {  	[sflag:s19] =	ssyncadd.s32 $0xFFFF9C00  }
0xe8: {  	[hbm4b:s1+s2] =	stream.linear.scatter [tilespmem:s13], [sflag:$0x8], $0x6400, $0x38;
	[tilespmem:$0x19000] =	vst v63  }
0xe9: {  	_ =	swait.ge [sflag:s31], $0x6400  }
0xea: {  	s1 =	sld [smem:$0x7CD]  }
0xeb: {  	[sflag:s31] =	ssyncset.done $0x0  }
0xec: {  	[sflag:s31] =	ssyncadd.s32 $0xFFFF9C00  }
0xed: {  	[tilespmem:s17], [sflag:$0x3] =	stream.linear.gather [hbm4b:s1+s2], $0x6400, $0x38;
	[tilespmem:$0x19000] =	vst v63  }
0xee: {  	_ =	swait.ge [sflag:s11], $0x6400  }
0xef: {  	s1 =	sld [smem:$0x7CE]  }
0xf0: {  	[sflag:s11] =	ssyncset.done $0x0  }
0xf1: {  	[sflag:s11] =	ssyncadd.s32 $0xFFFF9C00  }
0xf2: {  	[hbm4b:s1+s2] =	stream.linear.scatter [tilespmem:s2], [sflag:$0x5], $0x6400, $0x38;
	[tilespmem:$0x19000] =	vst v63  }
0xf3: {  	_ =	swait.ge [sflag:s30], $0x6400  }
0xf4: {  	s1 =	sld [smem:$0x7CF]  }
0xf5: {  	[sflag:s30] =	ssyncset.done $0x0  }
0xf6: {  	[sflag:s30] =	ssyncadd.s32 $0xFFFF9C00  }
0xf7: {  	[tilespmem:s13], [sflag:$0x4] =	stream.linear.gather [hbm4b:s1+s2], $0x6400, $0x38;
	[tilespmem:$0x19000] =	vst v63  }
0xf8: {  	_ =	swait.ge [sflag:s8], $0x6400  }
0xf9: {  	s1 =	sld [smem:$0x7D0]  }
0xfa: {  	[sflag:s8] =	ssyncset.done $0x0  }
0xfb: {  	[sflag:s8] =	ssyncadd.s32 $0xFFFF9C00  }
0xfc: {  	[hbm4b:s1+s2] =	stream.linear.scatter [tilespmem:s4], [sflag:$0x6], $0x6400, $0x38;
	[tilespmem:$0x19000] =	vst v63  }
0xfd: {  	_ =	swait.ge [sflag:s9], $0x6400  }
0xfe: {  	s1 =	sld [smem:$0x7D1]  }
0xff: {  	[sflag:s9] =	ssyncset.done $0x0  }
0x100: {  	[sflag:s9] =	ssyncadd.s32 $0xFFFF9C00  }
0x101: {  	[tilespmem:s2], [sflag:$0x1] =	stream.linear.gather [hbm4b:s1+s2], $0x6400, $0x38;
	[tilespmem:$0x19000] =	vst v63  }
0x102: {  	_ =	swait.ge [sflag:s22], $0x6400  }
0x103: {  	s1 =	sld [smem:$0x7D2]  }
0x104: {  	[sflag:s22] =	ssyncset.done $0x0  }
0x105: {  	[sflag:s22] =	ssyncadd.s32 $0xFFFF9C00  }
0x106: {  	[hbm4b:s1+s2] =	stream.linear.scatter [tilespmem:s17], [sflag:$0x7], $0x6400, $0x38;
	[tilespmem:$0x19000] =	vst v63  }
0x107: {  	_ =	swait.ge [sflag:s7], $0x6400  }
0x108: {  	s1 =	sld [smem:$0x7D3]  }
0x109: {  	[sflag:s7] =	ssyncset.done $0x0  }
0x10a: {  	[sflag:s7] =	ssyncadd.s32 $0xFFFF9C00  }
0x10b: {  	[tilespmem:s4], [sflag:$0x2] =	stream.linear.gather [hbm4b:s1+s2], $0x6400, $0x38;
	[tilespmem:$0x19000] =	vst v63  }
0x10c: {  	_ =	swait.ge [sflag:s19], $0x6400  }
0x10d: {  	s1 =	sld [smem:$0x7D4]  }
0x10e: {  	[sflag:s19] =	ssyncset.done $0x0  }
0x10f: {  	[sflag:s19] =	ssyncadd.s32 $0xFFFF9C00  }
0x110: {  	[hbm4b:s1+s2] =	stream.linear.scatter [tilespmem:s13], [sflag:$0x8], $0x6400, $0x38;
	[tilespmem:$0x19000] =	vst v63  }
0x111: {  	_ =	swait.ge [sflag:s31], $0x6400  }
0x112: {  	s1 =	sld [smem:$0x7D5]  }
0x113: {  	[sflag:s31] =	ssyncset.done $0x0  }
0x114: {  	[sflag:s31] =	ssyncadd.s32 $0xFFFF9C00  }
0x115: {  	[tilespmem:s17], [sflag:$0x3] =	stream.linear.gather [hbm4b:s1+s2], $0x6400, $0x38;
	[tilespmem:$0x19000] =	vst v63  }
0x116: {  	_ =	swait.ge [sflag:s11], $0x6400  }
0x117: {  	s1 =	sld [smem:$0x7D6]  }
0x118: {  	[sflag:s11] =	ssyncset.done $0x0  }
0x119: {  	[sflag:s11] =	ssyncadd.s32 $0xFFFF9C00  }
0x11a: {  	[hbm4b:s1+s2] =	stream.linear.scatter [tilespmem:s2], [sflag:$0x5], $0x6400, $0x38;
	[tilespmem:$0x19000] =	vst v63  }
0x11b: {  	_ =	swait.ge [sflag:s30], $0x6400  }
0x11c: {  	s1 =	sld [smem:$0x7D7]  }
0x11d: {  	[sflag:s30] =	ssyncset.done $0x0  }
0x11e: {  	[sflag:s30] =	ssyncadd.s32 $0xFFFF9C00  }
0x11f: {  	[tilespmem:s13], [sflag:$0x4] =	stream.linear.gather [hbm4b:s1+s2], $0x6400, $0x38;
	[tilespmem:$0x19000] =	vst v63  }
0x120: {  	_ =	swait.ge [sflag:s8], $0x6400  }
0x121: {  	s1 =	sld [smem:$0x7D8]  }
0x122: {  	[sflag:s8] =	ssyncset.done $0x0  }
0x123: {  	[sflag:s8] =	ssyncadd.s32 $0xFFFF9C00  }
0x124: {  	[hbm4b:s1+s2] =	stream.linear.scatter [tilespmem:s4], [sflag:$0x6], $0x6400, $0x38;
	[tilespmem:$0x19000] =	vst v63  }
0x125: {  	_ =	swait.ge [sflag:s9], $0x6400  }
0x126: {  	s1 =	sld [smem:$0x7D9]  }
0x127: {  	[sflag:s9] =	ssyncset.done $0x0  }
0x128: {  	[sflag:s9] =	ssyncadd.s32 $0xFFFF9C00  }
0x129: {  	[tilespmem:s2], [sflag:$0x1] =	stream.linear.gather [hbm4b:s1+s2], $0x6400, $0x38;
	[tilespmem:$0x19000] =	vst v63  }
0x12a: {  	_ =	swait.ge [sflag:s22], $0x6400  }
0x12b: {  	s1 =	sld [smem:$0x7DA]  }
0x12c: {  	[sflag:s22] =	ssyncset.done $0x0  }
0x12d: {  	[sflag:s22] =	ssyncadd.s32 $0xFFFF9C00  }
0x12e: {  	[hbm4b:s1+s2] =	stream.linear.scatter [tilespmem:s17], [sflag:$0x7], $0x6400, $0x38;
	[tilespmem:$0x19000] =	vst v63  }
0x12f: {  	_ =	swait.ge [sflag:s7], $0x6400  }
0x130: {  	s1 =	sld [smem:$0x7DB]  }
0x131: {  	[sflag:s7] =	ssyncset.done $0x0  }
0x132: {  	[sflag:s7] =	ssyncadd.s32 $0xFFFF9C00  }
0x133: {  	[tilespmem:s4], [sflag:$0x2] =	stream.linear.gather [hbm4b:s1+s2], $0x6400, $0x38;
	[tilespmem:$0x19000] =	vst v63  }
0x134: {  	_ =	swait.ge [sflag:s19], $0x6400  }
0x135: {  	s1 =	sld [smem:$0x7DC]  }
0x136: {  	[sflag:s19] =	ssyncset.done $0x0  }
0x137: {  	[sflag:s19] =	ssyncadd.s32 $0xFFFF9C00  }
0x138: {  	[hbm4b:s1+s2] =	stream.linear.scatter [tilespmem:s13], [sflag:$0x8], $0x6400, $0x38;
	[tilespmem:$0x19000] =	vst v63  }
0x139: {  	_ =	swait.ge [sflag:s31], $0x6400  }
0x13a: {  	s1 =	sld [smem:$0x7DD]  }
0x13b: {  	[sflag:s31] =	ssyncset.done $0x0  }
0x13c: {  	[sflag:s31] =	ssyncadd.s32 $0xFFFF9C00  }
0x13d: {  	[tilespmem:s17], [sflag:$0x3] =	stream.linear.gather [hbm4b:s1+s2], $0x6400, $0x38;
	[tilespmem:$0x19000] =	vst v63  }
0x13e: {  	_ =	swait.ge [sflag:s11], $0x6400  }
0x13f: {  	s1 =	sld [smem:$0x7DE]  }
0x140: {  	[sflag:s11] =	ssyncset.done $0x0  }
0x141: {  	[sflag:s11] =	ssyncadd.s32 $0xFFFF9C00  }
0x142: {  	[hbm4b:s1+s2] =	stream.linear.scatter [tilespmem:s2], [sflag:$0x5], $0x6400, $0x38;
	[tilespmem:$0x19000] =	vst v63  }
0x143: {  	_ =	swait.ge [sflag:s30], $0x6400  }
0x144: {  	s1 =	sld [smem:$0x7DF]  }
0x145: {  	[sflag:s30] =	ssyncset.done $0x0  }
0x146: {  	[sflag:s30] =	ssyncadd.s32 $0xFFFF9C00  }
0x147: {  	[tilespmem:s13], [sflag:$0x4] =	stream.linear.gather [hbm4b:s1+s2], $0x6400, $0x38;
	[tilespmem:$0x19000] =	vst v63  }
0x148: {  	_ =	swait.ge [sflag:s8], $0x6400  }
0x149: {  	s1 =	sld [smem:$0x7E0]  }
0x14a: {  	[sflag:s8] =	ssyncset.done $0x0  }
0x14b: {  	[sflag:s8] =	ssyncadd.s32 $0xFFFF9C00  }
0x14c: {  	[hbm4b:s1+s2] =	stream.linear.scatter [tilespmem:s4], [sflag:$0x6], $0x6400, $0x38;
	[tilespmem:$0x19000] =	vst v63  }
0x14d: {  	_ =	swait.ge [sflag:s9], $0x6400  }
0x14e: {  	s1 =	sld [smem:$0x7E1]  }
0x14f: {  	[sflag:s9] =	ssyncset.done $0x0  }
0x150: {  	[sflag:s9] =	ssyncadd.s32 $0xFFFF9C00  }
0x151: {  	[tilespmem:s2], [sflag:$0x1] =	stream.linear.gather [hbm4b:s1+s2], $0x6400, $0x38;
	[tilespmem:$0x19000] =	vst v63  }
0x152: {  	_ =	swait.ge [sflag:s22], $0x6400  }
0x153: {  	s1 =	sld [smem:$0x7E2]  }
0x154: {  	[sflag:s22] =	ssyncset.done $0x0  }
0x155: {  	[sflag:s22] =	ssyncadd.s32 $0xFFFF9C00  }
0x156: {  	[hbm4b:s1+s2] =	stream.linear.scatter [tilespmem:s17], [sflag:$0x7], $0x6400, $0x38;
	[tilespmem:$0x19000] =	vst v63  }
0x157: {  	_ =	swait.ge [sflag:s7], $0x6400  }
0x158: {  	s1 =	sld [smem:$0x7E3]  }
0x159: {  	[sflag:s7] =	ssyncset.done $0x0  }
0x15a: {  	[sflag:s7] =	ssyncadd.s32 $0xFFFF9C00  }
0x15b: {  	[tilespmem:s4], [sflag:$0x2] =	stream.linear.gather [hbm4b:s1+s2], $0x6400, $0x38;
	[tilespmem:$0x19000] =	vst v63  }
0x15c: {  	_ =	swait.ge [sflag:s19], $0x6400  }
0x15d: {  	s1 =	sld [smem:$0x7E4]  }
0x15e: {  	[sflag:s19] =	ssyncset.done $0x0  }
0x15f: {  	[sflag:s19] =	ssyncadd.s32 $0xFFFF9C00  }
0x160: {  	[hbm4b:s1+s2] =	stream.linear.scatter [tilespmem:s13], [sflag:$0x8], $0x6400, $0x38;
	[tilespmem:$0x19000] =	vst v63  }
0x161: {  	_ =	swait.ge [sflag:s31], $0x6400  }
0x162: {  	s1 =	sld [smem:$0x7E5]  }
0x163: {  	[sflag:s31] =	ssyncset.done $0x0  }
0x164: {  	[sflag:s31] =	ssyncadd.s32 $0xFFFF9C00  }
0x165: {  	[tilespmem:s17], [sflag:$0x3] =	stream.linear.gather [hbm4b:s1+s2], $0x6400, $0x38;
	[tilespmem:$0x19000] =	vst v63  }
0x166: {  	_ =	swait.ge [sflag:s11], $0x6400  }
0x167: {  	s1 =	sld [smem:$0x7E6]  }
0x168: {  	[sflag:s11] =	ssyncset.done $0x0  }
0x169: {  	[sflag:s11] =	ssyncadd.s32 $0xFFFF9C00  }
0x16a: {  	[hbm4b:s1+s2] =	stream.linear.scatter [tilespmem:s2], [sflag:$0x5], $0x6400, $0x38;
	[tilespmem:$0x19000] =	vst v63  }
0x16b: {  	_ =	swait.ge [sflag:s30], $0x6400  }
0x16c: {  	s1 =	sld [smem:$0x7E7]  }
0x16d: {  	[sflag:s30] =	ssyncset.done $0x0  }
0x16e: {  	[sflag:s30] =	ssyncadd.s32 $0xFFFF9C00  }
0x16f: {  	[tilespmem:s13], [sflag:$0x4] =	stream.linear.gather [hbm4b:s1+s2], $0x6400, $0x38;
	[tilespmem:$0x19000] =	vst v63  }
0x170: {  	_ =	swait.ge [sflag:s8], $0x6400  }
0x171: {  	s1 =	sld [smem:$0x7E8]  }
0x172: {  	[sflag:s8] =	ssyncset.done $0x0  }
0x173: {  	[sflag:s8] =	ssyncadd.s32 $0xFFFF9C00  }
0x174: {  	[hbm4b:s1+s2] =	stream.linear.scatter [tilespmem:s4], [sflag:$0x6], $0x6400, $0x38;
	[tilespmem:$0x19000] =	vst v63  }
0x175: {  	_ =	swait.ge [sflag:s9], $0x6400  }
0x176: {  	s1 =	sld [smem:$0x7E9]  }
0x177: {  	[sflag:s9] =	ssyncset.done $0x0  }
0x178: {  	[sflag:s9] =	ssyncadd.s32 $0xFFFF9C00  }
0x179: {  	[tilespmem:s2], [sflag:$0x1] =	stream.linear.gather [hbm4b:s1+s2], $0x6400, $0x38;
	[tilespmem:$0x19000] =	vst v63  }
0x17a: {  	_ =	swait.ge [sflag:s22], $0x6400  }
0x17b: {  	s1 =	sld [smem:$0x7EA]  }
0x17c: {  	[sflag:s22] =	ssyncset.done $0x0  }
0x17d: {  	[sflag:s22] =	ssyncadd.s32 $0xFFFF9C00  }
0x17e: {  	[hbm4b:s1+s2] =	stream.linear.scatter [tilespmem:s17], [sflag:$0x7], $0x6400, $0x38;
	[tilespmem:$0x19000] =	vst v63  }
0x17f: {  	_ =	swait.ge [sflag:s7], $0x6400  }
0x180: {  	s1 =	sld [smem:$0x7EB]  }
0x181: {  	[sflag:s7] =	ssyncset.done $0x0  }
0x182: {  	[sflag:s7] =	ssyncadd.s32 $0xFFFF9C00  }
0x183: {  	[tilespmem:s4], [sflag:$0x2] =	stream.linear.gather [hbm4b:s1+s2], $0x6400, $0x38;
	[tilespmem:$0x19000] =	vst v63  }
0x184: {  	_ =	swait.ge [sflag:s19], $0x6400  }
0x185: {  	s1 =	sld [smem:$0x7EC]  }
0x186: {  	[sflag:s19] =	ssyncset.done $0x0  }
0x187: {  	[sflag:s19] =	ssyncadd.s32 $0xFFFF9C00  }
0x188: {  	[hbm4b:s1+s2] =	stream.linear.scatter [tilespmem:s13], [sflag:$0x8], $0x6400, $0x38;
	[tilespmem:$0x19000] =	vst v63  }
0x189: {  	_ =	swait.ge [sflag:s31], $0x6400  }
0x18a: {  	s1 =	sld [smem:$0x7ED]  }
0x18b: {  	[sflag:s31] =	ssyncset.done $0x0  }
0x18c: {  	[sflag:s31] =	ssyncadd.s32 $0xFFFF9C00  }
0x18d: {  	[tilespmem:s17], [sflag:$0x3] =	stream.linear.gather [hbm4b:s1+s2], $0x6400, $0x38;
	[tilespmem:$0x19000] =	vst v63  }
0x18e: {  	_ =	swait.ge [sflag:s11], $0x6400  }
0x18f: {  	s1 =	sld [smem:$0x7EE]  }
0x190: {  	[sflag:s11] =	ssyncset.done $0x0  }
0x191: {  	[sflag:s11] =	ssyncadd.s32 $0xFFFF9C00  }
0x192: {  	[hbm4b:s1+s2] =	stream.linear.scatter [tilespmem:s2], [sflag:$0x5], $0x6400, $0x38;
	[tilespmem:$0x19000] =	vst v63  }
0x193: {  	_ =	swait.ge [sflag:s30], $0x6400  }
0x194: {  	s1 =	sld [smem:$0x7EF]  }
0x195: {  	[sflag:s30] =	ssyncset.done $0x0  }
0x196: {  	[sflag:s30] =	ssyncadd.s32 $0xFFFF9C00  }
0x197: {  	[tilespmem:s13], [sflag:$0x4] =	stream.linear.gather [hbm4b:s1+s2], $0x6400, $0x38;
	[tilespmem:$0x19000] =	vst v63  }
0x198: {  	_ =	swait.ge [sflag:s8], $0x6400  }
0x199: {  	s1 =	sld [smem:$0x7F0]  }
0x19a: {  	[sflag:s8] =	ssyncset.done $0x0  }
0x19b: {  	[sflag:s8] =	ssyncadd.s32 $0xFFFF9C00  }
0x19c: {  	[hbm4b:s1+s2] =	stream.linear.scatter [tilespmem:s4], [sflag:$0x6], $0x6400, $0x38;
	[tilespmem:$0x19000] =	vst v63  }
0x19d: {  	_ =	swait.ge [sflag:s9], $0x6400  }
0x19e: {  	s1 =	sld [smem:$0x7F1]  }
0x19f: {  	[sflag:s9] =	ssyncset.done $0x0  }
0x1a0: {  	[sflag:s9] =	ssyncadd.s32 $0xFFFF9C00  }
0x1a1: {  	[tilespmem:s2], [sflag:$0x1] =	stream.linear.gather [hbm4b:s1+s2], $0x6400, $0x38;
	[tilespmem:$0x19000] =	vst v63  }
0x1a2: {  	_ =	swait.ge [sflag:s22], $0x6400  }
0x1a3: {  	s1 =	sld [smem:$0x7F2]  }
0x1a4: {  	[sflag:s22] =	ssyncset.done $0x0  }
0x1a5: {  	[sflag:s22] =	ssyncadd.s32 $0xFFFF9C00  }
0x1a6: {  	[hbm4b:s1+s2] =	stream.linear.scatter [tilespmem:s17], [sflag:$0x7], $0x6400, $0x38;
	[tilespmem:$0x19000] =	vst v63  }
0x1a7: {  	_ =	swait.ge [sflag:s7], $0x6400  }
0x1a8: {  	s1 =	sld [smem:$0x7F3]  }
0x1a9: {  	[sflag:s7] =	ssyncset.done $0x0  }
0x1aa: {  	[sflag:s7] =	ssyncadd.s32 $0xFFFF9C00  }
0x1ab: {  	[tilespmem:s4], [sflag:$0x2] =	stream.linear.gather [hbm4b:s1+s2], $0x6400, $0x38;
	[tilespmem:$0x19000] =	vst v63  }
0x1ac: {  	_ =	swait.ge [sflag:s19], $0x6400  }
0x1ad: {  	s1 =	sld [smem:$0x7F4]  }
0x1ae: {  	[sflag:s19] =	ssyncset.done $0x0  }
0x1af: {  	[sflag:s19] =	ssyncadd.s32 $0xFFFF9C00  }
0x1b0: {  	[hbm4b:s1+s2] =	stream.linear.scatter [tilespmem:s13], [sflag:$0x8], $0x6400, $0x38;
	[tilespmem:$0x19000] =	vst v63  }
0x1b1: {  	_ =	swait.ge [sflag:s31], $0x6400  }
0x1b2: {  	s1 =	sld [smem:$0x7F5]  }
0x1b3: {  	[sflag:s31] =	ssyncset.done $0x0  }
0x1b4: {  	[sflag:s31] =	ssyncadd.s32 $0xFFFF9C00  }
0x1b5: {  	[tilespmem:s17], [sflag:$0x3] =	stream.linear.gather [hbm4b:s1+s2], $0x6400, $0x38;
	[tilespmem:$0x19000] =	vst v63  }
0x1b6: {  	_ =	swait.ge [sflag:s11], $0x6400  }
0x1b7: {  	s1 =	sld [smem:$0x7F6]  }
0x1b8: {  	[sflag:s11] =	ssyncset.done $0x0  }
0x1b9: {  	[sflag:s11] =	ssyncadd.s32 $0xFFFF9C00  }
0x1ba: {  	[hbm4b:s1+s2] =	stream.linear.scatter [tilespmem:s2], [sflag:$0x5], $0x6400, $0x38;
	[tilespmem:$0x19000] =	vst v63  }
0x1bb: {  	_ =	swait.ge [sflag:s30], $0x6400  }
0x1bc: {  	s1 =	sld [smem:$0x7F7]  }
0x1bd: {  	[sflag:s30] =	ssyncset.done $0x0  }
0x1be: {  	[sflag:s30] =	ssyncadd.s32 $0xFFFF9C00  }
0x1bf: {  	[tilespmem:s13], [sflag:$0x4] =	stream.linear.gather [hbm4b:s1+s2], $0x6400, $0x38;
	[tilespmem:$0x19000] =	vst v63  }
0x1c0: {  	_ =	swait.ge [sflag:s8], $0x6400  }
0x1c1: {  	s1 =	sld [smem:$0x7F8]  }
0x1c2: {  	[sflag:s8] =	ssyncset.done $0x0  }
0x1c3: {  	[sflag:s8] =	ssyncadd.s32 $0xFFFF9C00  }
0x1c4: {  	[hbm4b:s1+s2] =	stream.linear.scatter [tilespmem:s4], [sflag:$0x6], $0x6400, $0x38;
	[tilespmem:$0x19000] =	vst v63  }
0x1c5: {  	_ =	swait.ge [sflag:s9], $0x6400  }
0x1c6: {  	s1 =	sld [smem:$0x7F9]  }
0x1c7: {  	[sflag:s9] =	ssyncset.done $0x0  }
0x1c8: {  	[sflag:s9] =	ssyncadd.s32 $0xFFFF9C00  }
0x1c9: {  	[tilespmem:s2], [sflag:$0x1] =	stream.linear.gather [hbm4b:s1+s2], $0x6400, $0x38;
	[tilespmem:$0x19000] =	vst v63  }
0x1ca: {  	_ =	swait.ge [sflag:s22], $0x6400  }
0x1cb: {  	s1 =	sld [smem:$0x7FA]  }
0x1cc: {  	[sflag:s22] =	ssyncset.done $0x0  }
0x1cd: {  	[sflag:s22] =	ssyncadd.s32 $0xFFFF9C00  }
0x1ce: {  	[hbm4b:s1+s2] =	stream.linear.scatter [tilespmem:s17], [sflag:$0x7], $0x6400, $0x38;
	[tilespmem:$0x19000] =	vst v63  }
0x1cf: {  	_ =	swait.ge [sflag:s7], $0x6400  }
0x1d0: {  	s1 =	sld [smem:$0x7FB]  }
0x1d1: {  	[sflag:s7] =	ssyncset.done $0x0  }
0x1d2: {  	[sflag:s7] =	ssyncadd.s32 $0xFFFF9C00  }
0x1d3: {  	[tilespmem:s4], [sflag:$0x2] =	stream.linear.gather [hbm4b:s1+s2], $0x6400, $0x38;
	[tilespmem:$0x19000] =	vst v63  }
0x1d4: {  	_ =	swait.ge [sflag:s19], $0x6400  }
0x1d5: {  	s1 =	sld [smem:$0x7FC]  }
0x1d6: {  	[sflag:s19] =	ssyncset.done $0x0  }
0x1d7: {  	[sflag:s19] =	ssyncadd.s32 $0xFFFF9C00  }
0x1d8: {  	[hbm4b:s1+s2] =	stream.linear.scatter [tilespmem:s13], [sflag:$0x8], $0x6400, $0x38;
	[tilespmem:$0x19000] =	vst v63  }
0x1d9: {  	_ =	swait.ge [sflag:s31], $0x6400  }
0x1da: {  	s1 =	sld [smem:$0x7FD]  }
0x1db: {  	[sflag:s31] =	ssyncset.done $0x0  }
0x1dc: {  	[sflag:s31] =	ssyncadd.s32 $0xFFFF9C00  }
0x1dd: {  	[tilespmem:s17], [sflag:$0x3] =	stream.linear.gather [hbm4b:s1+s2], $0x6400, $0x38;
	[tilespmem:$0x19000] =	vst v63  }
0x1de: {  	_ =	swait.ge [sflag:s11], $0x6400  }
0x1df: {  	[sflag:s11] =	ssyncset.done $0x0  }
0x1e0: {  	[sflag:s11] =	ssyncadd.s32 $0xFFFF9C00  }
0x1e1: {  	[hbm4b:s29+s2] =	stream.linear.scatter [tilespmem:s2], [sflag:$0x5], $0x6400, $0x38;
	[tilespmem:$0x19000] =	vst v63  }
0x1e2: {  	_ =	swait.ge [sflag:s30], $0x6400  }
0x1e3: {  	[sflag:s30] =	ssyncset.done $0x0  }
0x1e4: {  	[sflag:s30] =	ssyncadd.s32 $0xFFFF9C00  }
0x1e5: {  	[tilespmem:s13], [sflag:$0x4] =	stream.linear.gather [hbm4b:s28+s2], $0x6400, $0x38;
	[tilespmem:$0x19000] =	vst v63  }
0x1e6: {  	_ =	swait.ge [sflag:s8], $0x6400  }
0x1e7: {  	[sflag:s8] =	ssyncset.done $0x0  }
0x1e8: {  	[sflag:s8] =	ssyncadd.s32 $0xFFFF9C00  }
0x1e9: {  	[hbm4b:s26+s2] =	stream.linear.scatter [tilespmem:s4], [sflag:$0x6], $0x6400, $0x38;
	[tilespmem:$0x19000] =	vst v63  }
0x1ea: {  	_ =	swait.ge [sflag:s9], $0x6400  }
0x1eb: {  	[sflag:s9] =	ssyncset.done $0x0  }
0x1ec: {  	[sflag:s9] =	ssyncadd.s32 $0xFFFF9C00  }
0x1ed: {  	[tilespmem:s2], [sflag:$0x1] =	stream.linear.gather [hbm4b:s25+s2], $0x6400, $0x38;
	[tilespmem:$0x19000] =	vst v63  }
0x1ee: {  	_ =	swait.ge [sflag:s22], $0x6400  }
0x1ef: {  	[sflag:s22] =	ssyncset.done $0x0  }
0x1f0: {  	[sflag:s22] =	ssyncadd.s32 $0xFFFF9C00  }
0x1f1: {  	[hbm4b:s24+s2] =	stream.linear.scatter [tilespmem:s17], [sflag:$0x7], $0x6400, $0x38;
	[tilespmem:$0x19000] =	vst v63  }
0x1f2: {  	_ =	swait.ge [sflag:s7], $0x6400  }
0x1f3: {  	[sflag:s7] =	ssyncset.done $0x0  }
0x1f4: {  	[sflag:s7] =	ssyncadd.s32 $0xFFFF9C00  }
0x1f5: {  	[tilespmem:s4], [sflag:$0x2] =	stream.linear.gather [hbm4b:s23+s2], $0x6400, $0x38;
	[tilespmem:$0x19000] =	vst v63  }
0x1f6: {  	_ =	swait.ge [sflag:s19], $0x6400  }
0x1f7: {  	[sflag:s19] =	ssyncset.done $0x0  }
0x1f8: {  	[sflag:s19] =	ssyncadd.s32 $0xFFFF9C00  }
0x1f9: {  	[hbm4b:s21+s2] =	stream.linear.scatter [tilespmem:s13], [sflag:$0x8], $0x6400, $0x38;
	[tilespmem:$0x19000] =	vst v63  }
0x1fa: {  	_ =	swait.ge [sflag:s31], $0x6400  }
0x1fb: {  	[sflag:s31] =	ssyncset.done $0x0  }
0x1fc: {  	[sflag:s31] =	ssyncadd.s32 $0xFFFF9C00  }
0x1fd: {  	[tilespmem:s17], [sflag:$0x3] =	stream.linear.gather [hbm4b:s20+s2], $0x6400, $0x38;
	[tilespmem:$0x19000] =	vst v63  }
0x1fe: {  	_ =	swait.ge [sflag:s11], $0x6400  }
0x1ff: {  	[sflag:s11] =	ssyncset.done $0x0  }
0x200: {  	[sflag:s11] =	ssyncadd.s32 $0xFFFF9C00  }
0x201: {  	[hbm4b:s18+s2] =	stream.linear.scatter [tilespmem:s2], [sflag:$0x5], $0x6400, $0x38;
	[tilespmem:$0x19000] =	vst v63  }
0x202: {  	_ =	swait.ge [sflag:s30], $0x6400  }
0x203: {  	[sflag:s30] =	ssyncset.done $0x0  }
0x204: {  	[sflag:s30] =	ssyncadd.s32 $0xFFFF9C00  }
0x205: {  	[tilespmem:s13], [sflag:$0x4] =	stream.linear.gather [hbm4b:s16+s2], $0x6400, $0x38;
	[tilespmem:$0x19000] =	vst v63  }
0x206: {  	_ =	swait.ge [sflag:s8], $0x6400  }
0x207: {  	[sflag:s8] =	ssyncset.done $0x0  }
0x208: {  	[sflag:s8] =	ssyncadd.s32 $0xFFFF9C00  }
0x209: {  	[hbm4b:s15+s2] =	stream.linear.scatter [tilespmem:s4], [sflag:$0x6], $0x6400, $0x38;
	[tilespmem:$0x19000] =	vst v63  }
0x20a: {  	_ =	swait.ge [sflag:s9], $0x6400  }
0x20b: {  	[sflag:s9] =	ssyncset.done $0x0  }
0x20c: {  	[sflag:s9] =	ssyncadd.s32 $0xFFFF9C00  }
0x20d: {  	[tilespmem:s2], [sflag:$0x1] =	stream.linear.gather [hbm4b:s14+s2], $0x6400, $0x38;
	[tilespmem:$0x19000] =	vst v63  }
0x20e: {  	_ =	swait.ge [sflag:s22], $0x6400  }
0x20f: {  	[sflag:s22] =	ssyncset.done $0x0  }
0x210: {  	[sflag:s22] =	ssyncadd.s32 $0xFFFF9C00  }
0x211: {  	[hbm4b:s12+s2] =	stream.linear.scatter [tilespmem:s17], [sflag:$0x7], $0x6400, $0x38;
	[tilespmem:$0x19000] =	vst v63  }
0x212: {  	_ =	swait.ge [sflag:s7], $0x6400  }
0x213: {  	[sflag:s7] =	ssyncset.done $0x0  }
0x214: {  	[sflag:s7] =	ssyncadd.s32 $0xFFFF9C00  }
0x215: {  	[tilespmem:s4], [sflag:$0x2] =	stream.linear.gather [hbm4b:s10+s2], $0x6400, $0x38;
	[tilespmem:$0x19000] =	vst v63  }
0x216: {  	_ =	swait.ge [sflag:s19], $0x6400  }
0x217: {  	[sflag:s19] =	ssyncset.done $0x0  }
0x218: {  	[sflag:s19] =	ssyncadd.s32 $0xFFFF9C00  }
0x219: {  	[hbm4b:s6+s2] =	stream.linear.scatter [tilespmem:s13], [sflag:$0x8], $0x6400, $0x38;
	[tilespmem:$0x19000] =	vst v63  }
0x21a: {  	_ =	swait.ge [sflag:s11], $0x6400  }
0x21b: {  	[sflag:s11] =	ssyncset.done $0x0  }
0x21c: {  	[sflag:s11] =	ssyncadd.s32 $0xFFFF9C00  }
0x21d: {  	[hbm4b:s5+s2] =	stream.linear.scatter [tilespmem:s2], [sflag:$0x5], $0x6400, $0x38;
	[tilespmem:$0x19000] =	vst v63  }
0x21e: {  	_ =	swait.ge [sflag:s8], $0x6400  }
0x21f: {  	[sflag:s8] =	ssyncset.done $0x0  }
0x220: {  	[sflag:s8] =	ssyncadd.s32 $0xFFFF9C00  }
0x221: {  	[hbm4b:s3+s2] =	stream.linear.scatter [tilespmem:s4], [sflag:$0x6], $0x6400, $0x38;
	[tilespmem:$0x19000] =	vst v63  }
0x222: {  	_ =	swait.ge [sflag:s9], $0x6400  }
0x223: {  	s1 =	sld [smem:$0x7C8];
	_ =	sdelay $0x2  }
0x224: {  	p1 =	sne.s32 s1, $0x1  }
.Ltmp1:
0x225: {  	_ = 	snop;
	(pc) =	sbr.rel @!p1 .LBB2_3-.Ltmp1, $4  }
0x226: {  	[sflag:s9] =	ssyncset.done $0x0  }
0x227: {  	[sflag:s9] =	ssyncadd.s32 $0xFFFF9C00  }
0x228: {  	p0 =	por $0x1, $0x1;
	_ =	swait.ge [sflag:s7], $0x6400  }
0x229: {  	s1 =	sadd.s32 $0xFFFFFFFF, s1;
	s0 =	rddreg [dreg:$0x2];
	[sflag:s7] =	ssyncset.done $0x0  }
.LBB2_2:
0x22a: {  	[sflag:s7] =	ssyncadd.s32 $0xFFFF9C00;
	s30 =	simm.s32 $0x6400  }
0x22b: {  	s13 =	smov.u32 s29;
	s29 =	smov.u32 s28;
	s28 =	smov.u32 s26  }
0x22c: {  	s26 =	smov.u32 s25;
	s25 =	smov.u32 s24;
	s24 =	smov.u32 s23  }
0x22d: {  	s23 =	smov.u32 s21;
	s21 =	smov.u32 s20;
	s20 =	smov.u32 s18  }
0x22e: {  	s18 =	smov.u32 s16;
	s16 =	smov.u32 s15;
	s15 =	smov.u32 s14  }
0x22f: {  	s14 =	smov.u32 s12;
	s12 =	smov.u32 s10;
	s10 =	smov.u32 s6  }
0x230: {  	[tilespmem:s2], [sflag:$0x1] =	stream.linear.gather [hbm4b:s0+s2], $0x6400, $0x38;
	[tilespmem:$0x19000] =	vst v63  }
0x231: {  	s6 =	smov.u32 s5;
	s5 =	smov.u32 s3;
	s3 =	rddreg [dreg:$0x3]  }
0x232: {  	[tilespmem:s30], [sflag:$0x2] =	stream.linear.gather [hbm4b:s3+s2], $0x6400, $0x38;
	[tilespmem:$0x19000] =	vst v63  }
0x233: {  	s4 =	simm.s32 $0xC800;
	s0 =	rddreg [dreg:$0x4]  }
0x234: {  	[tilespmem:s4], [sflag:$0x3] =	stream.linear.gather [hbm4b:s0+s2], $0x6400, $0x38;
	[tilespmem:$0x19000] =	vst v63  }
0x235: {  	_ =	swait.ge [sflag:s11], $0x6400  }
0x236: {  	[sflag:s11] =	ssyncset.done $0x0  }
0x237: {  	s0 =	rddreg [dreg:$0x5];
	[sflag:s11] =	ssyncadd.s32 $0xFFFF9C00  }
0x238: {  	[hbm4b:s0+s2] =	stream.linear.scatter [tilespmem:s2], [sflag:$0x5], $0x6400, $0x38;
	[tilespmem:$0x19000] =	vst v63  }
0x239: {  	s17 =	simm.s32 $0x12C00;
	s3 =	rddreg [dreg:$0x6]  }
0x23a: {  	[tilespmem:s17], [sflag:$0x4] =	stream.linear.gather [hbm4b:s3+s2], $0x6400, $0x38;
	[tilespmem:$0x19000] =	vst v63  }
0x23b: {  	_ =	swait.ge [sflag:s8], $0x6400  }
0x23c: {  	[sflag:s8] =	ssyncset.done $0x0  }
0x23d: {  	s4 =	simm.s32 $0x6400;
	s0 =	rddreg [dreg:$0x7];
	[sflag:s8] =	ssyncadd.s32 $0xFFFF9C00  }
0x23e: {  	[hbm4b:s0+s2] =	stream.linear.scatter [tilespmem:s4], [sflag:$0x6], $0x6400, $0x38;
	[tilespmem:$0x19000] =	vst v63  }
0x23f: {  	s17 =	simm.s32 $0xC800;
	_ =	swait.ge [sflag:s9], $0x6400  }
0x240: {  	s3 =	smov.u32 s5;
	s5 =	smov.u32 s6;
	[sflag:s9] =	ssyncset.done $0x0  }
0x241: {  	s6 =	smov.u32 s10;
	s0 =	rddreg [dreg:$0x8];
	[sflag:s9] =	ssyncadd.s32 $0xFFFF9C00  }
0x242: {  	[tilespmem:s2], [sflag:$0x1] =	stream.linear.gather [hbm4b:s0+s2], $0x6400, $0x38;
	[tilespmem:$0x19000] =	vst v63  }
0x243: {  	s10 =	smov.u32 s12;
	s12 =	smov.u32 s14;
	_ =	swait.ge [sflag:s22], $0x6400  }
0x244: {  	s14 =	smov.u32 s15;
	s15 =	smov.u32 s16;
	[sflag:s22] =	ssyncset.done $0x0  }
0x245: {  	s16 =	smov.u32 s18;
	s0 =	rddreg [dreg:$0x9];
	[sflag:s22] =	ssyncadd.s32 $0xFFFF9C00  }
0x246: {  	[hbm4b:s0+s2] =	stream.linear.scatter [tilespmem:s17], [sflag:$0x7], $0x6400, $0x38;
	[tilespmem:$0x19000] =	vst v63  }
0x247: {  	s18 =	smov.u32 s20;
	s20 =	smov.u32 s21;
	_ =	swait.ge [sflag:s7], $0x6400  }
0x248: {  	s21 =	smov.u32 s23;
	s23 =	smov.u32 s24;
	[sflag:s7] =	ssyncset.done $0x0  }
0x249: {  	s24 =	smov.u32 s25;
	s0 =	rddreg [dreg:$0xa];
	[sflag:s7] =	ssyncadd.s32 $0xFFFF9C00  }
0x24a: {  	[tilespmem:s4], [sflag:$0x2] =	stream.linear.gather [hbm4b:s0+s2], $0x6400, $0x38;
	[tilespmem:$0x19000] =	vst v63  }
0x24b: {  	s25 =	smov.u32 s26;
	s26 =	smov.u32 s28;
	_ =	swait.ge [sflag:s19], $0x6400  }
0x24c: {  	s28 =	smov.u32 s29;
	s29 =	smov.u32 s13;
	[sflag:s19] =	ssyncset.done $0x0  }
0x24d: {  	s13 =	simm.s32 $0x12C00;
	s0 =	rddreg [dreg:$0xb];
	[sflag:s19] =	ssyncadd.s32 $0xFFFF9C00  }
0x24e: {  	[hbm4b:s0+s2] =	stream.linear.scatter [tilespmem:s13], [sflag:$0x8], $0x6400, $0x38;
	[tilespmem:$0x19000] =	vst v63  }
0x24f: {  	_ =	swait.ge [sflag:s31], $0x6400  }
0x250: {  	[sflag:s31] =	ssyncset.done $0x0  }
0x251: {  	s0 =	rddreg [dreg:$0xc];
	[sflag:s31] =	ssyncadd.s32 $0xFFFF9C00  }
0x252: {  	[tilespmem:s17], [sflag:$0x3] =	stream.linear.gather [hbm4b:s0+s2], $0x6400, $0x38;
	[tilespmem:$0x19000] =	vst v63  }
0x253: {  	_ =	swait.ge [sflag:s11], $0x6400  }
0x254: {  	[sflag:s11] =	ssyncset.done $0x0  }
0x255: {  	s30 =	simm.s32 $0x8;
	s0 =	rddreg [dreg:$0xd];
	[sflag:s11] =	ssyncadd.s32 $0xFFFF9C00  }
0x256: {  	[hbm4b:s0+s2] =	stream.linear.scatter [tilespmem:s2], [sflag:$0x5], $0x6400, $0x38;
	[tilespmem:$0x19000] =	vst v63  }
0x257: {  	_ =	swait.ge [sflag:s30], $0x6400  }
0x258: {  	[sflag:s30] =	ssyncset.done $0x0  }
0x259: {  	s0 =	rddreg [dreg:$0xe];
	[sflag:s30] =	ssyncadd.s32 $0xFFFF9C00  }
0x25a: {  	[tilespmem:s13], [sflag:$0x4] =	stream.linear.gather [hbm4b:s0+s2], $0x6400, $0x38;
	[tilespmem:$0x19000] =	vst v63  }
0x25b: {  	_ =	swait.ge [sflag:s8], $0x6400  }
0x25c: {  	[sflag:s8] =	ssyncset.done $0x0  }
0x25d: {  	s0 =	rddreg [dreg:$0xf];
	[sflag:s8] =	ssyncadd.s32 $0xFFFF9C00  }
0x25e: {  	[hbm4b:s0+s2] =	stream.linear.scatter [tilespmem:s4], [sflag:$0x6], $0x6400, $0x38;
	[tilespmem:$0x19000] =	vst v63  }
0x25f: {  	_ =	swait.ge [sflag:s9], $0x6400  }
0x260: {  	[sflag:s9] =	ssyncset.done $0x0  }
0x261: {  	s0 =	rddreg [dreg:$0x10];
	[sflag:s9] =	ssyncadd.s32 $0xFFFF9C00  }
0x262: {  	[tilespmem:s2], [sflag:$0x1] =	stream.linear.gather [hbm4b:s0+s2], $0x6400, $0x38;
	[tilespmem:$0x19000] =	vst v63  }
0x263: {  	_ =	swait.ge [sflag:s22], $0x6400  }
0x264: {  	[sflag:s22] =	ssyncset.done $0x0  }
0x265: {  	s0 =	rddreg [dreg:$0x11];
	[sflag:s22] =	ssyncadd.s32 $0xFFFF9C00  }
0x266: {  	[hbm4b:s0+s2] =	stream.linear.scatter [tilespmem:s17], [sflag:$0x7], $0x6400, $0x38;
	[tilespmem:$0x19000] =	vst v63  }
0x267: {  	_ =	swait.ge [sflag:s7], $0x6400  }
0x268: {  	[sflag:s7] =	ssyncset.done $0x0  }
0x269: {  	s0 =	rddreg [dreg:$0x12];
	[sflag:s7] =	ssyncadd.s32 $0xFFFF9C00  }
0x26a: {  	[tilespmem:s4], [sflag:$0x2] =	stream.linear.gather [hbm4b:s0+s2], $0x6400, $0x38;
	[tilespmem:$0x19000] =	vst v63  }
0x26b: {  	_ =	swait.ge [sflag:s19], $0x6400  }
0x26c: {  	[sflag:s19] =	ssyncset.done $0x0  }
0x26d: {  	s0 =	rddreg [dreg:$0x13];
	[sflag:s19] =	ssyncadd.s32 $0xFFFF9C00  }
0x26e: {  	[hbm4b:s0+s2] =	stream.linear.scatter [tilespmem:s13], [sflag:$0x8], $0x6400, $0x38;
	[tilespmem:$0x19000] =	vst v63  }
0x26f: {  	_ =	swait.ge [sflag:s31], $0x6400  }
0x270: {  	[sflag:s31] =	ssyncset.done $0x0  }
0x271: {  	s0 =	rddreg [dreg:$0x14];
	[sflag:s31] =	ssyncadd.s32 $0xFFFF9C00  }
0x272: {  	[tilespmem:s17], [sflag:$0x3] =	stream.linear.gather [hbm4b:s0+s2], $0x6400, $0x38;
	[tilespmem:$0x19000] =	vst v63  }
0x273: {  	_ =	swait.ge [sflag:s11], $0x6400  }
0x274: {  	[sflag:s11] =	ssyncset.done $0x0  }
0x275: {  	s0 =	rddreg [dreg:$0x15];
	[sflag:s11] =	ssyncadd.s32 $0xFFFF9C00  }
0x276: {  	[hbm4b:s0+s2] =	stream.linear.scatter [tilespmem:s2], [sflag:$0x5], $0x6400, $0x38;
	[tilespmem:$0x19000] =	vst v63  }
0x277: {  	_ =	swait.ge [sflag:s30], $0x6400  }
0x278: {  	[sflag:s30] =	ssyncset.done $0x0  }
0x279: {  	s0 =	rddreg [dreg:$0x16];
	[sflag:s30] =	ssyncadd.s32 $0xFFFF9C00  }
0x27a: {  	[tilespmem:s13], [sflag:$0x4] =	stream.linear.gather [hbm4b:s0+s2], $0x6400, $0x38;
	[tilespmem:$0x19000] =	vst v63  }
0x27b: {  	_ =	swait.ge [sflag:s8], $0x6400  }
0x27c: {  	[sflag:s8] =	ssyncset.done $0x0  }
0x27d: {  	s0 =	rddreg [dreg:$0x17];
	[sflag:s8] =	ssyncadd.s32 $0xFFFF9C00  }
0x27e: {  	[hbm4b:s0+s2] =	stream.linear.scatter [tilespmem:s4], [sflag:$0x6], $0x6400, $0x38;
	[tilespmem:$0x19000] =	vst v63  }
0x27f: {  	_ =	swait.ge [sflag:s9], $0x6400  }
0x280: {  	[sflag:s9] =	ssyncset.done $0x0  }
0x281: {  	s0 =	rddreg [dreg:$0x18];
	[sflag:s9] =	ssyncadd.s32 $0xFFFF9C00  }
0x282: {  	[tilespmem:s2], [sflag:$0x1] =	stream.linear.gather [hbm4b:s0+s2], $0x6400, $0x38;
	[tilespmem:$0x19000] =	vst v63  }
0x283: {  	_ =	swait.ge [sflag:s22], $0x6400  }
0x284: {  	[sflag:s22] =	ssyncset.done $0x0  }
0x285: {  	s0 =	rddreg [dreg:$0x19];
	[sflag:s22] =	ssyncadd.s32 $0xFFFF9C00  }
0x286: {  	[hbm4b:s0+s2] =	stream.linear.scatter [tilespmem:s17], [sflag:$0x7], $0x6400, $0x38;
	[tilespmem:$0x19000] =	vst v63  }
0x287: {  	_ =	swait.ge [sflag:s7], $0x6400  }
0x288: {  	[sflag:s7] =	ssyncset.done $0x0  }
0x289: {  	s0 =	rddreg [dreg:$0x1a];
	[sflag:s7] =	ssyncadd.s32 $0xFFFF9C00  }
0x28a: {  	[tilespmem:s4], [sflag:$0x2] =	stream.linear.gather [hbm4b:s0+s2], $0x6400, $0x38;
	[tilespmem:$0x19000] =	vst v63  }
0x28b: {  	_ =	swait.ge [sflag:s19], $0x6400  }
0x28c: {  	[sflag:s19] =	ssyncset.done $0x0  }
0x28d: {  	s0 =	rddreg [dreg:$0x1b];
	[sflag:s19] =	ssyncadd.s32 $0xFFFF9C00  }
0x28e: {  	[hbm4b:s0+s2] =	stream.linear.scatter [tilespmem:s13], [sflag:$0x8], $0x6400, $0x38;
	[tilespmem:$0x19000] =	vst v63  }
0x28f: {  	_ =	swait.ge [sflag:s31], $0x6400  }
0x290: {  	[sflag:s31] =	ssyncset.done $0x0  }
0x291: {  	s0 =	rddreg [dreg:$0x1c];
	[sflag:s31] =	ssyncadd.s32 $0xFFFF9C00  }
0x292: {  	[tilespmem:s17], [sflag:$0x3] =	stream.linear.gather [hbm4b:s0+s2], $0x6400, $0x38;
	[tilespmem:$0x19000] =	vst v63  }
0x293: {  	_ =	swait.ge [sflag:s11], $0x6400  }
0x294: {  	[sflag:s11] =	ssyncset.done $0x0  }
0x295: {  	s0 =	rddreg [dreg:$0x1d];
	[sflag:s11] =	ssyncadd.s32 $0xFFFF9C00  }
0x296: {  	[hbm4b:s0+s2] =	stream.linear.scatter [tilespmem:s2], [sflag:$0x5], $0x6400, $0x38;
	[tilespmem:$0x19000] =	vst v63  }
0x297: {  	_ =	swait.ge [sflag:s30], $0x6400  }
0x298: {  	[sflag:s30] =	ssyncset.done $0x0  }
0x299: {  	s0 =	rddreg [dreg:$0x1e];
	[sflag:s30] =	ssyncadd.s32 $0xFFFF9C00  }
0x29a: {  	[tilespmem:s13], [sflag:$0x4] =	stream.linear.gather [hbm4b:s0+s2], $0x6400, $0x38;
	[tilespmem:$0x19000] =	vst v63  }
0x29b: {  	_ =	swait.ge [sflag:s8], $0x6400  }
0x29c: {  	[sflag:s8] =	ssyncset.done $0x0  }
0x29d: {  	s0 =	rddreg [dreg:$0x1f];
	[sflag:s8] =	ssyncadd.s32 $0xFFFF9C00  }
0x29e: {  	[hbm4b:s0+s2] =	stream.linear.scatter [tilespmem:s4], [sflag:$0x6], $0x6400, $0x38;
	[tilespmem:$0x19000] =	vst v63  }
0x29f: {  	_ =	swait.ge [sflag:s9], $0x6400  }
0x2a0: {  	s0 =	sld [smem:$0x7C9]  }
0x2a1: {  	[sflag:s9] =	ssyncset.done $0x0  }
0x2a2: {  	[sflag:s9] =	ssyncadd.s32 $0xFFFF9C00  }
0x2a3: {  	[tilespmem:s2], [sflag:$0x1] =	stream.linear.gather [hbm4b:s0+s2], $0x6400, $0x38;
	[tilespmem:$0x19000] =	vst v63  }
0x2a4: {  	_ =	swait.ge [sflag:s22], $0x6400  }
0x2a5: {  	s0 =	sld [smem:$0x7CA]  }
0x2a6: {  	[sflag:s22] =	ssyncset.done $0x0  }
0x2a7: {  	[sflag:s22] =	ssyncadd.s32 $0xFFFF9C00  }
0x2a8: {  	[hbm4b:s0+s2] =	stream.linear.scatter [tilespmem:s17], [sflag:$0x7], $0x6400, $0x38;
	[tilespmem:$0x19000] =	vst v63  }
0x2a9: {  	_ =	swait.ge [sflag:s7], $0x6400  }
0x2aa: {  	s0 =	sld [smem:$0x7CB]  }
0x2ab: {  	[sflag:s7] =	ssyncset.done $0x0  }
0x2ac: {  	[sflag:s7] =	ssyncadd.s32 $0xFFFF9C00  }
0x2ad: {  	[tilespmem:s4], [sflag:$0x2] =	stream.linear.gather [hbm4b:s0+s2], $0x6400, $0x38;
	[tilespmem:$0x19000] =	vst v63  }
0x2ae: {  	_ =	swait.ge [sflag:s19], $0x6400  }
0x2af: {  	s0 =	sld [smem:$0x7CC]  }
0x2b0: {  	[sflag:s19] =	ssyncset.done $0x0  }
0x2b1: {  	[sflag:s19] =	ssyncadd.s32 $0xFFFF9C00  }
0x2b2: {  	[hbm4b:s0+s2] =	stream.linear.scatter [tilespmem:s13], [sflag:$0x8], $0x6400, $0x38;
	[tilespmem:$0x19000] =	vst v63  }
0x2b3: {  	_ =	swait.ge [sflag:s31], $0x6400  }
0x2b4: {  	s0 =	sld [smem:$0x7CD]  }
0x2b5: {  	[sflag:s31] =	ssyncset.done $0x0  }
0x2b6: {  	[sflag:s31] =	ssyncadd.s32 $0xFFFF9C00  }
0x2b7: {  	[tilespmem:s17], [sflag:$0x3] =	stream.linear.gather [hbm4b:s0+s2], $0x6400, $0x38;
	[tilespmem:$0x19000] =	vst v63  }
0x2b8: {  	_ =	swait.ge [sflag:s11], $0x6400  }
0x2b9: {  	s0 =	sld [smem:$0x7CE]  }
0x2ba: {  	[sflag:s11] =	ssyncset.done $0x0  }
0x2bb: {  	[sflag:s11] =	ssyncadd.s32 $0xFFFF9C00  }
0x2bc: {  	[hbm4b:s0+s2] =	stream.linear.scatter [tilespmem:s2], [sflag:$0x5], $0x6400, $0x38;
	[tilespmem:$0x19000] =	vst v63  }
0x2bd: {  	_ =	swait.ge [sflag:s30], $0x6400  }
0x2be: {  	s0 =	sld [smem:$0x7CF]  }
0x2bf: {  	[sflag:s30] =	ssyncset.done $0x0  }
0x2c0: {  	[sflag:s30] =	ssyncadd.s32 $0xFFFF9C00  }
0x2c1: {  	[tilespmem:s13], [sflag:$0x4] =	stream.linear.gather [hbm4b:s0+s2], $0x6400, $0x38;
	[tilespmem:$0x19000] =	vst v63  }
0x2c2: {  	_ =	swait.ge [sflag:s8], $0x6400  }
0x2c3: {  	s0 =	sld [smem:$0x7D0]  }
0x2c4: {  	[sflag:s8] =	ssyncset.done $0x0  }
0x2c5: {  	[sflag:s8] =	ssyncadd.s32 $0xFFFF9C00  }
0x2c6: {  	[hbm4b:s0+s2] =	stream.linear.scatter [tilespmem:s4], [sflag:$0x6], $0x6400, $0x38;
	[tilespmem:$0x19000] =	vst v63  }
0x2c7: {  	_ =	swait.ge [sflag:s9], $0x6400  }
0x2c8: {  	s0 =	sld [smem:$0x7D1]  }
0x2c9: {  	[sflag:s9] =	ssyncset.done $0x0  }
0x2ca: {  	[sflag:s9] =	ssyncadd.s32 $0xFFFF9C00  }
0x2cb: {  	[tilespmem:s2], [sflag:$0x1] =	stream.linear.gather [hbm4b:s0+s2], $0x6400, $0x38;
	[tilespmem:$0x19000] =	vst v63  }
0x2cc: {  	_ =	swait.ge [sflag:s22], $0x6400  }
0x2cd: {  	s0 =	sld [smem:$0x7D2]  }
0x2ce: {  	[sflag:s22] =	ssyncset.done $0x0  }
0x2cf: {  	[sflag:s22] =	ssyncadd.s32 $0xFFFF9C00  }
0x2d0: {  	[hbm4b:s0+s2] =	stream.linear.scatter [tilespmem:s17], [sflag:$0x7], $0x6400, $0x38;
	[tilespmem:$0x19000] =	vst v63  }
0x2d1: {  	_ =	swait.ge [sflag:s7], $0x6400  }
0x2d2: {  	s0 =	sld [smem:$0x7D3]  }
0x2d3: {  	[sflag:s7] =	ssyncset.done $0x0  }
0x2d4: {  	[sflag:s7] =	ssyncadd.s32 $0xFFFF9C00  }
0x2d5: {  	[tilespmem:s4], [sflag:$0x2] =	stream.linear.gather [hbm4b:s0+s2], $0x6400, $0x38;
	[tilespmem:$0x19000] =	vst v63  }
0x2d6: {  	_ =	swait.ge [sflag:s19], $0x6400  }
0x2d7: {  	s0 =	sld [smem:$0x7D4]  }
0x2d8: {  	[sflag:s19] =	ssyncset.done $0x0  }
0x2d9: {  	[sflag:s19] =	ssyncadd.s32 $0xFFFF9C00  }
0x2da: {  	[hbm4b:s0+s2] =	stream.linear.scatter [tilespmem:s13], [sflag:$0x8], $0x6400, $0x38;
	[tilespmem:$0x19000] =	vst v63  }
0x2db: {  	_ =	swait.ge [sflag:s31], $0x6400  }
0x2dc: {  	s0 =	sld [smem:$0x7D5]  }
0x2dd: {  	[sflag:s31] =	ssyncset.done $0x0  }
0x2de: {  	[sflag:s31] =	ssyncadd.s32 $0xFFFF9C00  }
0x2df: {  	[tilespmem:s17], [sflag:$0x3] =	stream.linear.gather [hbm4b:s0+s2], $0x6400, $0x38;
	[tilespmem:$0x19000] =	vst v63  }
0x2e0: {  	_ =	swait.ge [sflag:s11], $0x6400  }
0x2e1: {  	s0 =	sld [smem:$0x7D6]  }
0x2e2: {  	[sflag:s11] =	ssyncset.done $0x0  }
0x2e3: {  	[sflag:s11] =	ssyncadd.s32 $0xFFFF9C00  }
0x2e4: {  	[hbm4b:s0+s2] =	stream.linear.scatter [tilespmem:s2], [sflag:$0x5], $0x6400, $0x38;
	[tilespmem:$0x19000] =	vst v63  }
0x2e5: {  	_ =	swait.ge [sflag:s30], $0x6400  }
0x2e6: {  	s0 =	sld [smem:$0x7D7]  }
0x2e7: {  	[sflag:s30] =	ssyncset.done $0x0  }
0x2e8: {  	[sflag:s30] =	ssyncadd.s32 $0xFFFF9C00  }
0x2e9: {  	[tilespmem:s13], [sflag:$0x4] =	stream.linear.gather [hbm4b:s0+s2], $0x6400, $0x38;
	[tilespmem:$0x19000] =	vst v63  }
0x2ea: {  	_ =	swait.ge [sflag:s8], $0x6400  }
0x2eb: {  	s0 =	sld [smem:$0x7D8]  }
0x2ec: {  	[sflag:s8] =	ssyncset.done $0x0  }
0x2ed: {  	[sflag:s8] =	ssyncadd.s32 $0xFFFF9C00  }
0x2ee: {  	[hbm4b:s0+s2] =	stream.linear.scatter [tilespmem:s4], [sflag:$0x6], $0x6400, $0x38;
	[tilespmem:$0x19000] =	vst v63  }
0x2ef: {  	_ =	swait.ge [sflag:s9], $0x6400  }
0x2f0: {  	s0 =	sld [smem:$0x7D9]  }
0x2f1: {  	[sflag:s9] =	ssyncset.done $0x0  }
0x2f2: {  	[sflag:s9] =	ssyncadd.s32 $0xFFFF9C00  }
0x2f3: {  	[tilespmem:s2], [sflag:$0x1] =	stream.linear.gather [hbm4b:s0+s2], $0x6400, $0x38;
	[tilespmem:$0x19000] =	vst v63  }
0x2f4: {  	_ =	swait.ge [sflag:s22], $0x6400  }
0x2f5: {  	s0 =	sld [smem:$0x7DA]  }
0x2f6: {  	[sflag:s22] =	ssyncset.done $0x0  }
0x2f7: {  	[sflag:s22] =	ssyncadd.s32 $0xFFFF9C00  }
0x2f8: {  	[hbm4b:s0+s2] =	stream.linear.scatter [tilespmem:s17], [sflag:$0x7], $0x6400, $0x38;
	[tilespmem:$0x19000] =	vst v63  }
0x2f9: {  	_ =	swait.ge [sflag:s7], $0x6400  }
0x2fa: {  	s0 =	sld [smem:$0x7DB]  }
0x2fb: {  	[sflag:s7] =	ssyncset.done $0x0  }
0x2fc: {  	[sflag:s7] =	ssyncadd.s32 $0xFFFF9C00  }
0x2fd: {  	[tilespmem:s4], [sflag:$0x2] =	stream.linear.gather [hbm4b:s0+s2], $0x6400, $0x38;
	[tilespmem:$0x19000] =	vst v63  }
0x2fe: {  	_ =	swait.ge [sflag:s19], $0x6400  }
0x2ff: {  	s0 =	sld [smem:$0x7DC]  }
0x300: {  	[sflag:s19] =	ssyncset.done $0x0  }
0x301: {  	[sflag:s19] =	ssyncadd.s32 $0xFFFF9C00  }
0x302: {  	[hbm4b:s0+s2] =	stream.linear.scatter [tilespmem:s13], [sflag:$0x8], $0x6400, $0x38;
	[tilespmem:$0x19000] =	vst v63  }
0x303: {  	_ =	swait.ge [sflag:s31], $0x6400  }
0x304: {  	s0 =	sld [smem:$0x7DD]  }
0x305: {  	[sflag:s31] =	ssyncset.done $0x0  }
0x306: {  	[sflag:s31] =	ssyncadd.s32 $0xFFFF9C00  }
0x307: {  	[tilespmem:s17], [sflag:$0x3] =	stream.linear.gather [hbm4b:s0+s2], $0x6400, $0x38;
	[tilespmem:$0x19000] =	vst v63  }
0x308: {  	_ =	swait.ge [sflag:s11], $0x6400  }
0x309: {  	s0 =	sld [smem:$0x7DE]  }
0x30a: {  	[sflag:s11] =	ssyncset.done $0x0  }
0x30b: {  	[sflag:s11] =	ssyncadd.s32 $0xFFFF9C00  }
0x30c: {  	[hbm4b:s0+s2] =	stream.linear.scatter [tilespmem:s2], [sflag:$0x5], $0x6400, $0x38;
	[tilespmem:$0x19000] =	vst v63  }
0x30d: {  	_ =	swait.ge [sflag:s30], $0x6400  }
0x30e: {  	s0 =	sld [smem:$0x7DF]  }
0x30f: {  	[sflag:s30] =	ssyncset.done $0x0  }
0x310: {  	[sflag:s30] =	ssyncadd.s32 $0xFFFF9C00  }
0x311: {  	[tilespmem:s13], [sflag:$0x4] =	stream.linear.gather [hbm4b:s0+s2], $0x6400, $0x38;
	[tilespmem:$0x19000] =	vst v63  }
0x312: {  	_ =	swait.ge [sflag:s8], $0x6400  }
0x313: {  	s0 =	sld [smem:$0x7E0]  }
0x314: {  	[sflag:s8] =	ssyncset.done $0x0  }
0x315: {  	[sflag:s8] =	ssyncadd.s32 $0xFFFF9C00  }
0x316: {  	[hbm4b:s0+s2] =	stream.linear.scatter [tilespmem:s4], [sflag:$0x6], $0x6400, $0x38;
	[tilespmem:$0x19000] =	vst v63  }
0x317: {  	_ =	swait.ge [sflag:s9], $0x6400  }
0x318: {  	s0 =	sld [smem:$0x7E1]  }
0x319: {  	[sflag:s9] =	ssyncset.done $0x0  }
0x31a: {  	[sflag:s9] =	ssyncadd.s32 $0xFFFF9C00  }
0x31b: {  	[tilespmem:s2], [sflag:$0x1] =	stream.linear.gather [hbm4b:s0+s2], $0x6400, $0x38;
	[tilespmem:$0x19000] =	vst v63  }
0x31c: {  	_ =	swait.ge [sflag:s22], $0x6400  }
0x31d: {  	s0 =	sld [smem:$0x7E2]  }
0x31e: {  	[sflag:s22] =	ssyncset.done $0x0  }
0x31f: {  	[sflag:s22] =	ssyncadd.s32 $0xFFFF9C00  }
0x320: {  	[hbm4b:s0+s2] =	stream.linear.scatter [tilespmem:s17], [sflag:$0x7], $0x6400, $0x38;
	[tilespmem:$0x19000] =	vst v63  }
0x321: {  	_ =	swait.ge [sflag:s7], $0x6400  }
0x322: {  	s0 =	sld [smem:$0x7E3]  }
0x323: {  	[sflag:s7] =	ssyncset.done $0x0  }
0x324: {  	[sflag:s7] =	ssyncadd.s32 $0xFFFF9C00  }
0x325: {  	[tilespmem:s4], [sflag:$0x2] =	stream.linear.gather [hbm4b:s0+s2], $0x6400, $0x38;
	[tilespmem:$0x19000] =	vst v63  }
0x326: {  	_ =	swait.ge [sflag:s19], $0x6400  }
0x327: {  	s0 =	sld [smem:$0x7E4]  }
0x328: {  	[sflag:s19] =	ssyncset.done $0x0  }
0x329: {  	[sflag:s19] =	ssyncadd.s32 $0xFFFF9C00  }
0x32a: {  	[hbm4b:s0+s2] =	stream.linear.scatter [tilespmem:s13], [sflag:$0x8], $0x6400, $0x38;
	[tilespmem:$0x19000] =	vst v63  }
0x32b: {  	_ =	swait.ge [sflag:s31], $0x6400  }
0x32c: {  	s0 =	sld [smem:$0x7E5]  }
0x32d: {  	[sflag:s31] =	ssyncset.done $0x0  }
0x32e: {  	[sflag:s31] =	ssyncadd.s32 $0xFFFF9C00  }
0x32f: {  	[tilespmem:s17], [sflag:$0x3] =	stream.linear.gather [hbm4b:s0+s2], $0x6400, $0x38;
	[tilespmem:$0x19000] =	vst v63  }
0x330: {  	_ =	swait.ge [sflag:s11], $0x6400  }
0x331: {  	s0 =	sld [smem:$0x7E6]  }
0x332: {  	[sflag:s11] =	ssyncset.done $0x0  }
0x333: {  	[sflag:s11] =	ssyncadd.s32 $0xFFFF9C00  }
0x334: {  	[hbm4b:s0+s2] =	stream.linear.scatter [tilespmem:s2], [sflag:$0x5], $0x6400, $0x38;
	[tilespmem:$0x19000] =	vst v63  }
0x335: {  	_ =	swait.ge [sflag:s30], $0x6400  }
0x336: {  	s0 =	sld [smem:$0x7E7]  }
0x337: {  	[sflag:s30] =	ssyncset.done $0x0  }
0x338: {  	[sflag:s30] =	ssyncadd.s32 $0xFFFF9C00  }
0x339: {  	[tilespmem:s13], [sflag:$0x4] =	stream.linear.gather [hbm4b:s0+s2], $0x6400, $0x38;
	[tilespmem:$0x19000] =	vst v63  }
0x33a: {  	_ =	swait.ge [sflag:s8], $0x6400  }
0x33b: {  	s0 =	sld [smem:$0x7E8]  }
0x33c: {  	[sflag:s8] =	ssyncset.done $0x0  }
0x33d: {  	[sflag:s8] =	ssyncadd.s32 $0xFFFF9C00  }
0x33e: {  	[hbm4b:s0+s2] =	stream.linear.scatter [tilespmem:s4], [sflag:$0x6], $0x6400, $0x38;
	[tilespmem:$0x19000] =	vst v63  }
0x33f: {  	_ =	swait.ge [sflag:s9], $0x6400  }
0x340: {  	s0 =	sld [smem:$0x7E9]  }
0x341: {  	[sflag:s9] =	ssyncset.done $0x0  }
0x342: {  	[sflag:s9] =	ssyncadd.s32 $0xFFFF9C00  }
0x343: {  	[tilespmem:s2], [sflag:$0x1] =	stream.linear.gather [hbm4b:s0+s2], $0x6400, $0x38;
	[tilespmem:$0x19000] =	vst v63  }
0x344: {  	_ =	swait.ge [sflag:s22], $0x6400  }
0x345: {  	s0 =	sld [smem:$0x7EA]  }
0x346: {  	[sflag:s22] =	ssyncset.done $0x0  }
0x347: {  	[sflag:s22] =	ssyncadd.s32 $0xFFFF9C00  }
0x348: {  	[hbm4b:s0+s2] =	stream.linear.scatter [tilespmem:s17], [sflag:$0x7], $0x6400, $0x38;
	[tilespmem:$0x19000] =	vst v63  }
0x349: {  	_ =	swait.ge [sflag:s7], $0x6400  }
0x34a: {  	s0 =	sld [smem:$0x7EB]  }
0x34b: {  	[sflag:s7] =	ssyncset.done $0x0  }
0x34c: {  	[sflag:s7] =	ssyncadd.s32 $0xFFFF9C00  }
0x34d: {  	[tilespmem:s4], [sflag:$0x2] =	stream.linear.gather [hbm4b:s0+s2], $0x6400, $0x38;
	[tilespmem:$0x19000] =	vst v63  }
0x34e: {  	_ =	swait.ge [sflag:s19], $0x6400  }
0x34f: {  	s0 =	sld [smem:$0x7EC]  }
0x350: {  	[sflag:s19] =	ssyncset.done $0x0  }
0x351: {  	[sflag:s19] =	ssyncadd.s32 $0xFFFF9C00  }
0x352: {  	[hbm4b:s0+s2] =	stream.linear.scatter [tilespmem:s13], [sflag:$0x8], $0x6400, $0x38;
	[tilespmem:$0x19000] =	vst v63  }
0x353: {  	_ =	swait.ge [sflag:s31], $0x6400  }
0x354: {  	s0 =	sld [smem:$0x7ED]  }
0x355: {  	[sflag:s31] =	ssyncset.done $0x0  }
0x356: {  	[sflag:s31] =	ssyncadd.s32 $0xFFFF9C00  }
0x357: {  	[tilespmem:s17], [sflag:$0x3] =	stream.linear.gather [hbm4b:s0+s2], $0x6400, $0x38;
	[tilespmem:$0x19000] =	vst v63  }
0x358: {  	_ =	swait.ge [sflag:s11], $0x6400  }
0x359: {  	s0 =	sld [smem:$0x7EE]  }
0x35a: {  	[sflag:s11] =	ssyncset.done $0x0  }
0x35b: {  	[sflag:s11] =	ssyncadd.s32 $0xFFFF9C00  }
0x35c: {  	[hbm4b:s0+s2] =	stream.linear.scatter [tilespmem:s2], [sflag:$0x5], $0x6400, $0x38;
	[tilespmem:$0x19000] =	vst v63  }
0x35d: {  	_ =	swait.ge [sflag:s30], $0x6400  }
0x35e: {  	s0 =	sld [smem:$0x7EF]  }
0x35f: {  	[sflag:s30] =	ssyncset.done $0x0  }
0x360: {  	[sflag:s30] =	ssyncadd.s32 $0xFFFF9C00  }
0x361: {  	[tilespmem:s13], [sflag:$0x4] =	stream.linear.gather [hbm4b:s0+s2], $0x6400, $0x38;
	[tilespmem:$0x19000] =	vst v63  }
0x362: {  	_ =	swait.ge [sflag:s8], $0x6400  }
0x363: {  	s0 =	sld [smem:$0x7F0]  }
0x364: {  	[sflag:s8] =	ssyncset.done $0x0  }
0x365: {  	[sflag:s8] =	ssyncadd.s32 $0xFFFF9C00  }
0x366: {  	[hbm4b:s0+s2] =	stream.linear.scatter [tilespmem:s4], [sflag:$0x6], $0x6400, $0x38;
	[tilespmem:$0x19000] =	vst v63  }
0x367: {  	_ =	swait.ge [sflag:s9], $0x6400  }
0x368: {  	s0 =	sld [smem:$0x7F1]  }
0x369: {  	[sflag:s9] =	ssyncset.done $0x0  }
0x36a: {  	[sflag:s9] =	ssyncadd.s32 $0xFFFF9C00  }
0x36b: {  	[tilespmem:s2], [sflag:$0x1] =	stream.linear.gather [hbm4b:s0+s2], $0x6400, $0x38;
	[tilespmem:$0x19000] =	vst v63  }
0x36c: {  	_ =	swait.ge [sflag:s22], $0x6400  }
0x36d: {  	s0 =	sld [smem:$0x7F2]  }
0x36e: {  	[sflag:s22] =	ssyncset.done $0x0  }
0x36f: {  	[sflag:s22] =	ssyncadd.s32 $0xFFFF9C00  }
0x370: {  	[hbm4b:s0+s2] =	stream.linear.scatter [tilespmem:s17], [sflag:$0x7], $0x6400, $0x38;
	[tilespmem:$0x19000] =	vst v63  }
0x371: {  	_ =	swait.ge [sflag:s7], $0x6400  }
0x372: {  	s0 =	sld [smem:$0x7F3]  }
0x373: {  	[sflag:s7] =	ssyncset.done $0x0  }
0x374: {  	[sflag:s7] =	ssyncadd.s32 $0xFFFF9C00  }
0x375: {  	[tilespmem:s4], [sflag:$0x2] =	stream.linear.gather [hbm4b:s0+s2], $0x6400, $0x38;
	[tilespmem:$0x19000] =	vst v63  }
0x376: {  	_ =	swait.ge [sflag:s19], $0x6400  }
0x377: {  	s0 =	sld [smem:$0x7F4]  }
0x378: {  	[sflag:s19] =	ssyncset.done $0x0  }
0x379: {  	[sflag:s19] =	ssyncadd.s32 $0xFFFF9C00  }
0x37a: {  	[hbm4b:s0+s2] =	stream.linear.scatter [tilespmem:s13], [sflag:$0x8], $0x6400, $0x38;
	[tilespmem:$0x19000] =	vst v63  }
0x37b: {  	_ =	swait.ge [sflag:s31], $0x6400  }
0x37c: {  	s0 =	sld [smem:$0x7F5]  }
0x37d: {  	[sflag:s31] =	ssyncset.done $0x0  }
0x37e: {  	[sflag:s31] =	ssyncadd.s32 $0xFFFF9C00  }
0x37f: {  	[tilespmem:s17], [sflag:$0x3] =	stream.linear.gather [hbm4b:s0+s2], $0x6400, $0x38;
	[tilespmem:$0x19000] =	vst v63  }
0x380: {  	_ =	swait.ge [sflag:s11], $0x6400  }
0x381: {  	s0 =	sld [smem:$0x7F6]  }
0x382: {  	[sflag:s11] =	ssyncset.done $0x0  }
0x383: {  	[sflag:s11] =	ssyncadd.s32 $0xFFFF9C00  }
0x384: {  	[hbm4b:s0+s2] =	stream.linear.scatter [tilespmem:s2], [sflag:$0x5], $0x6400, $0x38;
	[tilespmem:$0x19000] =	vst v63  }
0x385: {  	_ =	swait.ge [sflag:s30], $0x6400  }
0x386: {  	s0 =	sld [smem:$0x7F7]  }
0x387: {  	[sflag:s30] =	ssyncset.done $0x0  }
0x388: {  	[sflag:s30] =	ssyncadd.s32 $0xFFFF9C00  }
0x389: {  	[tilespmem:s13], [sflag:$0x4] =	stream.linear.gather [hbm4b:s0+s2], $0x6400, $0x38;
	[tilespmem:$0x19000] =	vst v63  }
0x38a: {  	_ =	swait.ge [sflag:s8], $0x6400  }
0x38b: {  	s0 =	sld [smem:$0x7F8]  }
0x38c: {  	[sflag:s8] =	ssyncset.done $0x0  }
0x38d: {  	[sflag:s8] =	ssyncadd.s32 $0xFFFF9C00  }
0x38e: {  	[hbm4b:s0+s2] =	stream.linear.scatter [tilespmem:s4], [sflag:$0x6], $0x6400, $0x38;
	[tilespmem:$0x19000] =	vst v63  }
0x38f: {  	_ =	swait.ge [sflag:s9], $0x6400  }
0x390: {  	s0 =	sld [smem:$0x7F9]  }
0x391: {  	[sflag:s9] =	ssyncset.done $0x0  }
0x392: {  	[sflag:s9] =	ssyncadd.s32 $0xFFFF9C00  }
0x393: {  	[tilespmem:s2], [sflag:$0x1] =	stream.linear.gather [hbm4b:s0+s2], $0x6400, $0x38;
	[tilespmem:$0x19000] =	vst v63  }
0x394: {  	_ =	swait.ge [sflag:s22], $0x6400  }
0x395: {  	s0 =	sld [smem:$0x7FA]  }
0x396: {  	[sflag:s22] =	ssyncset.done $0x0  }
0x397: {  	[sflag:s22] =	ssyncadd.s32 $0xFFFF9C00  }
0x398: {  	[hbm4b:s0+s2] =	stream.linear.scatter [tilespmem:s17], [sflag:$0x7], $0x6400, $0x38;
	[tilespmem:$0x19000] =	vst v63  }
0x399: {  	_ =	swait.ge [sflag:s7], $0x6400  }
0x39a: {  	s0 =	sld [smem:$0x7FB]  }
0x39b: {  	[sflag:s7] =	ssyncset.done $0x0  }
0x39c: {  	[sflag:s7] =	ssyncadd.s32 $0xFFFF9C00  }
0x39d: {  	[tilespmem:s4], [sflag:$0x2] =	stream.linear.gather [hbm4b:s0+s2], $0x6400, $0x38;
	[tilespmem:$0x19000] =	vst v63  }
0x39e: {  	_ =	swait.ge [sflag:s19], $0x6400  }
0x39f: {  	s0 =	sld [smem:$0x7FC]  }
0x3a0: {  	[sflag:s19] =	ssyncset.done $0x0  }
0x3a1: {  	[sflag:s19] =	ssyncadd.s32 $0xFFFF9C00  }
0x3a2: {  	[hbm4b:s0+s2] =	stream.linear.scatter [tilespmem:s13], [sflag:$0x8], $0x6400, $0x38;
	[tilespmem:$0x19000] =	vst v63  }
0x3a3: {  	_ =	swait.ge [sflag:s31], $0x6400  }
0x3a4: {  	s0 =	sld [smem:$0x7FD]  }
0x3a5: {  	[sflag:s31] =	ssyncset.done $0x0  }
0x3a6: {  	[sflag:s31] =	ssyncadd.s32 $0xFFFF9C00  }
0x3a7: {  	[tilespmem:s17], [sflag:$0x3] =	stream.linear.gather [hbm4b:s0+s2], $0x6400, $0x38;
	[tilespmem:$0x19000] =	vst v63  }
0x3a8: {  	_ =	swait.ge [sflag:s11], $0x6400  }
0x3a9: {  	[sflag:s11] =	ssyncset.done $0x0  }
0x3aa: {  	[sflag:s11] =	ssyncadd.s32 $0xFFFF9C00  }
0x3ab: {  	[hbm4b:s29+s2] =	stream.linear.scatter [tilespmem:s2], [sflag:$0x5], $0x6400, $0x38;
	[tilespmem:$0x19000] =	vst v63  }
0x3ac: {  	_ =	swait.ge [sflag:s30], $0x6400  }
0x3ad: {  	[sflag:s30] =	ssyncset.done $0x0  }
0x3ae: {  	[sflag:s30] =	ssyncadd.s32 $0xFFFF9C00  }
0x3af: {  	[tilespmem:s13], [sflag:$0x4] =	stream.linear.gather [hbm4b:s28+s2], $0x6400, $0x38;
	[tilespmem:$0x19000] =	vst v63  }
0x3b0: {  	_ =	swait.ge [sflag:s8], $0x6400  }
0x3b1: {  	[sflag:s8] =	ssyncset.done $0x0  }
0x3b2: {  	[sflag:s8] =	ssyncadd.s32 $0xFFFF9C00  }
0x3b3: {  	[hbm4b:s26+s2] =	stream.linear.scatter [tilespmem:s4], [sflag:$0x6], $0x6400, $0x38;
	[tilespmem:$0x19000] =	vst v63  }
0x3b4: {  	_ =	swait.ge [sflag:s9], $0x6400  }
0x3b5: {  	[sflag:s9] =	ssyncset.done $0x0  }
0x3b6: {  	[sflag:s9] =	ssyncadd.s32 $0xFFFF9C00  }
0x3b7: {  	[tilespmem:s2], [sflag:$0x1] =	stream.linear.gather [hbm4b:s25+s2], $0x6400, $0x38;
	[tilespmem:$0x19000] =	vst v63  }
0x3b8: {  	_ =	swait.ge [sflag:s22], $0x6400  }
0x3b9: {  	[sflag:s22] =	ssyncset.done $0x0  }
0x3ba: {  	[sflag:s22] =	ssyncadd.s32 $0xFFFF9C00  }
0x3bb: {  	[hbm4b:s24+s2] =	stream.linear.scatter [tilespmem:s17], [sflag:$0x7], $0x6400, $0x38;
	[tilespmem:$0x19000] =	vst v63  }
0x3bc: {  	_ =	swait.ge [sflag:s7], $0x6400  }
0x3bd: {  	[sflag:s7] =	ssyncset.done $0x0  }
0x3be: {  	[sflag:s7] =	ssyncadd.s32 $0xFFFF9C00  }
0x3bf: {  	[tilespmem:s4], [sflag:$0x2] =	stream.linear.gather [hbm4b:s23+s2], $0x6400, $0x38;
	[tilespmem:$0x19000] =	vst v63  }
0x3c0: {  	_ =	swait.ge [sflag:s19], $0x6400  }
0x3c1: {  	[sflag:s19] =	ssyncset.done $0x0  }
0x3c2: {  	[sflag:s19] =	ssyncadd.s32 $0xFFFF9C00  }
0x3c3: {  	[hbm4b:s21+s2] =	stream.linear.scatter [tilespmem:s13], [sflag:$0x8], $0x6400, $0x38;
	[tilespmem:$0x19000] =	vst v63  }
0x3c4: {  	_ =	swait.ge [sflag:s31], $0x6400  }
0x3c5: {  	[sflag:s31] =	ssyncset.done $0x0  }
0x3c6: {  	[sflag:s31] =	ssyncadd.s32 $0xFFFF9C00  }
0x3c7: {  	[tilespmem:s17], [sflag:$0x3] =	stream.linear.gather [hbm4b:s20+s2], $0x6400, $0x38;
	[tilespmem:$0x19000] =	vst v63  }
0x3c8: {  	_ =	swait.ge [sflag:s11], $0x6400  }
0x3c9: {  	[sflag:s11] =	ssyncset.done $0x0  }
0x3ca: {  	[sflag:s11] =	ssyncadd.s32 $0xFFFF9C00  }
0x3cb: {  	[hbm4b:s18+s2] =	stream.linear.scatter [tilespmem:s2], [sflag:$0x5], $0x6400, $0x38;
	[tilespmem:$0x19000] =	vst v63  }
0x3cc: {  	_ =	swait.ge [sflag:s30], $0x6400  }
0x3cd: {  	[sflag:s30] =	ssyncset.done $0x0  }
0x3ce: {  	[sflag:s30] =	ssyncadd.s32 $0xFFFF9C00  }
0x3cf: {  	[tilespmem:s13], [sflag:$0x4] =	stream.linear.gather [hbm4b:s16+s2], $0x6400, $0x38;
	[tilespmem:$0x19000] =	vst v63  }
0x3d0: {  	_ =	swait.ge [sflag:s8], $0x6400  }
0x3d1: {  	[sflag:s8] =	ssyncset.done $0x0  }
0x3d2: {  	[sflag:s8] =	ssyncadd.s32 $0xFFFF9C00  }
0x3d3: {  	[hbm4b:s15+s2] =	stream.linear.scatter [tilespmem:s4], [sflag:$0x6], $0x6400, $0x38;
	[tilespmem:$0x19000] =	vst v63  }
0x3d4: {  	_ =	swait.ge [sflag:s9], $0x6400  }
0x3d5: {  	[sflag:s9] =	ssyncset.done $0x0  }
0x3d6: {  	[sflag:s9] =	ssyncadd.s32 $0xFFFF9C00  }
0x3d7: {  	[tilespmem:s2], [sflag:$0x1] =	stream.linear.gather [hbm4b:s14+s2], $0x6400, $0x38;
	[tilespmem:$0x19000] =	vst v63  }
0x3d8: {  	_ =	swait.ge [sflag:s22], $0x6400  }
0x3d9: {  	[sflag:s22] =	ssyncset.done $0x0  }
0x3da: {  	[sflag:s22] =	ssyncadd.s32 $0xFFFF9C00  }
0x3db: {  	[hbm4b:s12+s2] =	stream.linear.scatter [tilespmem:s17], [sflag:$0x7], $0x6400, $0x38;
	[tilespmem:$0x19000] =	vst v63  }
0x3dc: {  	_ =	swait.ge [sflag:s7], $0x6400  }
0x3dd: {  	[sflag:s7] =	ssyncset.done $0x0  }
0x3de: {  	[sflag:s7] =	ssyncadd.s32 $0xFFFF9C00  }
0x3df: {  	[tilespmem:s4], [sflag:$0x2] =	stream.linear.gather [hbm4b:s10+s2], $0x6400, $0x38;
	[tilespmem:$0x19000] =	vst v63  }
0x3e0: {  	_ =	swait.ge [sflag:s19], $0x6400  }
0x3e1: {  	[sflag:s19] =	ssyncset.done $0x0  }
0x3e2: {  	[sflag:s19] =	ssyncadd.s32 $0xFFFF9C00  }
0x3e3: {  	[hbm4b:s6+s2] =	stream.linear.scatter [tilespmem:s13], [sflag:$0x8], $0x6400, $0x38;
	[tilespmem:$0x19000] =	vst v63  }
0x3e4: {  	_ =	swait.ge [sflag:s11], $0x6400  }
0x3e5: {  	[sflag:s11] =	ssyncset.done $0x0  }
0x3e6: {  	[sflag:s11] =	ssyncadd.s32 $0xFFFF9C00  }
0x3e7: {  	[hbm4b:s5+s2] =	stream.linear.scatter [tilespmem:s2], [sflag:$0x5], $0x6400, $0x38;
	[tilespmem:$0x19000] =	vst v63  }
0x3e8: {  	_ =	swait.ge [sflag:s8], $0x6400  }
0x3e9: {  	[sflag:s8] =	ssyncset.done $0x0  }
0x3ea: {  	p1 =	sne.s32 s1, $0x1;
	[sflag:s8] =	ssyncadd.s32 $0xFFFF9C00  }
0x3eb: {  	[hbm4b:s3+s2] =	stream.linear.scatter [tilespmem:s4], [sflag:$0x6], $0x6400, $0x38;
	[tilespmem:$0x19000] =	vst v63  }
.Ltmp2:
0x3ec: {  	_ =	swait.ge [sflag:s9], $0x6400;
	(pc) =	sbr.rel @p1 .LBB2_2-.Ltmp2, $4  }
0x3ed: {  	[sflag:s9] =	ssyncset.done $0x0  }
0x3ee: {  	[sflag:s9] =	ssyncadd.s32 $0xFFFF9C00  }
0x3ef: {  	_ =	swait.ge [sflag:s7], $0x6400  }
0x3f0: {  	s1 =	sadd.s32 $0xFFFFFFFF, s1;
	s0 =	rddreg [dreg:$0x2];
	[sflag:s7] =	ssyncset.done $0x0  }
.LBB2_3:
0x3f1: {  	[sflag:s7] =	ssyncadd.s32 @p0 $0xFFFF9C00  }
0x3f2: {  	[tilespmem:s2], [sflag:$0x1] =	stream.linear.gather [hbm4b:s0+s2], $0x6400, $0x38;
	[tilespmem:$0x19000] =	vst v63  }
0x3f3: {  	s1 =	rddreg [dreg:$0x3]  }
0x3f4: {  	[tilespmem:s4], [sflag:$0x2] =	stream.linear.gather [hbm4b:s1+s2], $0x6400, $0x38;
	[tilespmem:$0x19000] =	vst v63  }
0x3f5: {  	s0 =	rddreg [dreg:$0x4]  }
0x3f6: {  	[tilespmem:s17], [sflag:$0x3] =	stream.linear.gather [hbm4b:s0+s2], $0x6400, $0x38;
	[tilespmem:$0x19000] =	vst v63  }
0x3f7: {  	_ =	swait.ge [sflag:s11], $0x6400  }
0x3f8: {  	[sflag:s11] =	ssyncset.done $0x0  }
0x3f9: {  	s0 =	rddreg [dreg:$0x5];
	[sflag:s11] =	ssyncadd.s32 $0xFFFF9C00  }
0x3fa: {  	[hbm4b:s0+s2] =	stream.linear.scatter [tilespmem:s2], [sflag:$0x5], $0x6400, $0x38;
	[tilespmem:$0x19000] =	vst v63  }
0x3fb: {  	s1 =	rddreg [dreg:$0x6]  }
0x3fc: {  	[tilespmem:s13], [sflag:$0x4] =	stream.linear.gather [hbm4b:s1+s2], $0x6400, $0x38;
	[tilespmem:$0x19000] =	vst v63  }
0x3fd: {  	_ =	swait.ge [sflag:s8], $0x6400  }
0x3fe: {  	[sflag:s8] =	ssyncset.done $0x0  }
0x3ff: {  	s1 =	rddreg [dreg:$0x7];
	[sflag:s8] =	ssyncadd.s32 $0xFFFF9C00  }
0x400: {  	[hbm4b:s1+s2] =	stream.linear.scatter [tilespmem:s4], [sflag:$0x6], $0x6400, $0x38;
	[tilespmem:$0x19000] =	vst v63  }
0x401: {  	_ =	swait.ge [sflag:s9], $0x6400  }
0x402: {  	[sflag:s9] =	ssyncset.done $0x0  }
0x403: {  	s1 =	rddreg [dreg:$0x8];
	[sflag:s9] =	ssyncadd.s32 $0xFFFF9C00  }
0x404: {  	[tilespmem:s2], [sflag:$0x1] =	stream.linear.gather [hbm4b:s1+s2], $0x6400, $0x38;
	[tilespmem:$0x19000] =	vst v63  }
0x405: {  	_ =	swait.ge [sflag:s22], $0x6400  }
0x406: {  	[sflag:s22] =	ssyncset.done $0x0  }
0x407: {  	s1 =	rddreg [dreg:$0x9];
	[sflag:s22] =	ssyncadd.s32 $0xFFFF9C00  }
0x408: {  	[hbm4b:s1+s2] =	stream.linear.scatter [tilespmem:s17], [sflag:$0x7], $0x6400, $0x38;
	[tilespmem:$0x19000] =	vst v63  }
0x409: {  	_ =	swait.ge [sflag:s7], $0x6400  }
0x40a: {  	[sflag:s7] =	ssyncset.done $0x0  }
0x40b: {  	s1 =	rddreg [dreg:$0xa];
	[sflag:s7] =	ssyncadd.s32 $0xFFFF9C00  }
0x40c: {  	[tilespmem:s4], [sflag:$0x2] =	stream.linear.gather [hbm4b:s1+s2], $0x6400, $0x38;
	[tilespmem:$0x19000] =	vst v63  }
0x40d: {  	_ =	swait.ge [sflag:s19], $0x6400  }
0x40e: {  	[sflag:s19] =	ssyncset.done $0x0  }
0x40f: {  	s1 =	rddreg [dreg:$0xb];
	[sflag:s19] =	ssyncadd.s32 $0xFFFF9C00  }
0x410: {  	[hbm4b:s1+s2] =	stream.linear.scatter [tilespmem:s13], [sflag:$0x8], $0x6400, $0x38;
	[tilespmem:$0x19000] =	vst v63  }
0x411: {  	_ =	swait.ge [sflag:s31], $0x6400  }
0x412: {  	[sflag:s31] =	ssyncset.done $0x0  }
0x413: {  	s1 =	rddreg [dreg:$0xc];
	[sflag:s31] =	ssyncadd.s32 $0xFFFF9C00  }
0x414: {  	[tilespmem:s17], [sflag:$0x3] =	stream.linear.gather [hbm4b:s1+s2], $0x6400, $0x38;
	[tilespmem:$0x19000] =	vst v63  }
0x415: {  	_ =	swait.ge [sflag:s11], $0x6400  }
0x416: {  	[sflag:s11] =	ssyncset.done $0x0  }
0x417: {  	s1 =	rddreg [dreg:$0xd];
	[sflag:s11] =	ssyncadd.s32 $0xFFFF9C00  }
0x418: {  	[hbm4b:s1+s2] =	stream.linear.scatter [tilespmem:s2], [sflag:$0x5], $0x6400, $0x38;
	[tilespmem:$0x19000] =	vst v63  }
0x419: {  	_ =	swait.ge [sflag:s30], $0x6400  }
0x41a: {  	[sflag:s30] =	ssyncset.done $0x0  }
0x41b: {  	s1 =	rddreg [dreg:$0xe];
	[sflag:s30] =	ssyncadd.s32 $0xFFFF9C00  }
0x41c: {  	[tilespmem:s13], [sflag:$0x4] =	stream.linear.gather [hbm4b:s1+s2], $0x6400, $0x38;
	[tilespmem:$0x19000] =	vst v63  }
0x41d: {  	_ =	swait.ge [sflag:s8], $0x6400  }
0x41e: {  	[sflag:s8] =	ssyncset.done $0x0  }
0x41f: {  	s1 =	rddreg [dreg:$0xf];
	[sflag:s8] =	ssyncadd.s32 $0xFFFF9C00  }
0x420: {  	[hbm4b:s1+s2] =	stream.linear.scatter [tilespmem:s4], [sflag:$0x6], $0x6400, $0x38;
	[tilespmem:$0x19000] =	vst v63  }
0x421: {  	_ =	swait.ge [sflag:s9], $0x6400  }
0x422: {  	[sflag:s9] =	ssyncset.done $0x0  }
0x423: {  	s1 =	rddreg [dreg:$0x10];
	[sflag:s9] =	ssyncadd.s32 $0xFFFF9C00  }
0x424: {  	[tilespmem:s2], [sflag:$0x1] =	stream.linear.gather [hbm4b:s1+s2], $0x6400, $0x38;
	[tilespmem:$0x19000] =	vst v63  }
0x425: {  	_ =	swait.ge [sflag:s22], $0x6400  }
0x426: {  	[sflag:s22] =	ssyncset.done $0x0  }
0x427: {  	s1 =	rddreg [dreg:$0x11];
	[sflag:s22] =	ssyncadd.s32 $0xFFFF9C00  }
0x428: {  	[hbm4b:s1+s2] =	stream.linear.scatter [tilespmem:s17], [sflag:$0x7], $0x6400, $0x38;
	[tilespmem:$0x19000] =	vst v63  }
0x429: {  	_ =	swait.ge [sflag:s7], $0x6400  }
0x42a: {  	[sflag:s7] =	ssyncset.done $0x0  }
0x42b: {  	s1 =	rddreg [dreg:$0x12];
	[sflag:s7] =	ssyncadd.s32 $0xFFFF9C00  }
0x42c: {  	[tilespmem:s4], [sflag:$0x2] =	stream.linear.gather [hbm4b:s1+s2], $0x6400, $0x38;
	[tilespmem:$0x19000] =	vst v63  }
0x42d: {  	_ =	swait.ge [sflag:s19], $0x6400  }
0x42e: {  	[sflag:s19] =	ssyncset.done $0x0  }
0x42f: {  	s1 =	rddreg [dreg:$0x13];
	[sflag:s19] =	ssyncadd.s32 $0xFFFF9C00  }
0x430: {  	[hbm4b:s1+s2] =	stream.linear.scatter [tilespmem:s13], [sflag:$0x8], $0x6400, $0x38;
	[tilespmem:$0x19000] =	vst v63  }
0x431: {  	_ =	swait.ge [sflag:s31], $0x6400  }
0x432: {  	[sflag:s31] =	ssyncset.done $0x0  }
0x433: {  	s1 =	rddreg [dreg:$0x14];
	[sflag:s31] =	ssyncadd.s32 $0xFFFF9C00  }
0x434: {  	[tilespmem:s17], [sflag:$0x3] =	stream.linear.gather [hbm4b:s1+s2], $0x6400, $0x38;
	[tilespmem:$0x19000] =	vst v63  }
0x435: {  	_ =	swait.ge [sflag:s11], $0x6400  }
0x436: {  	[sflag:s11] =	ssyncset.done $0x0  }
0x437: {  	s1 =	rddreg [dreg:$0x15];
	[sflag:s11] =	ssyncadd.s32 $0xFFFF9C00  }
0x438: {  	[hbm4b:s1+s2] =	stream.linear.scatter [tilespmem:s2], [sflag:$0x5], $0x6400, $0x38;
	[tilespmem:$0x19000] =	vst v63  }
0x439: {  	_ =	swait.ge [sflag:s30], $0x6400  }
0x43a: {  	[sflag:s30] =	ssyncset.done $0x0  }
0x43b: {  	s1 =	rddreg [dreg:$0x16];
	[sflag:s30] =	ssyncadd.s32 $0xFFFF9C00  }
0x43c: {  	[tilespmem:s13], [sflag:$0x4] =	stream.linear.gather [hbm4b:s1+s2], $0x6400, $0x38;
	[tilespmem:$0x19000] =	vst v63  }
0x43d: {  	_ =	swait.ge [sflag:s8], $0x6400  }
0x43e: {  	[sflag:s8] =	ssyncset.done $0x0  }
0x43f: {  	s1 =	rddreg [dreg:$0x17];
	[sflag:s8] =	ssyncadd.s32 $0xFFFF9C00  }
0x440: {  	[hbm4b:s1+s2] =	stream.linear.scatter [tilespmem:s4], [sflag:$0x6], $0x6400, $0x38;
	[tilespmem:$0x19000] =	vst v63  }
0x441: {  	_ =	swait.ge [sflag:s9], $0x6400  }
0x442: {  	[sflag:s9] =	ssyncset.done $0x0  }
0x443: {  	s1 =	rddreg [dreg:$0x18];
	[sflag:s9] =	ssyncadd.s32 $0xFFFF9C00  }
0x444: {  	[tilespmem:s2], [sflag:$0x1] =	stream.linear.gather [hbm4b:s1+s2], $0x6400, $0x38;
	[tilespmem:$0x19000] =	vst v63  }
0x445: {  	_ =	swait.ge [sflag:s22], $0x6400  }
0x446: {  	[sflag:s22] =	ssyncset.done $0x0  }
0x447: {  	s1 =	rddreg [dreg:$0x19];
	[sflag:s22] =	ssyncadd.s32 $0xFFFF9C00  }
0x448: {  	[hbm4b:s1+s2] =	stream.linear.scatter [tilespmem:s17], [sflag:$0x7], $0x6400, $0x38;
	[tilespmem:$0x19000] =	vst v63  }
0x449: {  	_ =	swait.ge [sflag:s7], $0x6400  }
0x44a: {  	[sflag:s7] =	ssyncset.done $0x0  }
0x44b: {  	s1 =	rddreg [dreg:$0x1a];
	[sflag:s7] =	ssyncadd.s32 $0xFFFF9C00  }
0x44c: {  	[tilespmem:s4], [sflag:$0x2] =	stream.linear.gather [hbm4b:s1+s2], $0x6400, $0x38;
	[tilespmem:$0x19000] =	vst v63  }
0x44d: {  	_ =	swait.ge [sflag:s19], $0x6400  }
0x44e: {  	[sflag:s19] =	ssyncset.done $0x0  }
0x44f: {  	s1 =	rddreg [dreg:$0x1b];
	[sflag:s19] =	ssyncadd.s32 $0xFFFF9C00  }
0x450: {  	[hbm4b:s1+s2] =	stream.linear.scatter [tilespmem:s13], [sflag:$0x8], $0x6400, $0x38;
	[tilespmem:$0x19000] =	vst v63  }
0x451: {  	_ =	swait.ge [sflag:s31], $0x6400  }
0x452: {  	[sflag:s31] =	ssyncset.done $0x0  }
0x453: {  	s1 =	rddreg [dreg:$0x1c];
	[sflag:s31] =	ssyncadd.s32 $0xFFFF9C00  }
0x454: {  	[tilespmem:s17], [sflag:$0x3] =	stream.linear.gather [hbm4b:s1+s2], $0x6400, $0x38;
	[tilespmem:$0x19000] =	vst v63  }
0x455: {  	_ =	swait.ge [sflag:s11], $0x6400  }
0x456: {  	[sflag:s11] =	ssyncset.done $0x0  }
0x457: {  	s1 =	rddreg [dreg:$0x1d];
	[sflag:s11] =	ssyncadd.s32 $0xFFFF9C00  }
0x458: {  	[hbm4b:s1+s2] =	stream.linear.scatter [tilespmem:s2], [sflag:$0x5], $0x6400, $0x38;
	[tilespmem:$0x19000] =	vst v63  }
0x459: {  	_ =	swait.ge [sflag:s30], $0x6400  }
0x45a: {  	[sflag:s30] =	ssyncset.done $0x0  }
0x45b: {  	s1 =	rddreg [dreg:$0x1e];
	[sflag:s30] =	ssyncadd.s32 $0xFFFF9C00  }
0x45c: {  	[tilespmem:s13], [sflag:$0x4] =	stream.linear.gather [hbm4b:s1+s2], $0x6400, $0x38;
	[tilespmem:$0x19000] =	vst v63  }
0x45d: {  	_ =	swait.ge [sflag:s8], $0x6400  }
0x45e: {  	[sflag:s8] =	ssyncset.done $0x0  }
0x45f: {  	s1 =	rddreg [dreg:$0x1f];
	[sflag:s8] =	ssyncadd.s32 $0xFFFF9C00  }
0x460: {  	[hbm4b:s1+s2] =	stream.linear.scatter [tilespmem:s4], [sflag:$0x6], $0x6400, $0x38;
	[tilespmem:$0x19000] =	vst v63  }
0x461: {  	_ =	swait.ge [sflag:s9], $0x6400  }
0x462: {  	s1 =	sld [smem:$0x7C9]  }
0x463: {  	[sflag:s9] =	ssyncset.done $0x0  }
0x464: {  	[sflag:s9] =	ssyncadd.s32 $0xFFFF9C00  }
0x465: {  	[tilespmem:s2], [sflag:$0x1] =	stream.linear.gather [hbm4b:s1+s2], $0x6400, $0x38;
	[tilespmem:$0x19000] =	vst v63  }
0x466: {  	_ =	swait.ge [sflag:s22], $0x6400  }
0x467: {  	s1 =	sld [smem:$0x7CA]  }
0x468: {  	[sflag:s22] =	ssyncset.done $0x0  }
0x469: {  	[sflag:s22] =	ssyncadd.s32 $0xFFFF9C00  }
0x46a: {  	[hbm4b:s1+s2] =	stream.linear.scatter [tilespmem:s17], [sflag:$0x7], $0x6400, $0x38;
	[tilespmem:$0x19000] =	vst v63  }
0x46b: {  	_ =	swait.ge [sflag:s7], $0x6400  }
0x46c: {  	s1 =	sld [smem:$0x7CB]  }
0x46d: {  	[sflag:s7] =	ssyncset.done $0x0  }
0x46e: {  	[sflag:s7] =	ssyncadd.s32 $0xFFFF9C00  }
0x46f: {  	[tilespmem:s4], [sflag:$0x2] =	stream.linear.gather [hbm4b:s1+s2], $0x6400, $0x38;
	[tilespmem:$0x19000] =	vst v63  }
0x470: {  	_ =	swait.ge [sflag:s19], $0x6400  }
0x471: {  	s1 =	sld [smem:$0x7CC]  }
0x472: {  	[sflag:s19] =	ssyncset.done $0x0  }
0x473: {  	[sflag:s19] =	ssyncadd.s32 $0xFFFF9C00  }
0x474: {  	[hbm4b:s1+s2] =	stream.linear.scatter [tilespmem:s13], [sflag:$0x8], $0x6400, $0x38;
	[tilespmem:$0x19000] =	vst v63  }
0x475: {  	_ =	swait.ge [sflag:s31], $0x6400  }
0x476: {  	s1 =	sld [smem:$0x7CD]  }
0x477: {  	[sflag:s31] =	ssyncset.done $0x0  }
0x478: {  	[sflag:s31] =	ssyncadd.s32 $0xFFFF9C00  }
0x479: {  	[tilespmem:s17], [sflag:$0x3] =	stream.linear.gather [hbm4b:s1+s2], $0x6400, $0x38;
	[tilespmem:$0x19000] =	vst v63  }
0x47a: {  	_ =	swait.ge [sflag:s11], $0x6400  }
0x47b: {  	s1 =	sld [smem:$0x7CE]  }
0x47c: {  	[sflag:s11] =	ssyncset.done $0x0  }
0x47d: {  	[sflag:s11] =	ssyncadd.s32 $0xFFFF9C00  }
0x47e: {  	[hbm4b:s1+s2] =	stream.linear.scatter [tilespmem:s2], [sflag:$0x5], $0x6400, $0x38;
	[tilespmem:$0x19000] =	vst v63  }
0x47f: {  	_ =	swait.ge [sflag:s30], $0x6400  }
0x480: {  	s1 =	sld [smem:$0x7CF]  }
0x481: {  	[sflag:s30] =	ssyncset.done $0x0  }
0x482: {  	[sflag:s30] =	ssyncadd.s32 $0xFFFF9C00  }
0x483: {  	[tilespmem:s13], [sflag:$0x4] =	stream.linear.gather [hbm4b:s1+s2], $0x6400, $0x38;
	[tilespmem:$0x19000] =	vst v63  }
0x484: {  	_ =	swait.ge [sflag:s8], $0x6400  }
0x485: {  	s1 =	sld [smem:$0x7D0]  }
0x486: {  	[sflag:s8] =	ssyncset.done $0x0  }
0x487: {  	[sflag:s8] =	ssyncadd.s32 $0xFFFF9C00  }
0x488: {  	[hbm4b:s1+s2] =	stream.linear.scatter [tilespmem:s4], [sflag:$0x6], $0x6400, $0x38;
	[tilespmem:$0x19000] =	vst v63  }
0x489: {  	_ =	swait.ge [sflag:s9], $0x6400  }
0x48a: {  	s1 =	sld [smem:$0x7D1]  }
0x48b: {  	[sflag:s9] =	ssyncset.done $0x0  }
0x48c: {  	[sflag:s9] =	ssyncadd.s32 $0xFFFF9C00  }
0x48d: {  	[tilespmem:s2], [sflag:$0x1] =	stream.linear.gather [hbm4b:s1+s2], $0x6400, $0x38;
	[tilespmem:$0x19000] =	vst v63  }
0x48e: {  	_ =	swait.ge [sflag:s22], $0x6400  }
0x48f: {  	s1 =	sld [smem:$0x7D2]  }
0x490: {  	[sflag:s22] =	ssyncset.done $0x0  }
0x491: {  	[sflag:s22] =	ssyncadd.s32 $0xFFFF9C00  }
0x492: {  	[hbm4b:s1+s2] =	stream.linear.scatter [tilespmem:s17], [sflag:$0x7], $0x6400, $0x38;
	[tilespmem:$0x19000] =	vst v63  }
0x493: {  	_ =	swait.ge [sflag:s7], $0x6400  }
0x494: {  	s1 =	sld [smem:$0x7D3]  }
0x495: {  	[sflag:s7] =	ssyncset.done $0x0  }
0x496: {  	[sflag:s7] =	ssyncadd.s32 $0xFFFF9C00  }
0x497: {  	[tilespmem:s4], [sflag:$0x2] =	stream.linear.gather [hbm4b:s1+s2], $0x6400, $0x38;
	[tilespmem:$0x19000] =	vst v63  }
0x498: {  	_ =	swait.ge [sflag:s19], $0x6400  }
0x499: {  	s1 =	sld [smem:$0x7D4]  }
0x49a: {  	[sflag:s19] =	ssyncset.done $0x0  }
0x49b: {  	[sflag:s19] =	ssyncadd.s32 $0xFFFF9C00  }
0x49c: {  	[hbm4b:s1+s2] =	stream.linear.scatter [tilespmem:s13], [sflag:$0x8], $0x6400, $0x38;
	[tilespmem:$0x19000] =	vst v63  }
0x49d: {  	_ =	swait.ge [sflag:s31], $0x6400  }
0x49e: {  	s1 =	sld [smem:$0x7D5]  }
0x49f: {  	[sflag:s31] =	ssyncset.done $0x0  }
0x4a0: {  	[sflag:s31] =	ssyncadd.s32 $0xFFFF9C00  }
0x4a1: {  	[tilespmem:s17], [sflag:$0x3] =	stream.linear.gather [hbm4b:s1+s2], $0x6400, $0x38;
	[tilespmem:$0x19000] =	vst v63  }
0x4a2: {  	_ =	swait.ge [sflag:s11], $0x6400  }
0x4a3: {  	s1 =	sld [smem:$0x7D6]  }
0x4a4: {  	[sflag:s11] =	ssyncset.done $0x0  }
0x4a5: {  	[sflag:s11] =	ssyncadd.s32 $0xFFFF9C00  }
0x4a6: {  	[hbm4b:s1+s2] =	stream.linear.scatter [tilespmem:s2], [sflag:$0x5], $0x6400, $0x38;
	[tilespmem:$0x19000] =	vst v63  }
0x4a7: {  	_ =	swait.ge [sflag:s30], $0x6400  }
0x4a8: {  	s1 =	sld [smem:$0x7D7]  }
0x4a9: {  	[sflag:s30] =	ssyncset.done $0x0  }
0x4aa: {  	[sflag:s30] =	ssyncadd.s32 $0xFFFF9C00  }
0x4ab: {  	[tilespmem:s13], [sflag:$0x4] =	stream.linear.gather [hbm4b:s1+s2], $0x6400, $0x38;
	[tilespmem:$0x19000] =	vst v63  }
0x4ac: {  	_ =	swait.ge [sflag:s8], $0x6400  }
0x4ad: {  	s1 =	sld [smem:$0x7D8]  }
0x4ae: {  	[sflag:s8] =	ssyncset.done $0x0  }
0x4af: {  	[sflag:s8] =	ssyncadd.s32 $0xFFFF9C00  }
0x4b0: {  	[hbm4b:s1+s2] =	stream.linear.scatter [tilespmem:s4], [sflag:$0x6], $0x6400, $0x38;
	[tilespmem:$0x19000] =	vst v63  }
0x4b1: {  	_ =	swait.ge [sflag:s9], $0x6400  }
0x4b2: {  	s1 =	sld [smem:$0x7D9]  }
0x4b3: {  	[sflag:s9] =	ssyncset.done $0x0  }
0x4b4: {  	[sflag:s9] =	ssyncadd.s32 $0xFFFF9C00  }
0x4b5: {  	[tilespmem:s2], [sflag:$0x1] =	stream.linear.gather [hbm4b:s1+s2], $0x6400, $0x38;
	[tilespmem:$0x19000] =	vst v63  }
0x4b6: {  	_ =	swait.ge [sflag:s22], $0x6400  }
0x4b7: {  	s1 =	sld [smem:$0x7DA]  }
0x4b8: {  	[sflag:s22] =	ssyncset.done $0x0  }
0x4b9: {  	[sflag:s22] =	ssyncadd.s32 $0xFFFF9C00  }
0x4ba: {  	[hbm4b:s1+s2] =	stream.linear.scatter [tilespmem:s17], [sflag:$0x7], $0x6400, $0x38;
	[tilespmem:$0x19000] =	vst v63  }
0x4bb: {  	_ =	swait.ge [sflag:s7], $0x6400  }
0x4bc: {  	s1 =	sld [smem:$0x7DB]  }
0x4bd: {  	[sflag:s7] =	ssyncset.done $0x0  }
0x4be: {  	[sflag:s7] =	ssyncadd.s32 $0xFFFF9C00  }
0x4bf: {  	[tilespmem:s4], [sflag:$0x2] =	stream.linear.gather [hbm4b:s1+s2], $0x6400, $0x38;
	[tilespmem:$0x19000] =	vst v63  }
0x4c0: {  	_ =	swait.ge [sflag:s19], $0x6400  }
0x4c1: {  	s1 =	sld [smem:$0x7DC]  }
0x4c2: {  	[sflag:s19] =	ssyncset.done $0x0  }
0x4c3: {  	[sflag:s19] =	ssyncadd.s32 $0xFFFF9C00  }
0x4c4: {  	[hbm4b:s1+s2] =	stream.linear.scatter [tilespmem:s13], [sflag:$0x8], $0x6400, $0x38;
	[tilespmem:$0x19000] =	vst v63  }
0x4c5: {  	_ =	swait.ge [sflag:s31], $0x6400  }
0x4c6: {  	s1 =	sld [smem:$0x7DD]  }
0x4c7: {  	[sflag:s31] =	ssyncset.done $0x0  }
0x4c8: {  	[sflag:s31] =	ssyncadd.s32 $0xFFFF9C00  }
0x4c9: {  	[tilespmem:s17], [sflag:$0x3] =	stream.linear.gather [hbm4b:s1+s2], $0x6400, $0x38;
	[tilespmem:$0x19000] =	vst v63  }
0x4ca: {  	_ =	swait.ge [sflag:s11], $0x6400  }
0x4cb: {  	s1 =	sld [smem:$0x7DE]  }
0x4cc: {  	[sflag:s11] =	ssyncset.done $0x0  }
0x4cd: {  	[sflag:s11] =	ssyncadd.s32 $0xFFFF9C00  }
0x4ce: {  	[hbm4b:s1+s2] =	stream.linear.scatter [tilespmem:s2], [sflag:$0x5], $0x6400, $0x38;
	[tilespmem:$0x19000] =	vst v63  }
0x4cf: {  	_ =	swait.ge [sflag:s30], $0x6400  }
0x4d0: {  	s1 =	sld [smem:$0x7DF]  }
0x4d1: {  	[sflag:s30] =	ssyncset.done $0x0  }
0x4d2: {  	[sflag:s30] =	ssyncadd.s32 $0xFFFF9C00  }
0x4d3: {  	[tilespmem:s13], [sflag:$0x4] =	stream.linear.gather [hbm4b:s1+s2], $0x6400, $0x38;
	[tilespmem:$0x19000] =	vst v63  }
0x4d4: {  	_ =	swait.ge [sflag:s8], $0x6400  }
0x4d5: {  	s1 =	sld [smem:$0x7E0]  }
0x4d6: {  	[sflag:s8] =	ssyncset.done $0x0  }
0x4d7: {  	[sflag:s8] =	ssyncadd.s32 $0xFFFF9C00  }
0x4d8: {  	[hbm4b:s1+s2] =	stream.linear.scatter [tilespmem:s4], [sflag:$0x6], $0x6400, $0x38;
	[tilespmem:$0x19000] =	vst v63  }
0x4d9: {  	_ =	swait.ge [sflag:s9], $0x6400  }
0x4da: {  	s1 =	sld [smem:$0x7E1]  }
0x4db: {  	[sflag:s9] =	ssyncset.done $0x0  }
0x4dc: {  	[sflag:s9] =	ssyncadd.s32 $0xFFFF9C00  }
0x4dd: {  	[tilespmem:s2], [sflag:$0x1] =	stream.linear.gather [hbm4b:s1+s2], $0x6400, $0x38;
	[tilespmem:$0x19000] =	vst v63  }
0x4de: {  	_ =	swait.ge [sflag:s22], $0x6400  }
0x4df: {  	s1 =	sld [smem:$0x7E2]  }
0x4e0: {  	[sflag:s22] =	ssyncset.done $0x0  }
0x4e1: {  	[sflag:s22] =	ssyncadd.s32 $0xFFFF9C00  }
0x4e2: {  	[hbm4b:s1+s2] =	stream.linear.scatter [tilespmem:s17], [sflag:$0x7], $0x6400, $0x38;
	[tilespmem:$0x19000] =	vst v63  }
0x4e3: {  	_ =	swait.ge [sflag:s7], $0x6400  }
0x4e4: {  	s1 =	sld [smem:$0x7E3]  }
0x4e5: {  	[sflag:s7] =	ssyncset.done $0x0  }
0x4e6: {  	[sflag:s7] =	ssyncadd.s32 $0xFFFF9C00  }
0x4e7: {  	[tilespmem:s4], [sflag:$0x2] =	stream.linear.gather [hbm4b:s1+s2], $0x6400, $0x38;
	[tilespmem:$0x19000] =	vst v63  }
0x4e8: {  	_ =	swait.ge [sflag:s19], $0x6400  }
0x4e9: {  	s1 =	sld [smem:$0x7E4]  }
0x4ea: {  	[sflag:s19] =	ssyncset.done $0x0  }
0x4eb: {  	[sflag:s19] =	ssyncadd.s32 $0xFFFF9C00  }
0x4ec: {  	[hbm4b:s1+s2] =	stream.linear.scatter [tilespmem:s13], [sflag:$0x8], $0x6400, $0x38;
	[tilespmem:$0x19000] =	vst v63  }
0x4ed: {  	_ =	swait.ge [sflag:s31], $0x6400  }
0x4ee: {  	s1 =	sld [smem:$0x7E5]  }
0x4ef: {  	[sflag:s31] =	ssyncset.done $0x0  }
0x4f0: {  	[sflag:s31] =	ssyncadd.s32 $0xFFFF9C00  }
0x4f1: {  	[tilespmem:s17], [sflag:$0x3] =	stream.linear.gather [hbm4b:s1+s2], $0x6400, $0x38;
	[tilespmem:$0x19000] =	vst v63  }
0x4f2: {  	_ =	swait.ge [sflag:s11], $0x6400  }
0x4f3: {  	s1 =	sld [smem:$0x7E6]  }
0x4f4: {  	[sflag:s11] =	ssyncset.done $0x0  }
0x4f5: {  	[sflag:s11] =	ssyncadd.s32 $0xFFFF9C00  }
0x4f6: {  	[hbm4b:s1+s2] =	stream.linear.scatter [tilespmem:s2], [sflag:$0x5], $0x6400, $0x38;
	[tilespmem:$0x19000] =	vst v63  }
0x4f7: {  	_ =	swait.ge [sflag:s30], $0x6400  }
0x4f8: {  	s1 =	sld [smem:$0x7E7]  }
0x4f9: {  	[sflag:s30] =	ssyncset.done $0x0  }
0x4fa: {  	[sflag:s30] =	ssyncadd.s32 $0xFFFF9C00  }
0x4fb: {  	[tilespmem:s13], [sflag:$0x4] =	stream.linear.gather [hbm4b:s1+s2], $0x6400, $0x38;
	[tilespmem:$0x19000] =	vst v63  }
0x4fc: {  	_ =	swait.ge [sflag:s8], $0x6400  }
0x4fd: {  	s1 =	sld [smem:$0x7E8]  }
0x4fe: {  	[sflag:s8] =	ssyncset.done $0x0  }
0x4ff: {  	[sflag:s8] =	ssyncadd.s32 $0xFFFF9C00  }
0x500: {  	[hbm4b:s1+s2] =	stream.linear.scatter [tilespmem:s4], [sflag:$0x6], $0x6400, $0x38;
	[tilespmem:$0x19000] =	vst v63  }
0x501: {  	_ =	swait.ge [sflag:s9], $0x6400  }
0x502: {  	s1 =	sld [smem:$0x7E9]  }
0x503: {  	[sflag:s9] =	ssyncset.done $0x0  }
0x504: {  	[sflag:s9] =	ssyncadd.s32 $0xFFFF9C00  }
0x505: {  	[tilespmem:s2], [sflag:$0x1] =	stream.linear.gather [hbm4b:s1+s2], $0x6400, $0x38;
	[tilespmem:$0x19000] =	vst v63  }
0x506: {  	_ =	swait.ge [sflag:s22], $0x6400  }
0x507: {  	s1 =	sld [smem:$0x7EA]  }
0x508: {  	[sflag:s22] =	ssyncset.done $0x0  }
0x509: {  	[sflag:s22] =	ssyncadd.s32 $0xFFFF9C00  }
0x50a: {  	[hbm4b:s1+s2] =	stream.linear.scatter [tilespmem:s17], [sflag:$0x7], $0x6400, $0x38;
	[tilespmem:$0x19000] =	vst v63  }
0x50b: {  	_ =	swait.ge [sflag:s7], $0x6400  }
0x50c: {  	s1 =	sld [smem:$0x7EB]  }
0x50d: {  	[sflag:s7] =	ssyncset.done $0x0  }
0x50e: {  	[sflag:s7] =	ssyncadd.s32 $0xFFFF9C00  }
0x50f: {  	[tilespmem:s4], [sflag:$0x2] =	stream.linear.gather [hbm4b:s1+s2], $0x6400, $0x38;
	[tilespmem:$0x19000] =	vst v63  }
0x510: {  	_ =	swait.ge [sflag:s19], $0x6400  }
0x511: {  	s1 =	sld [smem:$0x7EC]  }
0x512: {  	[sflag:s19] =	ssyncset.done $0x0  }
0x513: {  	[sflag:s19] =	ssyncadd.s32 $0xFFFF9C00  }
0x514: {  	[hbm4b:s1+s2] =	stream.linear.scatter [tilespmem:s13], [sflag:$0x8], $0x6400, $0x38;
	[tilespmem:$0x19000] =	vst v63  }
0x515: {  	_ =	swait.ge [sflag:s31], $0x6400  }
0x516: {  	s1 =	sld [smem:$0x7ED]  }
0x517: {  	[sflag:s31] =	ssyncset.done $0x0  }
0x518: {  	[sflag:s31] =	ssyncadd.s32 $0xFFFF9C00  }
0x519: {  	[tilespmem:s17], [sflag:$0x3] =	stream.linear.gather [hbm4b:s1+s2], $0x6400, $0x38;
	[tilespmem:$0x19000] =	vst v63  }
0x51a: {  	_ =	swait.ge [sflag:s11], $0x6400  }
0x51b: {  	s1 =	sld [smem:$0x7EE]  }
0x51c: {  	[sflag:s11] =	ssyncset.done $0x0  }
0x51d: {  	[sflag:s11] =	ssyncadd.s32 $0xFFFF9C00  }
0x51e: {  	[hbm4b:s1+s2] =	stream.linear.scatter [tilespmem:s2], [sflag:$0x5], $0x6400, $0x38;
	[tilespmem:$0x19000] =	vst v63  }
0x51f: {  	_ =	swait.ge [sflag:s30], $0x6400  }
0x520: {  	s1 =	sld [smem:$0x7EF]  }
0x521: {  	[sflag:s30] =	ssyncset.done $0x0  }
0x522: {  	[sflag:s30] =	ssyncadd.s32 $0xFFFF9C00  }
0x523: {  	[tilespmem:s13], [sflag:$0x4] =	stream.linear.gather [hbm4b:s1+s2], $0x6400, $0x38;
	[tilespmem:$0x19000] =	vst v63  }
0x524: {  	_ =	swait.ge [sflag:s8], $0x6400  }
0x525: {  	s1 =	sld [smem:$0x7F0]  }
0x526: {  	[sflag:s8] =	ssyncset.done $0x0  }
0x527: {  	[sflag:s8] =	ssyncadd.s32 $0xFFFF9C00  }
0x528: {  	[hbm4b:s1+s2] =	stream.linear.scatter [tilespmem:s4], [sflag:$0x6], $0x6400, $0x38;
	[tilespmem:$0x19000] =	vst v63  }
0x529: {  	_ =	swait.ge [sflag:s9], $0x6400  }
0x52a: {  	s1 =	sld [smem:$0x7F1]  }
0x52b: {  	[sflag:s9] =	ssyncset.done $0x0  }
0x52c: {  	[sflag:s9] =	ssyncadd.s32 $0xFFFF9C00  }
0x52d: {  	[tilespmem:s2], [sflag:$0x1] =	stream.linear.gather [hbm4b:s1+s2], $0x6400, $0x38;
	[tilespmem:$0x19000] =	vst v63  }
0x52e: {  	_ =	swait.ge [sflag:s22], $0x6400  }
0x52f: {  	s1 =	sld [smem:$0x7F2]  }
0x530: {  	[sflag:s22] =	ssyncset.done $0x0  }
0x531: {  	[sflag:s22] =	ssyncadd.s32 $0xFFFF9C00  }
0x532: {  	[hbm4b:s1+s2] =	stream.linear.scatter [tilespmem:s17], [sflag:$0x7], $0x6400, $0x38;
	[tilespmem:$0x19000] =	vst v63  }
0x533: {  	_ =	swait.ge [sflag:s7], $0x6400  }
0x534: {  	s1 =	sld [smem:$0x7F3]  }
0x535: {  	[sflag:s7] =	ssyncset.done $0x0  }
0x536: {  	[sflag:s7] =	ssyncadd.s32 $0xFFFF9C00  }
0x537: {  	[tilespmem:s4], [sflag:$0x2] =	stream.linear.gather [hbm4b:s1+s2], $0x6400, $0x38;
	[tilespmem:$0x19000] =	vst v63  }
0x538: {  	_ =	swait.ge [sflag:s19], $0x6400  }
0x539: {  	s1 =	sld [smem:$0x7F4]  }
0x53a: {  	[sflag:s19] =	ssyncset.done $0x0  }
0x53b: {  	[sflag:s19] =	ssyncadd.s32 $0xFFFF9C00  }
0x53c: {  	[hbm4b:s1+s2] =	stream.linear.scatter [tilespmem:s13], [sflag:$0x8], $0x6400, $0x38;
	[tilespmem:$0x19000] =	vst v63  }
0x53d: {  	_ =	swait.ge [sflag:s31], $0x6400  }
0x53e: {  	s1 =	sld [smem:$0x7F5]  }
0x53f: {  	[sflag:s31] =	ssyncset.done $0x0  }
0x540: {  	[sflag:s31] =	ssyncadd.s32 $0xFFFF9C00  }
0x541: {  	[tilespmem:s17], [sflag:$0x3] =	stream.linear.gather [hbm4b:s1+s2], $0x6400, $0x38;
	[tilespmem:$0x19000] =	vst v63  }
0x542: {  	_ =	swait.ge [sflag:s11], $0x6400  }
0x543: {  	s1 =	sld [smem:$0x7F6]  }
0x544: {  	[sflag:s11] =	ssyncset.done $0x0  }
0x545: {  	[sflag:s11] =	ssyncadd.s32 $0xFFFF9C00  }
0x546: {  	[hbm4b:s1+s2] =	stream.linear.scatter [tilespmem:s2], [sflag:$0x5], $0x6400, $0x38;
	[tilespmem:$0x19000] =	vst v63  }
0x547: {  	_ =	swait.ge [sflag:s30], $0x6400  }
0x548: {  	s1 =	sld [smem:$0x7F7]  }
0x549: {  	[sflag:s30] =	ssyncset.done $0x0  }
0x54a: {  	[sflag:s30] =	ssyncadd.s32 $0xFFFF9C00  }
0x54b: {  	[tilespmem:s13], [sflag:$0x4] =	stream.linear.gather [hbm4b:s1+s2], $0x6400, $0x38;
	[tilespmem:$0x19000] =	vst v63  }
0x54c: {  	_ =	swait.ge [sflag:s8], $0x6400  }
0x54d: {  	s1 =	sld [smem:$0x7F8]  }
0x54e: {  	[sflag:s8] =	ssyncset.done $0x0  }
0x54f: {  	[sflag:s8] =	ssyncadd.s32 $0xFFFF9C00  }
0x550: {  	[hbm4b:s1+s2] =	stream.linear.scatter [tilespmem:s4], [sflag:$0x6], $0x6400, $0x38;
	[tilespmem:$0x19000] =	vst v63  }
0x551: {  	_ =	swait.ge [sflag:s9], $0x6400  }
0x552: {  	s1 =	sld [smem:$0x7F9]  }
0x553: {  	[sflag:s9] =	ssyncset.done $0x0  }
0x554: {  	[sflag:s9] =	ssyncadd.s32 $0xFFFF9C00  }
0x555: {  	[tilespmem:s2], [sflag:$0x1] =	stream.linear.gather [hbm4b:s1+s2], $0x6400, $0x38;
	[tilespmem:$0x19000] =	vst v63  }
0x556: {  	_ =	swait.ge [sflag:s22], $0x6400  }
0x557: {  	s1 =	sld [smem:$0x7FA]  }
0x558: {  	[sflag:s22] =	ssyncset.done $0x0  }
0x559: {  	[sflag:s22] =	ssyncadd.s32 $0xFFFF9C00  }
0x55a: {  	[hbm4b:s1+s2] =	stream.linear.scatter [tilespmem:s17], [sflag:$0x7], $0x6400, $0x38;
	[tilespmem:$0x19000] =	vst v63  }
0x55b: {  	_ =	swait.ge [sflag:s7], $0x6400  }
0x55c: {  	s1 =	sld [smem:$0x7FB]  }
0x55d: {  	[sflag:s7] =	ssyncset.done $0x0  }
0x55e: {  	[sflag:s7] =	ssyncadd.s32 $0xFFFF9C00  }
0x55f: {  	[tilespmem:s4], [sflag:$0x2] =	stream.linear.gather [hbm4b:s1+s2], $0x6400, $0x38;
	[tilespmem:$0x19000] =	vst v63  }
0x560: {  	_ =	swait.ge [sflag:s19], $0x6400  }
0x561: {  	s1 =	sld [smem:$0x7FC]  }
0x562: {  	[sflag:s19] =	ssyncset.done $0x0  }
0x563: {  	[sflag:s19] =	ssyncadd.s32 $0xFFFF9C00  }
0x564: {  	[hbm4b:s1+s2] =	stream.linear.scatter [tilespmem:s13], [sflag:$0x8], $0x6400, $0x38;
	[tilespmem:$0x19000] =	vst v63  }
0x565: {  	_ =	swait.ge [sflag:s31], $0x6400  }
0x566: {  	s1 =	sld [smem:$0x7FD]  }
0x567: {  	[sflag:s31] =	ssyncset.done $0x0  }
0x568: {  	[sflag:s31] =	ssyncadd.s32 $0xFFFF9C00  }
0x569: {  	[tilespmem:s17], [sflag:$0x3] =	stream.linear.gather [hbm4b:s1+s2], $0x6400, $0x38;
	[tilespmem:$0x19000] =	vst v63  }
0x56a: {  	_ =	swait.ge [sflag:s11], $0x6400  }
0x56b: {  	[sflag:s11] =	ssyncset.done $0x0  }
0x56c: {  	[sflag:s11] =	ssyncadd.s32 $0xFFFF9C00  }
0x56d: {  	[hbm4b:s29+s2] =	stream.linear.scatter [tilespmem:s2], [sflag:$0x5], $0x6400, $0x38;
	[tilespmem:$0x19000] =	vst v63  }
0x56e: {  	_ =	swait.ge [sflag:s30], $0x6400  }
0x56f: {  	[sflag:s30] =	ssyncset.done $0x0  }
0x570: {  	[sflag:s30] =	ssyncadd.s32 $0xFFFF9C00  }
0x571: {  	[tilespmem:s13], [sflag:$0x4] =	stream.linear.gather [hbm4b:s28+s2], $0x6400, $0x38;
	[tilespmem:$0x19000] =	vst v63  }
0x572: {  	_ =	swait.ge [sflag:s8], $0x6400  }
0x573: {  	[sflag:s8] =	ssyncset.done $0x0  }
0x574: {  	[sflag:s8] =	ssyncadd.s32 $0xFFFF9C00  }
0x575: {  	[hbm4b:s26+s2] =	stream.linear.scatter [tilespmem:s4], [sflag:$0x6], $0x6400, $0x38;
	[tilespmem:$0x19000] =	vst v63  }
0x576: {  	_ =	swait.ge [sflag:s9], $0x6400  }
0x577: {  	[sflag:s9] =	ssyncset.done $0x0  }
0x578: {  	[sflag:s9] =	ssyncadd.s32 $0xFFFF9C00  }
0x579: {  	[tilespmem:s2], [sflag:$0x1] =	stream.linear.gather [hbm4b:s25+s2], $0x6400, $0x38;
	[tilespmem:$0x19000] =	vst v63  }
0x57a: {  	_ =	swait.ge [sflag:s22], $0x6400  }
0x57b: {  	[sflag:s22] =	ssyncset.done $0x0  }
0x57c: {  	[sflag:s22] =	ssyncadd.s32 $0xFFFF9C00  }
0x57d: {  	[hbm4b:s24+s2] =	stream.linear.scatter [tilespmem:s17], [sflag:$0x7], $0x6400, $0x38;
	[tilespmem:$0x19000] =	vst v63  }
0x57e: {  	_ =	swait.ge [sflag:s7], $0x6400  }
0x57f: {  	[sflag:s7] =	ssyncset.done $0x0  }
0x580: {  	[sflag:s7] =	ssyncadd.s32 $0xFFFF9C00  }
0x581: {  	[tilespmem:s4], [sflag:$0x2] =	stream.linear.gather [hbm4b:s23+s2], $0x6400, $0x38;
	[tilespmem:$0x19000] =	vst v63  }
0x582: {  	_ =	swait.ge [sflag:s19], $0x6400  }
0x583: {  	[sflag:s19] =	ssyncset.done $0x0  }
0x584: {  	[sflag:s19] =	ssyncadd.s32 $0xFFFF9C00  }
0x585: {  	[hbm4b:s21+s2] =	stream.linear.scatter [tilespmem:s13], [sflag:$0x8], $0x6400, $0x38;
	[tilespmem:$0x19000] =	vst v63  }
0x586: {  	_ =	swait.ge [sflag:s31], $0x6400  }
0x587: {  	[sflag:s31] =	ssyncset.done $0x0  }
0x588: {  	[sflag:s31] =	ssyncadd.s32 $0xFFFF9C00  }
0x589: {  	[tilespmem:s17], [sflag:$0x3] =	stream.linear.gather [hbm4b:s20+s2], $0x6400, $0x38;
	[tilespmem:$0x19000] =	vst v63  }
0x58a: {  	_ =	swait.ge [sflag:s11], $0x6400  }
0x58b: {  	[sflag:s11] =	ssyncset.done $0x0  }
0x58c: {  	[sflag:s11] =	ssyncadd.s32 $0xFFFF9C00  }
0x58d: {  	[hbm4b:s18+s2] =	stream.linear.scatter [tilespmem:s2], [sflag:$0x5], $0x6400, $0x38;
	[tilespmem:$0x19000] =	vst v63  }
0x58e: {  	_ =	swait.ge [sflag:s30], $0x6400  }
0x58f: {  	[sflag:s30] =	ssyncset.done $0x0  }
0x590: {  	[sflag:s30] =	ssyncadd.s32 $0xFFFF9C00  }
0x591: {  	[tilespmem:s13], [sflag:$0x4] =	stream.linear.gather [hbm4b:s16+s2], $0x6400, $0x38;
	[tilespmem:$0x19000] =	vst v63  }
0x592: {  	_ =	swait.ge [sflag:s8], $0x6400  }
0x593: {  	[sflag:s8] =	ssyncset.done $0x0  }
0x594: {  	[sflag:s8] =	ssyncadd.s32 $0xFFFF9C00  }
0x595: {  	[hbm4b:s15+s2] =	stream.linear.scatter [tilespmem:s4], [sflag:$0x6], $0x6400, $0x38;
	[tilespmem:$0x19000] =	vst v63  }
0x596: {  	_ =	swait.ge [sflag:s9], $0x6400  }
0x597: {  	[sflag:s9] =	ssyncset.done $0x0  }
0x598: {  	[sflag:s9] =	ssyncadd.s32 $0xFFFF9C00  }
0x599: {  	[tilespmem:s2], [sflag:$0x1] =	stream.linear.gather [hbm4b:s14+s2], $0x6400, $0x38;
	[tilespmem:$0x19000] =	vst v63  }
0x59a: {  	_ =	swait.ge [sflag:s22], $0x6400  }
0x59b: {  	[sflag:s22] =	ssyncset.done $0x0  }
0x59c: {  	[sflag:s22] =	ssyncadd.s32 $0xFFFF9C00  }
0x59d: {  	[hbm4b:s12+s2] =	stream.linear.scatter [tilespmem:s17], [sflag:$0x7], $0x6400, $0x38;
	[tilespmem:$0x19000] =	vst v63  }
0x59e: {  	_ =	swait.ge [sflag:s7], $0x6400  }
0x59f: {  	[sflag:s7] =	ssyncset.done $0x0  }
0x5a0: {  	[sflag:s7] =	ssyncadd.s32 $0xFFFF9C00  }
0x5a1: {  	[tilespmem:s4], [sflag:$0x2] =	stream.linear.gather [hbm4b:s10+s2], $0x6400, $0x38;
	[tilespmem:$0x19000] =	vst v63  }
0x5a2: {  	_ =	swait.ge [sflag:s19], $0x6400  }
0x5a3: {  	[sflag:s19] =	ssyncset.done $0x0  }
0x5a4: {  	[sflag:s19] =	ssyncadd.s32 $0xFFFF9C00  }
0x5a5: {  	[hbm4b:s6+s2] =	stream.linear.scatter [tilespmem:s13], [sflag:$0x8], $0x6400, $0x38;
	[tilespmem:$0x19000] =	vst v63  }
0x5a6: {  	_ =	swait.ge [sflag:s11], $0x6400  }
0x5a7: {  	[sflag:s11] =	ssyncset.done $0x0  }
0x5a8: {  	[sflag:s11] =	ssyncadd.s32 $0xFFFF9C00  }
0x5a9: {  	[hbm4b:s5+s2] =	stream.linear.scatter [tilespmem:s2], [sflag:$0x5], $0x6400, $0x38;
	[tilespmem:$0x19000] =	vst v63  }
0x5aa: {  	_ =	swait.ge [sflag:s8], $0x6400  }
0x5ab: {  	[sflag:s8] =	ssyncset.done $0x0  }
0x5ac: {  	[sflag:s8] =	ssyncadd.s32 $0xFFFF9C00  }
0x5ad: {  	[hbm4b:s3+s2] =	stream.linear.scatter [tilespmem:s4], [sflag:$0x6], $0x6400, $0x38;
	[tilespmem:$0x19000] =	vst v63  }
0x5ae: {  	_ =	swait.ge [sflag:s9], $0x6400  }
0x5af: {  	[sflag:s9] =	ssyncset.done $0x0  }
0x5b0: {  	[sflag:s9] =	ssyncadd.s32 $0xFFFF9C00  }
0x5b1: {  	_ =	swait.ge [sflag:s7], $0x6400  }
0x5b2: {  	[sflag:s7] =	ssyncset.done $0x0  }
0x5b3: {  	[sflag:s7] =	ssyncadd.s32 $0xFFFF9C00  }
0x5b4: {  	_ =	sfence.sel $0x180000  }
0x5b5: {  	[bflag:$0x0] =	sbarrier.arrive $0xFFFF  }
0x5b6: {  	_ =	strace $0x90000047  }
0x5b7: {  	s31 =	stileid.u32;
	[bflag:$0x2] =	sbarrier.arrive $0xFFFF  }
0x5b8: {  	p0 =	sne.s32 s31, $0x0;
	s0 =	rddreg [dreg:$0x1]  }
0x5b9: {  	s0 =	sadd.s32 @!p0 $0x100000, s0  }
0x5ba: {  	[sflag:s0] =	ssyncadd.tile.s32 @!p0 $0x1;
	_ =	shalt  }
.Lfunc_end2:
_tile_overlayer_lowered:
.L_overlay_start_2:
0x5bb: {  	(tag) =	ssettag $0x2  }
0x5bc: {  	s0 =	rddreg [dreg:$0x0];
	s2 =	stileid.u32  }
0x5bd: {  	s1 =	rddreg [dreg:$0x1];
	p0 =	sne.s32 s2, $0x0  }
0x5be: {  	s3 =	rddreg [dreg:$0x2];
	[bflag:$0x3] =	sbarrier.arrive $0xFFFF;
	s2 =	simm.s32 @!p0 $0x1C09  }
0x5bf: {  	[timem:s3], [sflag:s2] =	dma.local @!p0 [hbm:s0], s1  }
0x5c0: {  	s0 =	simm.s32 @!p0 $0x9  }
0x5c1: {  	_ =	swait.ge @!p0 [sflag:s0], s1  }
0x5c2: {  	s1 =	ssub.s32 @!p0 $0x0, s1;
	[sflag:s0] =	ssyncset.done @!p0 $0x0  }
0x5c3: {  	[sflag:s0] =	ssyncadd.s32 @!p0 s1  }
0x5c4: {  	[bflag:$0x3] =	sbarrier.arrive $0xFFFF  }
0x5c5: {  	_ =	shalt  }

</sc_bundles>
